<compile_context>
chip_gen: v7x
topology: tpu7x:2x2x1
jax: 0.10.2.dev20260603
libtpu: 0.0.44.dev20260713+nightly
codegen_flags: <defaults>
</compile_context>

<pallas_src>
import jax
import jax.numpy as jnp
import numpy as np
from jax import lax
from jax.experimental import pallas as pl
from jax.experimental.pallas import tpu as pltpu
from jax.experimental.pallas import tpu_sc as plsc

_K = 8

_NC = 2
_NS = 16
_NW = _NC * _NS
_L = 16
_R = 16
_NB = 2

_LOG2P = (
    0.0008254628229340533, 1.415653190432736, -0.5687040530057521,
    0.15270028479752185,
)
_LN2 = 0.6931471805599453


def _vlog2(y):
    bits = lax.bitcast_convert_type(y, jnp.int32)
    e = (bits >> 23) - 127
    f = lax.bitcast_convert_type((bits & 0x007FFFFF) | 0x3F800000, jnp.float32)
    t = f - 1.0
    p = _LOG2P[-1] * t + _LOG2P[-2]
    for c in _LOG2P[-3::-1]:
        p = p * t + c
    return e.astype(jnp.float32) + p


def _mix_logprob(xv, mk, nk, ck):
    ls = [(xv - mk[k]) * (xv - mk[k]) * nk[k] + ck[k] for k in range(_K)]
    m0 = jnp.maximum(jnp.maximum(ls[0], ls[1]), jnp.maximum(ls[2], ls[3]))
    m1 = jnp.maximum(jnp.maximum(ls[4], ls[5]), jnp.maximum(ls[6], ls[7]))
    lmax = jnp.maximum(m0, m1)
    s = None
    for k in range(_K):
        e = jnp.exp(ls[k] - lmax)
        s = e if s is None else s + e
    return lmax, s


def _sc_body(coef_hbm, x_hbm, o_hbm, coef_v, buf, isem, osem):
    wid = lax.axis_index("s") * _NC + lax.axis_index("c")
    rows_per = x_hbm.shape[0] // _NW
    z = x_hbm.shape[1]
    nchunk = rows_per // _R
    base = wid * rows_per

    def in_cp(c):
        p = lax.bitwise_and(c, _NB - 1)
        return pltpu.make_async_copy(
            x_hbm.at[pl.ds(base + c * _R, _R)], buf.at[p], isem.at[p])

    def out_cp(c):
        p = lax.bitwise_and(c, _NB - 1)
        return pltpu.make_async_copy(
            buf.at[p], o_hbm.at[pl.ds(base + c * _R, _R)], osem.at[p])

    in_cp(0).start()
    pltpu.sync_copy(coef_hbm, coef_v)

    def chunk_body(c, carry):
        p = lax.bitwise_and(c, _NB - 1)

        in_cp(c).wait()

        def z_body(zb, c2):
            @pl.when(jnp.logical_and(zb == 16, c >= _NB - 1))
            def _():
                out_cp(c - (_NB - 1)).wait()

            @pl.when(jnp.logical_and(zb == 16, c + 1 < nchunk))
            def _():
                in_cp(c + 1).start()

            zsl = pl.ds(zb * _L, _L)
            mk = [coef_v[k, zsl] for k in range(_K)]
            nk = [coef_v[_K + k, zsl] for k in range(_K)]
            ck = [coef_v[2 * _K + k, zsl] for k in range(_K)]
            for r in range(_R):
                lmax, s = _mix_logprob(buf[p, r, zsl], mk, nk, ck)
                buf[p, r, zsl] = lmax + _vlog2(s) * _LN2
            return c2

        lax.fori_loop(0, z // _L, z_body, 0)
        out_cp(c).start()
        return carry

    lax.fori_loop(0, nchunk, chunk_body, 0)
    for c in range(nchunk - _NB + 1, nchunk):
        out_cp(jnp.int32(c)).wait()


def _sc_call(coef, x):
    b, z = x.shape
    mesh = plsc.VectorSubcoreMesh(core_axis_name="c", subcore_axis_name="s")
    return pl.kernel(
        _sc_body,
        mesh=mesh,
        out_type=jax.ShapeDtypeStruct((b, z), jnp.float32),
        scratch_types=[
            pltpu.VMEM((3 * _K, z), jnp.float32),
            pltpu.VMEM((_NB, _R, z), jnp.float32),
        ] + [pltpu.SemaphoreType.DMA((_NB,)), pltpu.SemaphoreType.DMA((_NB,))],
    )(coef, x)


@jax.jit
def kernel(x, mean_list, scale_list, weight_logits):
    scale = jax.nn.softplus(scale_list)
    ninv = -0.5 / (scale * scale)
    log_w = jax.nn.log_softmax(weight_logits, axis=-1)
    cns = -jnp.log(scale) - 0.5 * np.log(2.0 * np.pi) + log_w[:, None, :]
    coef = jnp.concatenate(
        [mean_list[0].T, ninv[0].T, cns[0].T], axis=0)
    return _sc_call(coef, x)

# --- scband reference (transcript-rebuilt; emitter-appended) ---
"""Pipeline reference for scband-mixture-gaussian-reparam-13134009991726 (READ-ONLY COPY).

The authoritative reference and input builder live on the scoring server;
editing this copy changes nothing except your own understanding.
"""

import jax, jax.numpy as jnp
import numpy as np
from jax.scipy.special import logsumexp

B = 4096
Z = 2048
K = 8
MEAN_SCALE = 0.1
SCALE_SCALE = 0.1


def setup_inputs(seed: int = 0) -> dict:
    key = jax.random.key(seed)
    k1, k2, k3 = jax.random.split(key, 3)
    x = jax.random.normal(k1, (B, Z), dtype=jnp.float32)
    # parameters initialized as in the torch module (is_reparam=False branch)
    mean_list = (jax.random.uniform(k2, (1, Z, K), dtype=jnp.float32) - 0.5) * MEAN_SCALE
    scale_list = jnp.log(jnp.exp((jax.random.uniform(k3, (1, Z, K), dtype=jnp.float32) * 0.2 + 0.9) * SCALE_SCALE) - 1.0)
    weight_logits = jnp.zeros((1, K), dtype=jnp.float32)
    return {"x": x, "mean_list": mean_list, "scale_list": scale_list, "weight_logits": weight_logits}


def reference(x, mean_list, scale_list, weight_logits):
    # log_prob of the input under the mixture of diagonal Gaussians
    inp = x[..., None]  # [B, Z, 1]
    scale = jax.nn.softplus(scale_list)  # beta=1 softplus, [1, Z, K]
    logits = -(inp - mean_list) ** 2 / 2.0 / (scale ** 2) - jnp.log(scale * np.sqrt(2.0 * np.pi))
    log_w = jax.nn.log_softmax(weight_logits, axis=-1)[:, None, :]  # [1, 1, K]
    log_prob = logsumexp(logits + log_w, axis=-1)  # [B, Z]
    return log_prob

if __name__ == "__main__":
    import jax
    _d = setup_inputs()
    print(jax.jit(kernel)(*tuple(_d.values())))

</pallas_src>

<mosaic_0001>
#map = affine_map<(d0, d1) -> (0, 0)>
module attributes {stable_mosaic.version = 14 : i64} {
  func.func @_sc_body(%arg0: i32, %arg1: i32, %arg2: memref<24x2048xf32, #tpu.memory_space<hbm>>, %arg3: memref<4096x2048xf32, #tpu.memory_space<hbm>>, %arg4: memref<4096x2048xf32, #tpu.memory_space<hbm>>, %arg5: memref<24x2048xf32, #tpu.memory_space<vmem>>, %arg6: memref<2x16x2048xf32, #tpu.memory_space<vmem>>, %arg7: memref<2x!tpu.dma_semaphore, #tpu.memory_space<semaphore_mem>>, %arg8: memref<2x!tpu.dma_semaphore, #tpu.memory_space<semaphore_mem>>) attributes {dimension_semantics = [#tpu.dimension_semantics<core_parallel>, #tpu.dimension_semantics<subcore_parallel>], iteration_bounds = array<i64: 2, 16>, scalar_prefetch = 0 : i64, scratch_operands = 4 : i64, tpu.core_type = #tpu.core_type<sc_vector_subcore>, window_params = [{transform_indices = #map}, {transform_indices = #map}, {transform_indices = #map}]} {
    %mul3A = arith.constant 2 : i32
    %mul3A_0 = arith.muli %arg1, %mul3A : i32
    %add3A = arith.addi %mul3A_0, %arg0 : i32
    %mul3A_1 = arith.constant 128 : i32
    %mul3A_2 = arith.muli %add3A, %mul3A_1 : i32
    %and3A = arith.constant 0 : i32
    %and3A_3 = arith.constant 1 : i32
    %and3A_4 = arith.andi %and3A, %and3A_3 : i32
    %add3A_5 = arith.constant 0 : i32
    %add3A_6 = arith.addi %mul3A_2, %add3A_5 : i32
    %dma_start3A = arith.constant 0 : i32
    %dma_start3A_7 = arith.constant 0 : i32
    %dma_start3A_8 = tpu.memref_slice %arg6[%and3A_4, %dma_start3A, %dma_start3A_7] : memref<2x16x2048xf32, #tpu.memory_space<vmem>> -> memref<1x16x2048xf32, #tpu.memory_space<vmem>>
    %dma_start3A_9 = tpu.memref_squeeze %dma_start3A_8 : memref<1x16x2048xf32, #tpu.memory_space<vmem>> -> memref<16x2048xf32, #tpu.memory_space<vmem>>
    %dma_start3A_10 = arith.constant 0 : i32
    %dma_start3A_11 = tpu.memref_slice %arg3[%add3A_6, %dma_start3A_10] : memref<4096x2048xf32, #tpu.memory_space<hbm>> -> memref<16x2048xf32, #tpu.memory_space<hbm>>
    %dma_start3A_12 = tpu.memref_slice %arg7[%and3A_4] : memref<2x!tpu.dma_semaphore, #tpu.memory_space<semaphore_mem>> -> memref<1x!tpu.dma_semaphore, #tpu.memory_space<semaphore_mem>>
    %dma_start3A_13 = tpu.memref_squeeze %dma_start3A_12 : memref<1x!tpu.dma_semaphore, #tpu.memory_space<semaphore_mem>> -> memref<!tpu.dma_semaphore, #tpu.memory_space<semaphore_mem>>
    %dma_start3A_14 = arith.constant 0 : i32
    %dma_start3A_15 = arith.constant 0 : i32
    %dma_start3A_16 = tpu.memref_slice %arg6[%and3A_4, %dma_start3A_14, %dma_start3A_15] : memref<2x16x2048xf32, #tpu.memory_space<vmem>> -> memref<1x16x2048xf32, #tpu.memory_space<vmem>>
    %dma_start3A_17 = tpu.memref_squeeze %dma_start3A_16 : memref<1x16x2048xf32, #tpu.memory_space<vmem>> -> memref<16x2048xf32, #tpu.memory_space<vmem>>
    %dma_start3A_18 = arith.constant 0 : i32
    %dma_start3A_19 = tpu.memref_slice %arg3[%add3A_6, %dma_start3A_18] : memref<4096x2048xf32, #tpu.memory_space<hbm>> -> memref<16x2048xf32, #tpu.memory_space<hbm>>
    tpu.enqueue_dma source(%dma_start3A_19 : memref<16x2048xf32, #tpu.memory_space<hbm>>) target(%dma_start3A_17 : memref<16x2048xf32, #tpu.memory_space<vmem>>) target_semaphore(%dma_start3A_13 : memref<!tpu.dma_semaphore, #tpu.memory_space<semaphore_mem>>)
    "tpu.region"() ({
      %run_scoped3A = tpu.sem_alloc : memref<!tpu.dma_semaphore, #tpu.memory_space<semaphore_mem>>
      tpu.enqueue_dma source(%arg2 : memref<24x2048xf32, #tpu.memory_space<hbm>>) target(%arg5 : memref<24x2048xf32, #tpu.memory_space<vmem>>) target_semaphore(%run_scoped3A : memref<!tpu.dma_semaphore, #tpu.memory_space<semaphore_mem>>)
      tpu.wait_dma2 semaphore(%run_scoped3A : memref<!tpu.dma_semaphore, #tpu.memory_space<semaphore_mem>>) src(%arg2 : memref<24x2048xf32, #tpu.memory_space<hbm>>) dst(%arg5 : memref<24x2048xf32, #tpu.memory_space<vmem>>)
      tpu.yield
    }) : () -> ()
    %scan3A = arith.constant 0 : i32
    %scan3A_20 = arith.constant 0 : i32
    %scan3A_21 = arith.constant 8 : i32
    %scan3A_22 = arith.addi %scan3A_20, %scan3A_21 : i32
    %scan3A_23 = arith.constant 1 : i32
    scf.for %scan3A_45 = %scan3A_20 to %scan3A_22 step %scan3A_23  : i32 {
      %and3A_46 = arith.constant 1 : i32
      %and3A_47 = arith.andi %scan3A_45, %and3A_46 : i32
      %and3A_48 = arith.constant 1 : i32
      %and3A_49 = arith.andi %scan3A_45, %and3A_48 : i32
      %mul3A_50 = arith.constant 16 : i32
      %mul3A_51 = arith.muli %scan3A_45, %mul3A_50 : i32
      %add3A_52 = arith.addi %mul3A_2, %mul3A_51 : i32
      %dma_wait3A_53 = arith.constant 0 : i32
      %dma_wait3A_54 = arith.constant 0 : i32
      %dma_wait3A_55 = tpu.memref_slice %arg6[%and3A_49, %dma_wait3A_53, %dma_wait3A_54] : memref<2x16x2048xf32, #tpu.memory_space<vmem>> -> memref<1x16x2048xf32, #tpu.memory_space<vmem>>
      %dma_wait3A_56 = tpu.memref_squeeze %dma_wait3A_55 : memref<1x16x2048xf32, #tpu.memory_space<vmem>> -> memref<16x2048xf32, #tpu.memory_space<vmem>>
      %dma_wait3A_57 = arith.constant 0 : i32
      %dma_wait3A_58 = tpu.memref_slice %arg3[%add3A_52, %dma_wait3A_57] : memref<4096x2048xf32, #tpu.memory_space<hbm>> -> memref<16x2048xf32, #tpu.memory_space<hbm>>
      %dma_wait3A_59 = tpu.memref_slice %arg7[%and3A_49] : memref<2x!tpu.dma_semaphore, #tpu.memory_space<semaphore_mem>> -> memref<1x!tpu.dma_semaphore, #tpu.memory_space<semaphore_mem>>
      %dma_wait3A_60 = tpu.memref_squeeze %dma_wait3A_59 : memref<1x!tpu.dma_semaphore, #tpu.memory_space<semaphore_mem>> -> memref<!tpu.dma_semaphore, #tpu.memory_space<semaphore_mem>>
      %dma_wait3A_61 = arith.constant 0 : i32
      %dma_wait3A_62 = arith.constant 0 : i32
      %dma_wait3A_63 = tpu.memref_slice %arg6[%and3A_49, %dma_wait3A_61, %dma_wait3A_62] : memref<2x16x2048xf32, #tpu.memory_space<vmem>> -> memref<1x16x2048xf32, #tpu.memory_space<vmem>>
      %dma_wait3A_64 = tpu.memref_squeeze %dma_wait3A_63 : memref<1x16x2048xf32, #tpu.memory_space<vmem>> -> memref<16x2048xf32, #tpu.memory_space<vmem>>
      %dma_wait3A_65 = arith.constant 0 : i32
      %dma_wait3A_66 = tpu.memref_slice %arg3[%add3A_52, %dma_wait3A_65] : memref<4096x2048xf32, #tpu.memory_space<hbm>> -> memref<16x2048xf32, #tpu.memory_space<hbm>>
      tpu.wait_dma2 semaphore(%dma_wait3A_60 : memref<!tpu.dma_semaphore, #tpu.memory_space<semaphore_mem>>) src(%dma_wait3A_66 : memref<16x2048xf32, #tpu.memory_space<hbm>>) dst(%dma_wait3A_64 : memref<16x2048xf32, #tpu.memory_space<vmem>>)
      %scan3A_67 = arith.constant 0 : i32
      %scan3A_68 = arith.constant 0 : i32
      %scan3A_69 = arith.constant 128 : i32
      %scan3A_70 = arith.addi %scan3A_68, %scan3A_69 : i32
      %scan3A_71 = arith.constant 1 : i32
      scf.for %scan3A_92 = %scan3A_68 to %scan3A_70 step %scan3A_71  : i32 {
        %eq3A = arith.constant 16 : i32
        %eq3A_93 = arith.cmpi eq, %scan3A_92, %eq3A : i32
        %ge3A = arith.constant 1 : i32
        %ge3A_94 = arith.cmpi sge, %scan3A_45, %ge3A : i32
        %and3A_95 = arith.andi %eq3A_93, %ge3A_94 : i1
        %convert_element_type3A = arith.extui %and3A_95 : i1 to i32
        %cond3A = arith.constant 0 : i32
        %cond3A_96 = arith.cmpi ne, %convert_element_type3A, %cond3A : i32
        scf.if %cond3A_96 {
          %sub3A_2140 = arith.constant 1 : i32
          %sub3A_2141 = arith.subi %scan3A_45, %sub3A_2140 : i32
          %and3A_2142 = arith.constant 1 : i32
          %and3A_2143 = arith.andi %sub3A_2141, %and3A_2142 : i32
          %mul3A_2144 = arith.constant 16 : i32
          %mul3A_2145 = arith.muli %sub3A_2141, %mul3A_2144 : i32
          %add3A_2146 = arith.addi %mul3A_2, %mul3A_2145 : i32
          %dma_wait3A_2147 = arith.constant 0 : i32
          %dma_wait3A_2148 = arith.constant 0 : i32
          %dma_wait3A_2149 = tpu.memref_slice %arg6[%and3A_2143, %dma_wait3A_2147, %dma_wait3A_2148] : memref<2x16x2048xf32, #tpu.memory_space<vmem>> -> memref<1x16x2048xf32, #tpu.memory_space<vmem>>
          %dma_wait3A_2150 = tpu.memref_squeeze %dma_wait3A_2149 : memref<1x16x2048xf32, #tpu.memory_space<vmem>> -> memref<16x2048xf32, #tpu.memory_space<vmem>>
          %dma_wait3A_2151 = arith.constant 0 : i32
          %dma_wait3A_2152 = tpu.memref_slice %arg4[%add3A_2146, %dma_wait3A_2151] : memref<4096x2048xf32, #tpu.memory_space<hbm>> -> memref<16x2048xf32, #tpu.memory_space<hbm>>
          %dma_wait3A_2153 = tpu.memref_slice %arg8[%and3A_2143] : memref<2x!tpu.dma_semaphore, #tpu.memory_space<semaphore_mem>> -> memref<1x!tpu.dma_semaphore, #tpu.memory_space<semaphore_mem>>
          %dma_wait3A_2154 = tpu.memref_squeeze %dma_wait3A_2153 : memref<1x!tpu.dma_semaphore, #tpu.memory_space<semaphore_mem>> -> memref<!tpu.dma_semaphore, #tpu.memory_space<semaphore_mem>>
          %dma_wait3A_2155 = arith.constant 0 : i32
          %dma_wait3A_2156 = tpu.memref_slice %arg4[%add3A_2146, %dma_wait3A_2155] : memref<4096x2048xf32, #tpu.memory_space<hbm>> -> memref<16x2048xf32, #tpu.memory_space<hbm>>
          %dma_wait3A_2157 = arith.constant 0 : i32
          %dma_wait3A_2158 = arith.constant 0 : i32
          %dma_wait3A_2159 = tpu.memref_slice %arg6[%and3A_2143, %dma_wait3A_2157, %dma_wait3A_2158] : memref<2x16x2048xf32, #tpu.memory_space<vmem>> -> memref<1x16x2048xf32, #tpu.memory_space<vmem>>
          %dma_wait3A_2160 = tpu.memref_squeeze %dma_wait3A_2159 : memref<1x16x2048xf32, #tpu.memory_space<vmem>> -> memref<16x2048xf32, #tpu.memory_space<vmem>>
          tpu.wait_dma2 semaphore(%dma_wait3A_2154 : memref<!tpu.dma_semaphore, #tpu.memory_space<semaphore_mem>>) src(%dma_wait3A_2160 : memref<16x2048xf32, #tpu.memory_space<vmem>>) dst(%dma_wait3A_2156 : memref<16x2048xf32, #tpu.memory_space<hbm>>)
        } else {
        }
        %eq3A_97 = arith.constant 16 : i32
        %eq3A_98 = arith.cmpi eq, %scan3A_92, %eq3A_97 : i32
        %add3A_99 = arith.constant 1 : i32
        %add3A_100 = arith.addi %scan3A_45, %add3A_99 : i32
        %lt3A = arith.constant 8 : i32
        %lt3A_101 = arith.cmpi slt, %add3A_100, %lt3A : i32
        %and3A_102 = arith.andi %eq3A_98, %lt3A_101 : i1
        %convert_element_type3A_103 = arith.extui %and3A_102 : i1 to i32
        %cond3A_104 = arith.constant 0 : i32
        %cond3A_105 = arith.cmpi ne, %convert_element_type3A_103, %cond3A_104 : i32
        scf.if %cond3A_105 {
          %add3A_2140 = arith.constant 1 : i32
          %add3A_2141 = arith.addi %scan3A_45, %add3A_2140 : i32
          %and3A_2142 = arith.constant 1 : i32
          %and3A_2143 = arith.andi %add3A_2141, %and3A_2142 : i32
          %mul3A_2144 = arith.constant 16 : i32
          %mul3A_2145 = arith.muli %add3A_2141, %mul3A_2144 : i32
          %add3A_2146 = arith.addi %mul3A_2, %mul3A_2145 : i32
          %dma_start3A_2147 = arith.constant 0 : i32
          %dma_start3A_2148 = arith.constant 0 : i32
          %dma_start3A_2149 = tpu.memref_slice %arg6[%and3A_2143, %dma_start3A_2147, %dma_start3A_2148] : memref<2x16x2048xf32, #tpu.memory_space<vmem>> -> memref<1x16x2048xf32, #tpu.memory_space<vmem>>
          %dma_start3A_2150 = tpu.memref_squeeze %dma_start3A_2149 : memref<1x16x2048xf32, #tpu.memory_space<vmem>> -> memref<16x2048xf32, #tpu.memory_space<vmem>>
          %dma_start3A_2151 = arith.constant 0 : i32
          %dma_start3A_2152 = tpu.memref_slice %arg3[%add3A_2146, %dma_start3A_2151] : memref<4096x2048xf32, #tpu.memory_space<hbm>> -> memref<16x2048xf32, #tpu.memory_space<hbm>>
          %dma_start3A_2153 = tpu.memref_slice %arg7[%and3A_2143] : memref<2x!tpu.dma_semaphore, #tpu.memory_space<semaphore_mem>> -> memref<1x!tpu.dma_semaphore, #tpu.memory_space<semaphore_mem>>
          %dma_start3A_2154 = tpu.memref_squeeze %dma_start3A_2153 : memref<1x!tpu.dma_semaphore, #tpu.memory_space<semaphore_mem>> -> memref<!tpu.dma_semaphore, #tpu.memory_space<semaphore_mem>>
          %dma_start3A_2155 = arith.constant 0 : i32
          %dma_start3A_2156 = arith.constant 0 : i32
          %dma_start3A_2157 = tpu.memref_slice %arg6[%and3A_2143, %dma_start3A_2155, %dma_start3A_2156] : memref<2x16x2048xf32, #tpu.memory_space<vmem>> -> memref<1x16x2048xf32, #tpu.memory_space<vmem>>
          %dma_start3A_2158 = tpu.memref_squeeze %dma_start3A_2157 : memref<1x16x2048xf32, #tpu.memory_space<vmem>> -> memref<16x2048xf32, #tpu.memory_space<vmem>>
          %dma_start3A_2159 = arith.constant 0 : i32
          %dma_start3A_2160 = tpu.memref_slice %arg3[%add3A_2146, %dma_start3A_2159] : memref<4096x2048xf32, #tpu.memory_space<hbm>> -> memref<16x2048xf32, #tpu.memory_space<hbm>>
          tpu.enqueue_dma source(%dma_start3A_2160 : memref<16x2048xf32, #tpu.memory_space<hbm>>) target(%dma_start3A_2158 : memref<16x2048xf32, #tpu.memory_space<vmem>>) target_semaphore(%dma_start3A_2154 : memref<!tpu.dma_semaphore, #tpu.memory_space<semaphore_mem>>)
        } else {
        }
        %mul3A_106 = arith.constant 16 : i32
        %mul3A_107 = arith.muli %scan3A_92, %mul3A_106 : i32
        %get3A = arith.constant 0 : i32
        %get3A_108 = arith.index_cast %get3A : i32 to index
        %get3A_109 = arith.index_cast %mul3A_107 : i32 to index
        %get3A_110 = tpu.vector_load %arg5[%get3A_108, %get3A_109] {strides = array<i32>} : memref<24x2048xf32, #tpu.memory_space<vmem>>, vector<1x16xf32>,
        %get3A_111 = vector.shape_cast %get3A_110 : vector<1x16xf32> to vector<16xf32>
        %get3A_112 = arith.constant 1 : i32
        %get3A_113 = arith.index_cast %get3A_112 : i32 to index
        %get3A_114 = arith.index_cast %mul3A_107 : i32 to index
        %get3A_115 = tpu.vector_load %arg5[%get3A_113, %get3A_114] {strides = array<i32>} : memref<24x2048xf32, #tpu.memory_space<vmem>>, vector<1x16xf32>,
        %get3A_116 = vector.shape_cast %get3A_115 : vector<1x16xf32> to vector<16xf32>
        %get3A_117 = arith.constant 2 : i32
        %get3A_118 = arith.index_cast %get3A_117 : i32 to index
        %get3A_119 = arith.index_cast %mul3A_107 : i32 to index
        %get3A_120 = tpu.vector_load %arg5[%get3A_118, %get3A_119] {strides = array<i32>} : memref<24x2048xf32, #tpu.memory_space<vmem>>, vector<1x16xf32>,
        %get3A_121 = vector.shape_cast %get3A_120 : vector<1x16xf32> to vector<16xf32>
        %get3A_122 = arith.constant 3 : i32
        %get3A_123 = arith.index_cast %get3A_122 : i32 to index
        %get3A_124 = arith.index_cast %mul3A_107 : i32 to index
        %get3A_125 = tpu.vector_load %arg5[%get3A_123, %get3A_124] {strides = array<i32>} : memref<24x2048xf32, #tpu.memory_space<vmem>>, vector<1x16xf32>,
        %get3A_126 = vector.shape_cast %get3A_125 : vector<1x16xf32> to vector<16xf32>
        %get3A_127 = arith.constant 4 : i32
        %get3A_128 = arith.index_cast %get3A_127 : i32 to index
        %get3A_129 = arith.index_cast %mul3A_107 : i32 to index
        %get3A_130 = tpu.vector_load %arg5[%get3A_128, %get3A_129] {strides = array<i32>} : memref<24x2048xf32, #tpu.memory_space<vmem>>, vector<1x16xf32>,
        %get3A_131 = vector.shape_cast %get3A_130 : vector<1x16xf32> to vector<16xf32>
        %get3A_132 = arith.constant 5 : i32
        %get3A_133 = arith.index_cast %get3A_132 : i32 to index
        %get3A_134 = arith.index_cast %mul3A_107 : i32 to index
        %get3A_135 = tpu.vector_load %arg5[%get3A_133, %get3A_134] {strides = array<i32>} : memref<24x2048xf32, #tpu.memory_space<vmem>>, vector<1x16xf32>,
        %get3A_136 = vector.shape_cast %get3A_135 : vector<1x16xf32> to vector<16xf32>
        %get3A_137 = arith.constant 6 : i32
        %get3A_138 = arith.index_cast %get3A_137 : i32 to index
        %get3A_139 = arith.index_cast %mul3A_107 : i32 to index
        %get3A_140 = tpu.vector_load %arg5[%get3A_138, %get3A_139] {strides = array<i32>} : memref<24x2048xf32, #tpu.memory_space<vmem>>, vector<1x16xf32>,
        %get3A_141 = vector.shape_cast %get3A_140 : vector<1x16xf32> to vector<16xf32>
        %get3A_142 = arith.constant 7 : i32
        %get3A_143 = arith.index_cast %get3A_142 : i32 to index
        %get3A_144 = arith.index_cast %mul3A_107 : i32 to index
        %get3A_145 = tpu.vector_load %arg5[%get3A_143, %get3A_144] {strides = array<i32>} : memref<24x2048xf32, #tpu.memory_space<vmem>>, vector<1x16xf32>,
        %get3A_146 = vector.shape_cast %get3A_145 : vector<1x16xf32> to vector<16xf32>
        %get3A_147 = arith.constant 8 : i32
        %get3A_148 = arith.index_cast %get3A_147 : i32 to index
        %get3A_149 = arith.index_cast %mul3A_107 : i32 to index
        %get3A_150 = tpu.vector_load %arg5[%get3A_148, %get3A_149] {strides = array<i32>} : memref<24x2048xf32, #tpu.memory_space<vmem>>, vector<1x16xf32>,
        %get3A_151 = vector.shape_cast %get3A_150 : vector<1x16xf32> to vector<16xf32>
        %get3A_152 = arith.constant 9 : i32
        %get3A_153 = arith.index_cast %get3A_152 : i32 to index
        %get3A_154 = arith.index_cast %mul3A_107 : i32 to index
        %get3A_155 = tpu.vector_load %arg5[%get3A_153, %get3A_154] {strides = array<i32>} : memref<24x2048xf32, #tpu.memory_space<vmem>>, vector<1x16xf32>,
        %get3A_156 = vector.shape_cast %get3A_155 : vector<1x16xf32> to vector<16xf32>
        %get3A_157 = arith.constant 10 : i32
        %get3A_158 = arith.index_cast %get3A_157 : i32 to index
        %get3A_159 = arith.index_cast %mul3A_107 : i32 to index
        %get3A_160 = tpu.vector_load %arg5[%get3A_158, %get3A_159] {strides = array<i32>} : memref<24x2048xf32, #tpu.memory_space<vmem>>, vector<1x16xf32>,
        %get3A_161 = vector.shape_cast %get3A_160 : vector<1x16xf32> to vector<16xf32>
        %get3A_162 = arith.constant 11 : i32
        %get3A_163 = arith.index_cast %get3A_162 : i32 to index
        %get3A_164 = arith.index_cast %mul3A_107 : i32 to index
        %get3A_165 = tpu.vector_load %arg5[%get3A_163, %get3A_164] {strides = array<i32>} : memref<24x2048xf32, #tpu.memory_space<vmem>>, vector<1x16xf32>,
        %get3A_166 = vector.shape_cast %get3A_165 : vector<1x16xf32> to vector<16xf32>
        %get3A_167 = arith.constant 12 : i32
        %get3A_168 = arith.index_cast %get3A_167 : i32 to index
        %get3A_169 = arith.index_cast %mul3A_107 : i32 to index
        %get3A_170 = tpu.vector_load %arg5[%get3A_168, %get3A_169] {strides = array<i32>} : memref<24x2048xf32, #tpu.memory_space<vmem>>, vector<1x16xf32>,
        %get3A_171 = vector.shape_cast %get3A_170 : vector<1x16xf32> to vector<16xf32>
        %get3A_172 = arith.constant 13 : i32
        %get3A_173 = arith.index_cast %get3A_172 : i32 to index
        %get3A_174 = arith.index_cast %mul3A_107 : i32 to index
        %get3A_175 = tpu.vector_load %arg5[%get3A_173, %get3A_174] {strides = array<i32>} : memref<24x2048xf32, #tpu.memory_space<vmem>>, vector<1x16xf32>,
        %get3A_176 = vector.shape_cast %get3A_175 : vector<1x16xf32> to vector<16xf32>
        %get3A_177 = arith.constant 14 : i32
        %get3A_178 = arith.index_cast %get3A_177 : i32 to index
        %get3A_179 = arith.index_cast %mul3A_107 : i32 to index
        %get3A_180 = tpu.vector_load %arg5[%get3A_178, %get3A_179] {strides = array<i32>} : memref<24x2048xf32, #tpu.memory_space<vmem>>, vector<1x16xf32>,
        %get3A_181 = vector.shape_cast %get3A_180 : vector<1x16xf32> to vector<16xf32>
        %get3A_182 = arith.constant 15 : i32
        %get3A_183 = arith.index_cast %get3A_182 : i32 to index
        %get3A_184 = arith.index_cast %mul3A_107 : i32 to index
        %get3A_185 = tpu.vector_load %arg5[%get3A_183, %get3A_184] {strides = array<i32>} : memref<24x2048xf32, #tpu.memory_space<vmem>>, vector<1x16xf32>,
        %get3A_186 = vector.shape_cast %get3A_185 : vector<1x16xf32> to vector<16xf32>
        %get3A_187 = arith.constant 16 : i32
        %get3A_188 = arith.index_cast %get3A_187 : i32 to index
        %get3A_189 = arith.index_cast %mul3A_107 : i32 to index
        %get3A_190 = tpu.vector_load %arg5[%get3A_188, %get3A_189] {strides = array<i32>} : memref<24x2048xf32, #tpu.memory_space<vmem>>, vector<1x16xf32>,
        %get3A_191 = vector.shape_cast %get3A_190 : vector<1x16xf32> to vector<16xf32>
        %get3A_192 = arith.constant 17 : i32
        %get3A_193 = arith.index_cast %get3A_192 : i32 to index
        %get3A_194 = arith.index_cast %mul3A_107 : i32 to index
        %get3A_195 = tpu.vector_load %arg5[%get3A_193, %get3A_194] {strides = array<i32>} : memref<24x2048xf32, #tpu.memory_space<vmem>>, vector<1x16xf32>,
        %get3A_196 = vector.shape_cast %get3A_195 : vector<1x16xf32> to vector<16xf32>
        %get3A_197 = arith.constant 18 : i32
        %get3A_198 = arith.index_cast %get3A_197 : i32 to index
        %get3A_199 = arith.index_cast %mul3A_107 : i32 to index
        %get3A_200 = tpu.vector_load %arg5[%get3A_198, %get3A_199] {strides = array<i32>} : memref<24x2048xf32, #tpu.memory_space<vmem>>, vector<1x16xf32>,
        %get3A_201 = vector.shape_cast %get3A_200 : vector<1x16xf32> to vector<16xf32>
        %get3A_202 = arith.constant 19 : i32
        %get3A_203 = arith.index_cast %get3A_202 : i32 to index
        %get3A_204 = arith.index_cast %mul3A_107 : i32 to index
        %get3A_205 = tpu.vector_load %arg5[%get3A_203, %get3A_204] {strides = array<i32>} : memref<24x2048xf32, #tpu.memory_space<vmem>>, vector<1x16xf32>,
        %get3A_206 = vector.shape_cast %get3A_205 : vector<1x16xf32> to vector<16xf32>
        %get3A_207 = arith.constant 20 : i32
        %get3A_208 = arith.index_cast %get3A_207 : i32 to index
        %get3A_209 = arith.index_cast %mul3A_107 : i32 to index
        %get3A_210 = tpu.vector_load %arg5[%get3A_208, %get3A_209] {strides = array<i32>} : memref<24x2048xf32, #tpu.memory_space<vmem>>, vector<1x16xf32>,
        %get3A_211 = vector.shape_cast %get3A_210 : vector<1x16xf32> to vector<16xf32>
        %get3A_212 = arith.constant 21 : i32
        %get3A_213 = arith.index_cast %get3A_212 : i32 to index
        %get3A_214 = arith.index_cast %mul3A_107 : i32 to index
        %get3A_215 = tpu.vector_load %arg5[%get3A_213, %get3A_214] {strides = array<i32>} : memref<24x2048xf32, #tpu.memory_space<vmem>>, vector<1x16xf32>,
        %get3A_216 = vector.shape_cast %get3A_215 : vector<1x16xf32> to vector<16xf32>
        %get3A_217 = arith.constant 22 : i32
        %get3A_218 = arith.index_cast %get3A_217 : i32 to index
        %get3A_219 = arith.index_cast %mul3A_107 : i32 to index
        %get3A_220 = tpu.vector_load %arg5[%get3A_218, %get3A_219] {strides = array<i32>} : memref<24x2048xf32, #tpu.memory_space<vmem>>, vector<1x16xf32>,
        %get3A_221 = vector.shape_cast %get3A_220 : vector<1x16xf32> to vector<16xf32>
        %get3A_222 = arith.constant 23 : i32
        %get3A_223 = arith.index_cast %get3A_222 : i32 to index
        %get3A_224 = arith.index_cast %mul3A_107 : i32 to index
        %get3A_225 = tpu.vector_load %arg5[%get3A_223, %get3A_224] {strides = array<i32>} : memref<24x2048xf32, #tpu.memory_space<vmem>>, vector<1x16xf32>,
        %get3A_226 = vector.shape_cast %get3A_225 : vector<1x16xf32> to vector<16xf32>
        %get3A_227 = arith.constant 0 : i32
        %get3A_228 = arith.index_cast %and3A_47 : i32 to index
        %get3A_229 = arith.index_cast %get3A_227 : i32 to index
        %get3A_230 = arith.index_cast %mul3A_107 : i32 to index
        %get3A_231 = tpu.vector_load %arg6[%get3A_228, %get3A_229, %get3A_230] {strides = array<i32>} : memref<2x16x2048xf32, #tpu.memory_space<vmem>>, vector<1x1x16xf32>,
        %get3A_232 = vector.shape_cast %get3A_231 : vector<1x1x16xf32> to vector<16xf32>
        %sub3A = arith.subf %get3A_232, %get3A_111 : vector<16xf32>
        %sub3A_233 = arith.subf %get3A_232, %get3A_111 : vector<16xf32>
        %mul3A_234 = arith.mulf %sub3A, %sub3A_233 : vector<16xf32>
        %mul3A_235 = arith.mulf %mul3A_234, %get3A_151 : vector<16xf32>
        %add3A_236 = arith.addf %mul3A_235, %get3A_191 : vector<16xf32>
        %sub3A_237 = arith.subf %get3A_232, %get3A_116 : vector<16xf32>
        %sub3A_238 = arith.subf %get3A_232, %get3A_116 : vector<16xf32>
        %mul3A_239 = arith.mulf %sub3A_237, %sub3A_238 : vector<16xf32>
        %mul3A_240 = arith.mulf %mul3A_239, %get3A_156 : vector<16xf32>
        %add3A_241 = arith.addf %mul3A_240, %get3A_196 : vector<16xf32>
        %sub3A_242 = arith.subf %get3A_232, %get3A_121 : vector<16xf32>
        %sub3A_243 = arith.subf %get3A_232, %get3A_121 : vector<16xf32>
        %mul3A_244 = arith.mulf %sub3A_242, %sub3A_243 : vector<16xf32>
        %mul3A_245 = arith.mulf %mul3A_244, %get3A_161 : vector<16xf32>
        %add3A_246 = arith.addf %mul3A_245, %get3A_201 : vector<16xf32>
        %sub3A_247 = arith.subf %get3A_232, %get3A_126 : vector<16xf32>
        %sub3A_248 = arith.subf %get3A_232, %get3A_126 : vector<16xf32>
        %mul3A_249 = arith.mulf %sub3A_247, %sub3A_248 : vector<16xf32>
        %mul3A_250 = arith.mulf %mul3A_249, %get3A_166 : vector<16xf32>
        %add3A_251 = arith.addf %mul3A_250, %get3A_206 : vector<16xf32>
        %sub3A_252 = arith.subf %get3A_232, %get3A_131 : vector<16xf32>
        %sub3A_253 = arith.subf %get3A_232, %get3A_131 : vector<16xf32>
        %mul3A_254 = arith.mulf %sub3A_252, %sub3A_253 : vector<16xf32>
        %mul3A_255 = arith.mulf %mul3A_254, %get3A_171 : vector<16xf32>
        %add3A_256 = arith.addf %mul3A_255, %get3A_211 : vector<16xf32>
        %sub3A_257 = arith.subf %get3A_232, %get3A_136 : vector<16xf32>
        %sub3A_258 = arith.subf %get3A_232, %get3A_136 : vector<16xf32>
        %mul3A_259 = arith.mulf %sub3A_257, %sub3A_258 : vector<16xf32>
        %mul3A_260 = arith.mulf %mul3A_259, %get3A_176 : vector<16xf32>
        %add3A_261 = arith.addf %mul3A_260, %get3A_216 : vector<16xf32>
        %sub3A_262 = arith.subf %get3A_232, %get3A_141 : vector<16xf32>
        %sub3A_263 = arith.subf %get3A_232, %get3A_141 : vector<16xf32>
        %mul3A_264 = arith.mulf %sub3A_262, %sub3A_263 : vector<16xf32>
        %mul3A_265 = arith.mulf %mul3A_264, %get3A_181 : vector<16xf32>
        %add3A_266 = arith.addf %mul3A_265, %get3A_221 : vector<16xf32>
        %sub3A_267 = arith.subf %get3A_232, %get3A_146 : vector<16xf32>
        %sub3A_268 = arith.subf %get3A_232, %get3A_146 : vector<16xf32>
        %mul3A_269 = arith.mulf %sub3A_267, %sub3A_268 : vector<16xf32>
        %mul3A_270 = arith.mulf %mul3A_269, %get3A_186 : vector<16xf32>
        %add3A_271 = arith.addf %mul3A_270, %get3A_226 : vector<16xf32>
        %max3A = arith.maximumf %add3A_236, %add3A_241 : vector<16xf32>
        %max3A_272 = arith.maximumf %add3A_246, %add3A_251 : vector<16xf32>
        %max3A_273 = arith.maximumf %max3A, %max3A_272 : vector<16xf32>
        %max3A_274 = arith.maximumf %add3A_256, %add3A_261 : vector<16xf32>
        %max3A_275 = arith.maximumf %add3A_266, %add3A_271 : vector<16xf32>
        %max3A_276 = arith.maximumf %max3A_274, %max3A_275 : vector<16xf32>
        %max3A_277 = arith.maximumf %max3A_273, %max3A_276 : vector<16xf32>
        %sub3A_278 = arith.subf %add3A_236, %max3A_277 : vector<16xf32>
        %exp3A = math.exp %sub3A_278 : vector<16xf32>
        %sub3A_279 = arith.subf %add3A_241, %max3A_277 : vector<16xf32>
        %exp3A_280 = math.exp %sub3A_279 : vector<16xf32>
        %add3A_281 = arith.addf %exp3A, %exp3A_280 : vector<16xf32>
        %sub3A_282 = arith.subf %add3A_246, %max3A_277 : vector<16xf32>
        %exp3A_283 = math.exp %sub3A_282 : vector<16xf32>
        %add3A_284 = arith.addf %add3A_281, %exp3A_283 : vector<16xf32>
        %sub3A_285 = arith.subf %add3A_251, %max3A_277 : vector<16xf32>
        %exp3A_286 = math.exp %sub3A_285 : vector<16xf32>
        %add3A_287 = arith.addf %add3A_284, %exp3A_286 : vector<16xf32>
        %sub3A_288 = arith.subf %add3A_256, %max3A_277 : vector<16xf32>
        %exp3A_289 = math.exp %sub3A_288 : vector<16xf32>
        %add3A_290 = arith.addf %add3A_287, %exp3A_289 : vector<16xf32>
        %sub3A_291 = arith.subf %add3A_261, %max3A_277 : vector<16xf32>
        %exp3A_292 = math.exp %sub3A_291 : vector<16xf32>
        %add3A_293 = arith.addf %add3A_290, %exp3A_292 : vector<16xf32>
        %sub3A_294 = arith.subf %add3A_266, %max3A_277 : vector<16xf32>
        %exp3A_295 = math.exp %sub3A_294 : vector<16xf32>
        %add3A_296 = arith.addf %add3A_293, %exp3A_295 : vector<16xf32>
        %sub3A_297 = arith.subf %add3A_271, %max3A_277 : vector<16xf32>
        %exp3A_298 = math.exp %sub3A_297 : vector<16xf32>
        %add3A_299 = arith.addf %add3A_296, %exp3A_298 : vector<16xf32>
        %bitcast_convert_type3A = tpu.bitcast %add3A_299 : vector<16xf32> -> vector<16xi32>
        %shift_right_arithmetic3A = arith.constant 23 : i32
        %shift_right_arithmetic3A_300 = vector.broadcast %shift_right_arithmetic3A : i32 to vector<16xi32>
        %shift_right_arithmetic3A_301 = arith.shrsi %bitcast_convert_type3A, %shift_right_arithmetic3A_300 : vector<16xi32>
        %sub3A_302 = arith.constant 127 : i32
        %sub3A_303 = vector.broadcast %sub3A_302 : i32 to vector<16xi32>
        %sub3A_304 = arith.subi %shift_right_arithmetic3A_301, %sub3A_303 : vector<16xi32>
        %and3A_305 = arith.constant 8388607 : i32
        %and3A_306 = vector.broadcast %and3A_305 : i32 to vector<16xi32>
        %and3A_307 = arith.andi %bitcast_convert_type3A, %and3A_306 : vector<16xi32>
        %or3A = arith.constant 1065353216 : i32
        %or3A_308 = vector.broadcast %or3A : i32 to vector<16xi32>
        %or3A_309 = arith.ori %and3A_307, %or3A_308 : vector<16xi32>
        %bitcast_convert_type3A_310 = tpu.bitcast %or3A_309 : vector<16xi32> -> vector<16xf32>
        %sub3A_311 = arith.constant 1.000000e+00 : f32
        %sub3A_312 = vector.broadcast %sub3A_311 : f32 to vector<16xf32>
        %sub3A_313 = arith.subf %bitcast_convert_type3A_310, %sub3A_312 : vector<16xf32>
        %mul3A_314 = arith.constant 0.15270029 : f32
        %mul3A_315 = vector.broadcast %mul3A_314 : f32 to vector<16xf32>
        %mul3A_316 = arith.mulf %mul3A_315, %sub3A_313 : vector<16xf32>
        %add3A_317 = arith.constant -0.568704069 : f32
        %add3A_318 = vector.broadcast %add3A_317 : f32 to vector<16xf32>
        %add3A_319 = arith.addf %mul3A_316, %add3A_318 : vector<16xf32>
        %mul3A_320 = arith.mulf %add3A_319, %sub3A_313 : vector<16xf32>
        %add3A_321 = arith.constant 1.41565323 : f32
        %add3A_322 = vector.broadcast %add3A_321 : f32 to vector<16xf32>
        %add3A_323 = arith.addf %mul3A_320, %add3A_322 : vector<16xf32>
        %mul3A_324 = arith.mulf %add3A_323, %sub3A_313 : vector<16xf32>
        %add3A_325 = arith.constant 8.25462805E-4 : f32
        %add3A_326 = vector.broadcast %add3A_325 : f32 to vector<16xf32>
        %add3A_327 = arith.addf %mul3A_324, %add3A_326 : vector<16xf32>
        %convert_element_type3A_328 = arith.sitofp %sub3A_304 : vector<16xi32> to vector<16xf32>
        %add3A_329 = arith.addf %convert_element_type3A_328, %add3A_327 : vector<16xf32>
        %mul3A_330 = arith.constant 0.693147182 : f32
        %mul3A_331 = vector.broadcast %mul3A_330 : f32 to vector<16xf32>
        %mul3A_332 = arith.mulf %add3A_329, %mul3A_331 : vector<16xf32>
        %add3A_333 = arith.addf %max3A_277, %mul3A_332 : vector<16xf32>
        %swap3A = arith.constant 0 : i32
        %swap3A_334 = arith.index_cast %and3A_47 : i32 to index
        %swap3A_335 = arith.index_cast %swap3A : i32 to index
        %swap3A_336 = arith.index_cast %mul3A_107 : i32 to index
        %swap3A_337 = tpu.vector_load %arg6[%swap3A_334, %swap3A_335, %swap3A_336] {strides = array<i32>} : memref<2x16x2048xf32, #tpu.memory_space<vmem>>, vector<1x1x16xf32>,
        %swap3A_338 = vector.shape_cast %swap3A_337 : vector<1x1x16xf32> to vector<16xf32>
        %swap3A_339 = vector.shape_cast %add3A_333 : vector<16xf32> to vector<1x1x16xf32>
        tpu.vector_store %arg6[%swap3A_334, %swap3A_335, %swap3A_336], %swap3A_339 {strides = array<i32>} : memref<2x16x2048xf32, #tpu.memory_space<vmem>>, vector<1x1x16xf32>,
        %get3A_340 = arith.constant 1 : i32
        %get3A_341 = arith.index_cast %and3A_47 : i32 to index
        %get3A_342 = arith.index_cast %get3A_340 : i32 to index
        %get3A_343 = arith.index_cast %mul3A_107 : i32 to index
        %get3A_344 = tpu.vector_load %arg6[%get3A_341, %get3A_342, %get3A_343] {strides = array<i32>} : memref<2x16x2048xf32, #tpu.memory_space<vmem>>, vector<1x1x16xf32>,
        %get3A_345 = vector.shape_cast %get3A_344 : vector<1x1x16xf32> to vector<16xf32>
        %sub3A_346 = arith.subf %get3A_345, %get3A_111 : vector<16xf32>
        %sub3A_347 = arith.subf %get3A_345, %get3A_111 : vector<16xf32>
        %mul3A_348 = arith.mulf %sub3A_346, %sub3A_347 : vector<16xf32>
        %mul3A_349 = arith.mulf %mul3A_348, %get3A_151 : vector<16xf32>
        %add3A_350 = arith.addf %mul3A_349, %get3A_191 : vector<16xf32>
        %sub3A_351 = arith.subf %get3A_345, %get3A_116 : vector<16xf32>
        %sub3A_352 = arith.subf %get3A_345, %get3A_116 : vector<16xf32>
        %mul3A_353 = arith.mulf %sub3A_351, %sub3A_352 : vector<16xf32>
        %mul3A_354 = arith.mulf %mul3A_353, %get3A_156 : vector<16xf32>
        %add3A_355 = arith.addf %mul3A_354, %get3A_196 : vector<16xf32>
        %sub3A_356 = arith.subf %get3A_345, %get3A_121 : vector<16xf32>
        %sub3A_357 = arith.subf %get3A_345, %get3A_121 : vector<16xf32>
        %mul3A_358 = arith.mulf %sub3A_356, %sub3A_357 : vector<16xf32>
        %mul3A_359 = arith.mulf %mul3A_358, %get3A_161 : vector<16xf32>
        %add3A_360 = arith.addf %mul3A_359, %get3A_201 : vector<16xf32>
        %sub3A_361 = arith.subf %get3A_345, %get3A_126 : vector<16xf32>
        %sub3A_362 = arith.subf %get3A_345, %get3A_126 : vector<16xf32>
        %mul3A_363 = arith.mulf %sub3A_361, %sub3A_362 : vector<16xf32>
        %mul3A_364 = arith.mulf %mul3A_363, %get3A_166 : vector<16xf32>
        %add3A_365 = arith.addf %mul3A_364, %get3A_206 : vector<16xf32>
        %sub3A_366 = arith.subf %get3A_345, %get3A_131 : vector<16xf32>
        %sub3A_367 = arith.subf %get3A_345, %get3A_131 : vector<16xf32>
        %mul3A_368 = arith.mulf %sub3A_366, %sub3A_367 : vector<16xf32>
        %mul3A_369 = arith.mulf %mul3A_368, %get3A_171 : vector<16xf32>
        %add3A_370 = arith.addf %mul3A_369, %get3A_211 : vector<16xf32>
        %sub3A_371 = arith.subf %get3A_345, %get3A_136 : vector<16xf32>
        %sub3A_372 = arith.subf %get3A_345, %get3A_136 : vector<16xf32>
        %mul3A_373 = arith.mulf %sub3A_371, %sub3A_372 : vector<16xf32>
        %mul3A_374 = arith.mulf %mul3A_373, %get3A_176 : vector<16xf32>
        %add3A_375 = arith.addf %mul3A_374, %get3A_216 : vector<16xf32>
        %sub3A_376 = arith.subf %get3A_345, %get3A_141 : vector<16xf32>
        %sub3A_377 = arith.subf %get3A_345, %get3A_141 : vector<16xf32>
        %mul3A_378 = arith.mulf %sub3A_376, %sub3A_377 : vector<16xf32>
        %mul3A_379 = arith.mulf %mul3A_378, %get3A_181 : vector<16xf32>
        %add3A_380 = arith.addf %mul3A_379, %get3A_221 : vector<16xf32>
        %sub3A_381 = arith.subf %get3A_345, %get3A_146 : vector<16xf32>
        %sub3A_382 = arith.subf %get3A_345, %get3A_146 : vector<16xf32>
        %mul3A_383 = arith.mulf %sub3A_381, %sub3A_382 : vector<16xf32>
        %mul3A_384 = arith.mulf %mul3A_383, %get3A_186 : vector<16xf32>
        %add3A_385 = arith.addf %mul3A_384, %get3A_226 : vector<16xf32>
        %max3A_386 = arith.maximumf %add3A_350, %add3A_355 : vector<16xf32>
        %max3A_387 = arith.maximumf %add3A_360, %add3A_365 : vector<16xf32>
        %max3A_388 = arith.maximumf %max3A_386, %max3A_387 : vector<16xf32>
        %max3A_389 = arith.maximumf %add3A_370, %add3A_375 : vector<16xf32>
        %max3A_390 = arith.maximumf %add3A_380, %add3A_385 : vector<16xf32>
        %max3A_391 = arith.maximumf %max3A_389, %max3A_390 : vector<16xf32>
        %max3A_392 = arith.maximumf %max3A_388, %max3A_391 : vector<16xf32>
        %sub3A_393 = arith.subf %add3A_350, %max3A_392 : vector<16xf32>
        %exp3A_394 = math.exp %sub3A_393 : vector<16xf32>
        %sub3A_395 = arith.subf %add3A_355, %max3A_392 : vector<16xf32>
        %exp3A_396 = math.exp %sub3A_395 : vector<16xf32>
        %add3A_397 = arith.addf %exp3A_394, %exp3A_396 : vector<16xf32>
        %sub3A_398 = arith.subf %add3A_360, %max3A_392 : vector<16xf32>
        %exp3A_399 = math.exp %sub3A_398 : vector<16xf32>
        %add3A_400 = arith.addf %add3A_397, %exp3A_399 : vector<16xf32>
        %sub3A_401 = arith.subf %add3A_365, %max3A_392 : vector<16xf32>
        %exp3A_402 = math.exp %sub3A_401 : vector<16xf32>
        %add3A_403 = arith.addf %add3A_400, %exp3A_402 : vector<16xf32>
        %sub3A_404 = arith.subf %add3A_370, %max3A_392 : vector<16xf32>
        %exp3A_405 = math.exp %sub3A_404 : vector<16xf32>
        %add3A_406 = arith.addf %add3A_403, %exp3A_405 : vector<16xf32>
        %sub3A_407 = arith.subf %add3A_375, %max3A_392 : vector<16xf32>
        %exp3A_408 = math.exp %sub3A_407 : vector<16xf32>
        %add3A_409 = arith.addf %add3A_406, %exp3A_408 : vector<16xf32>
        %sub3A_410 = arith.subf %add3A_380, %max3A_392 : vector<16xf32>
        %exp3A_411 = math.exp %sub3A_410 : vector<16xf32>
        %add3A_412 = arith.addf %add3A_409, %exp3A_411 : vector<16xf32>
        %sub3A_413 = arith.subf %add3A_385, %max3A_392 : vector<16xf32>
        %exp3A_414 = math.exp %sub3A_413 : vector<16xf32>
        %add3A_415 = arith.addf %add3A_412, %exp3A_414 : vector<16xf32>
        %bitcast_convert_type3A_416 = tpu.bitcast %add3A_415 : vector<16xf32> -> vector<16xi32>
        %shift_right_arithmetic3A_417 = arith.constant 23 : i32
        %shift_right_arithmetic3A_418 = vector.broadcast %shift_right_arithmetic3A_417 : i32 to vector<16xi32>
        %shift_right_arithmetic3A_419 = arith.shrsi %bitcast_convert_type3A_416, %shift_right_arithmetic3A_418 : vector<16xi32>
        %sub3A_420 = arith.constant 127 : i32
        %sub3A_421 = vector.broadcast %sub3A_420 : i32 to vector<16xi32>
        %sub3A_422 = arith.subi %shift_right_arithmetic3A_419, %sub3A_421 : vector<16xi32>
        %and3A_423 = arith.constant 8388607 : i32
        %and3A_424 = vector.broadcast %and3A_423 : i32 to vector<16xi32>
        %and3A_425 = arith.andi %bitcast_convert_type3A_416, %and3A_424 : vector<16xi32>
        %or3A_426 = arith.constant 1065353216 : i32
        %or3A_427 = vector.broadcast %or3A_426 : i32 to vector<16xi32>
        %or3A_428 = arith.ori %and3A_425, %or3A_427 : vector<16xi32>
        %bitcast_convert_type3A_429 = tpu.bitcast %or3A_428 : vector<16xi32> -> vector<16xf32>
        %sub3A_430 = arith.constant 1.000000e+00 : f32
        %sub3A_431 = vector.broadcast %sub3A_430 : f32 to vector<16xf32>
        %sub3A_432 = arith.subf %bitcast_convert_type3A_429, %sub3A_431 : vector<16xf32>
        %mul3A_433 = arith.constant 0.15270029 : f32
        %mul3A_434 = vector.broadcast %mul3A_433 : f32 to vector<16xf32>
        %mul3A_435 = arith.mulf %mul3A_434, %sub3A_432 : vector<16xf32>
        %add3A_436 = arith.constant -0.568704069 : f32
        %add3A_437 = vector.broadcast %add3A_436 : f32 to vector<16xf32>
        %add3A_438 = arith.addf %mul3A_435, %add3A_437 : vector<16xf32>
        %mul3A_439 = arith.mulf %add3A_438, %sub3A_432 : vector<16xf32>
        %add3A_440 = arith.constant 1.41565323 : f32
        %add3A_441 = vector.broadcast %add3A_440 : f32 to vector<16xf32>
        %add3A_442 = arith.addf %mul3A_439, %add3A_441 : vector<16xf32>
        %mul3A_443 = arith.mulf %add3A_442, %sub3A_432 : vector<16xf32>
        %add3A_444 = arith.constant 8.25462805E-4 : f32
        %add3A_445 = vector.broadcast %add3A_444 : f32 to vector<16xf32>
        %add3A_446 = arith.addf %mul3A_443, %add3A_445 : vector<16xf32>
        %convert_element_type3A_447 = arith.sitofp %sub3A_422 : vector<16xi32> to vector<16xf32>
        %add3A_448 = arith.addf %convert_element_type3A_447, %add3A_446 : vector<16xf32>
        %mul3A_449 = arith.constant 0.693147182 : f32
        %mul3A_450 = vector.broadcast %mul3A_449 : f32 to vector<16xf32>
        %mul3A_451 = arith.mulf %add3A_448, %mul3A_450 : vector<16xf32>
        %add3A_452 = arith.addf %max3A_392, %mul3A_451 : vector<16xf32>
        %swap3A_453 = arith.constant 1 : i32
        %swap3A_454 = arith.index_cast %and3A_47 : i32 to index
        %swap3A_455 = arith.index_cast %swap3A_453 : i32 to index
        %swap3A_456 = arith.index_cast %mul3A_107 : i32 to index
        %swap3A_457 = tpu.vector_load %arg6[%swap3A_454, %swap3A_455, %swap3A_456] {strides = array<i32>} : memref<2x16x2048xf32, #tpu.memory_space<vmem>>, vector<1x1x16xf32>,
        %swap3A_458 = vector.shape_cast %swap3A_457 : vector<1x1x16xf32> to vector<16xf32>
        %swap3A_459 = vector.shape_cast %add3A_452 : vector<16xf32> to vector<1x1x16xf32>
        tpu.vector_store %arg6[%swap3A_454, %swap3A_455, %swap3A_456], %swap3A_459 {strides = array<i32>} : memref<2x16x2048xf32, #tpu.memory_space<vmem>>, vector<1x1x16xf32>,
        %get3A_460 = arith.constant 2 : i32
        %get3A_461 = arith.index_cast %and3A_47 : i32 to index
        %get3A_462 = arith.index_cast %get3A_460 : i32 to index
        %get3A_463 = arith.index_cast %mul3A_107 : i32 to index
        %get3A_464 = tpu.vector_load %arg6[%get3A_461, %get3A_462, %get3A_463] {strides = array<i32>} : memref<2x16x2048xf32, #tpu.memory_space<vmem>>, vector<1x1x16xf32>,
        %get3A_465 = vector.shape_cast %get3A_464 : vector<1x1x16xf32> to vector<16xf32>
        %sub3A_466 = arith.subf %get3A_465, %get3A_111 : vector<16xf32>
        %sub3A_467 = arith.subf %get3A_465, %get3A_111 : vector<16xf32>
        %mul3A_468 = arith.mulf %sub3A_466, %sub3A_467 : vector<16xf32>
        %mul3A_469 = arith.mulf %mul3A_468, %get3A_151 : vector<16xf32>
        %add3A_470 = arith.addf %mul3A_469, %get3A_191 : vector<16xf32>
        %sub3A_471 = arith.subf %get3A_465, %get3A_116 : vector<16xf32>
        %sub3A_472 = arith.subf %get3A_465, %get3A_116 : vector<16xf32>
        %mul3A_473 = arith.mulf %sub3A_471, %sub3A_472 : vector<16xf32>
        %mul3A_474 = arith.mulf %mul3A_473, %get3A_156 : vector<16xf32>
        %add3A_475 = arith.addf %mul3A_474, %get3A_196 : vector<16xf32>
        %sub3A_476 = arith.subf %get3A_465, %get3A_121 : vector<16xf32>
        %sub3A_477 = arith.subf %get3A_465, %get3A_121 : vector<16xf32>
        %mul3A_478 = arith.mulf %sub3A_476, %sub3A_477 : vector<16xf32>
        %mul3A_479 = arith.mulf %mul3A_478, %get3A_161 : vector<16xf32>
        %add3A_480 = arith.addf %mul3A_479, %get3A_201 : vector<16xf32>
        %sub3A_481 = arith.subf %get3A_465, %get3A_126 : vector<16xf32>
        %sub3A_482 = arith.subf %get3A_465, %get3A_126 : vector<16xf32>
        %mul3A_483 = arith.mulf %sub3A_481, %sub3A_482 : vector<16xf32>
        %mul3A_484 = arith.mulf %mul3A_483, %get3A_166 : vector<16xf32>
        %add3A_485 = arith.addf %mul3A_484, %get3A_206 : vector<16xf32>
        %sub3A_486 = arith.subf %get3A_465, %get3A_131 : vector<16xf32>
        %sub3A_487 = arith.subf %get3A_465, %get3A_131 : vector<16xf32>
        %mul3A_488 = arith.mulf %sub3A_486, %sub3A_487 : vector<16xf32>
        %mul3A_489 = arith.mulf %mul3A_488, %get3A_171 : vector<16xf32>
        %add3A_490 = arith.addf %mul3A_489, %get3A_211 : vector<16xf32>
        %sub3A_491 = arith.subf %get3A_465, %get3A_136 : vector<16xf32>
        %sub3A_492 = arith.subf %get3A_465, %get3A_136 : vector<16xf32>
        %mul3A_493 = arith.mulf %sub3A_491, %sub3A_492 : vector<16xf32>
        %mul3A_494 = arith.mulf %mul3A_493, %get3A_176 : vector<16xf32>
        %add3A_495 = arith.addf %mul3A_494, %get3A_216 : vector<16xf32>
        %sub3A_496 = arith.subf %get3A_465, %get3A_141 : vector<16xf32>
        %sub3A_497 = arith.subf %get3A_465, %get3A_141 : vector<16xf32>
        %mul3A_498 = arith.mulf %sub3A_496, %sub3A_497 : vector<16xf32>
        %mul3A_499 = arith.mulf %mul3A_498, %get3A_181 : vector<16xf32>
        %add3A_500 = arith.addf %mul3A_499, %get3A_221 : vector<16xf32>
        %sub3A_501 = arith.subf %get3A_465, %get3A_146 : vector<16xf32>
        %sub3A_502 = arith.subf %get3A_465, %get3A_146 : vector<16xf32>
        %mul3A_503 = arith.mulf %sub3A_501, %sub3A_502 : vector<16xf32>
        %mul3A_504 = arith.mulf %mul3A_503, %get3A_186 : vector<16xf32>
        %add3A_505 = arith.addf %mul3A_504, %get3A_226 : vector<16xf32>
        %max3A_506 = arith.maximumf %add3A_470, %add3A_475 : vector<16xf32>
        %max3A_507 = arith.maximumf %add3A_480, %add3A_485 : vector<16xf32>
        %max3A_508 = arith.maximumf %max3A_506, %max3A_507 : vector<16xf32>
        %max3A_509 = arith.maximumf %add3A_490, %add3A_495 : vector<16xf32>
        %max3A_510 = arith.maximumf %add3A_500, %add3A_505 : vector<16xf32>
        %max3A_511 = arith.maximumf %max3A_509, %max3A_510 : vector<16xf32>
        %max3A_512 = arith.maximumf %max3A_508, %max3A_511 : vector<16xf32>
        %sub3A_513 = arith.subf %add3A_470, %max3A_512 : vector<16xf32>
        %exp3A_514 = math.exp %sub3A_513 : vector<16xf32>
        %sub3A_515 = arith.subf %add3A_475, %max3A_512 : vector<16xf32>
        %exp3A_516 = math.exp %sub3A_515 : vector<16xf32>
        %add3A_517 = arith.addf %exp3A_514, %exp3A_516 : vector<16xf32>
        %sub3A_518 = arith.subf %add3A_480, %max3A_512 : vector<16xf32>
        %exp3A_519 = math.exp %sub3A_518 : vector<16xf32>
        %add3A_520 = arith.addf %add3A_517, %exp3A_519 : vector<16xf32>
        %sub3A_521 = arith.subf %add3A_485, %max3A_512 : vector<16xf32>
        %exp3A_522 = math.exp %sub3A_521 : vector<16xf32>
        %add3A_523 = arith.addf %add3A_520, %exp3A_522 : vector<16xf32>
        %sub3A_524 = arith.subf %add3A_490, %max3A_512 : vector<16xf32>
        %exp3A_525 = math.exp %sub3A_524 : vector<16xf32>
        %add3A_526 = arith.addf %add3A_523, %exp3A_525 : vector<16xf32>
        %sub3A_527 = arith.subf %add3A_495, %max3A_512 : vector<16xf32>
        %exp3A_528 = math.exp %sub3A_527 : vector<16xf32>
        %add3A_529 = arith.addf %add3A_526, %exp3A_528 : vector<16xf32>
        %sub3A_530 = arith.subf %add3A_500, %max3A_512 : vector<16xf32>
        %exp3A_531 = math.exp %sub3A_530 : vector<16xf32>
        %add3A_532 = arith.addf %add3A_529, %exp3A_531 : vector<16xf32>
        %sub3A_533 = arith.subf %add3A_505, %max3A_512 : vector<16xf32>
        %exp3A_534 = math.exp %sub3A_533 : vector<16xf32>
        %add3A_535 = arith.addf %add3A_532, %exp3A_534 : vector<16xf32>
        %bitcast_convert_type3A_536 = tpu.bitcast %add3A_535 : vector<16xf32> -> vector<16xi32>
        %shift_right_arithmetic3A_537 = arith.constant 23 : i32
        %shift_right_arithmetic3A_538 = vector.broadcast %shift_right_arithmetic3A_537 : i32 to vector<16xi32>
        %shift_right_arithmetic3A_539 = arith.shrsi %bitcast_convert_type3A_536, %shift_right_arithmetic3A_538 : vector<16xi32>
        %sub3A_540 = arith.constant 127 : i32
        %sub3A_541 = vector.broadcast %sub3A_540 : i32 to vector<16xi32>
        %sub3A_542 = arith.subi %shift_right_arithmetic3A_539, %sub3A_541 : vector<16xi32>
        %and3A_543 = arith.constant 8388607 : i32
        %and3A_544 = vector.broadcast %and3A_543 : i32 to vector<16xi32>
        %and3A_545 = arith.andi %bitcast_convert_type3A_536, %and3A_544 : vector<16xi32>
        %or3A_546 = arith.constant 1065353216 : i32
        %or3A_547 = vector.broadcast %or3A_546 : i32 to vector<16xi32>
        %or3A_548 = arith.ori %and3A_545, %or3A_547 : vector<16xi32>
        %bitcast_convert_type3A_549 = tpu.bitcast %or3A_548 : vector<16xi32> -> vector<16xf32>
        %sub3A_550 = arith.constant 1.000000e+00 : f32
        %sub3A_551 = vector.broadcast %sub3A_550 : f32 to vector<16xf32>
        %sub3A_552 = arith.subf %bitcast_convert_type3A_549, %sub3A_551 : vector<16xf32>
        %mul3A_553 = arith.constant 0.15270029 : f32
        %mul3A_554 = vector.broadcast %mul3A_553 : f32 to vector<16xf32>
        %mul3A_555 = arith.mulf %mul3A_554, %sub3A_552 : vector<16xf32>
        %add3A_556 = arith.constant -0.568704069 : f32
        %add3A_557 = vector.broadcast %add3A_556 : f32 to vector<16xf32>
        %add3A_558 = arith.addf %mul3A_555, %add3A_557 : vector<16xf32>
        %mul3A_559 = arith.mulf %add3A_558, %sub3A_552 : vector<16xf32>
        %add3A_560 = arith.constant 1.41565323 : f32
        %add3A_561 = vector.broadcast %add3A_560 : f32 to vector<16xf32>
        %add3A_562 = arith.addf %mul3A_559, %add3A_561 : vector<16xf32>
        %mul3A_563 = arith.mulf %add3A_562, %sub3A_552 : vector<16xf32>
        %add3A_564 = arith.constant 8.25462805E-4 : f32
        %add3A_565 = vector.broadcast %add3A_564 : f32 to vector<16xf32>
        %add3A_566 = arith.addf %mul3A_563, %add3A_565 : vector<16xf32>
        %convert_element_type3A_567 = arith.sitofp %sub3A_542 : vector<16xi32> to vector<16xf32>
        %add3A_568 = arith.addf %convert_element_type3A_567, %add3A_566 : vector<16xf32>
        %mul3A_569 = arith.constant 0.693147182 : f32
        %mul3A_570 = vector.broadcast %mul3A_569 : f32 to vector<16xf32>
        %mul3A_571 = arith.mulf %add3A_568, %mul3A_570 : vector<16xf32>
        %add3A_572 = arith.addf %max3A_512, %mul3A_571 : vector<16xf32>
        %swap3A_573 = arith.constant 2 : i32
        %swap3A_574 = arith.index_cast %and3A_47 : i32 to index
        %swap3A_575 = arith.index_cast %swap3A_573 : i32 to index
        %swap3A_576 = arith.index_cast %mul3A_107 : i32 to index
        %swap3A_577 = tpu.vector_load %arg6[%swap3A_574, %swap3A_575, %swap3A_576] {strides = array<i32>} : memref<2x16x2048xf32, #tpu.memory_space<vmem>>, vector<1x1x16xf32>,
        %swap3A_578 = vector.shape_cast %swap3A_577 : vector<1x1x16xf32> to vector<16xf32>
        %swap3A_579 = vector.shape_cast %add3A_572 : vector<16xf32> to vector<1x1x16xf32>
        tpu.vector_store %arg6[%swap3A_574, %swap3A_575, %swap3A_576], %swap3A_579 {strides = array<i32>} : memref<2x16x2048xf32, #tpu.memory_space<vmem>>, vector<1x1x16xf32>,
        %get3A_580 = arith.constant 3 : i32
        %get3A_581 = arith.index_cast %and3A_47 : i32 to index
        %get3A_582 = arith.index_cast %get3A_580 : i32 to index
        %get3A_583 = arith.index_cast %mul3A_107 : i32 to index
        %get3A_584 = tpu.vector_load %arg6[%get3A_581, %get3A_582, %get3A_583] {strides = array<i32>} : memref<2x16x2048xf32, #tpu.memory_space<vmem>>, vector<1x1x16xf32>,
        %get3A_585 = vector.shape_cast %get3A_584 : vector<1x1x16xf32> to vector<16xf32>
        %sub3A_586 = arith.subf %get3A_585, %get3A_111 : vector<16xf32>
        %sub3A_587 = arith.subf %get3A_585, %get3A_111 : vector<16xf32>
        %mul3A_588 = arith.mulf %sub3A_586, %sub3A_587 : vector<16xf32>
        %mul3A_589 = arith.mulf %mul3A_588, %get3A_151 : vector<16xf32>
        %add3A_590 = arith.addf %mul3A_589, %get3A_191 : vector<16xf32>
        %sub3A_591 = arith.subf %get3A_585, %get3A_116 : vector<16xf32>
        %sub3A_592 = arith.subf %get3A_585, %get3A_116 : vector<16xf32>
        %mul3A_593 = arith.mulf %sub3A_591, %sub3A_592 : vector<16xf32>
        %mul3A_594 = arith.mulf %mul3A_593, %get3A_156 : vector<16xf32>
        %add3A_595 = arith.addf %mul3A_594, %get3A_196 : vector<16xf32>
        %sub3A_596 = arith.subf %get3A_585, %get3A_121 : vector<16xf32>
        %sub3A_597 = arith.subf %get3A_585, %get3A_121 : vector<16xf32>
        %mul3A_598 = arith.mulf %sub3A_596, %sub3A_597 : vector<16xf32>
        %mul3A_599 = arith.mulf %mul3A_598, %get3A_161 : vector<16xf32>
        %add3A_600 = arith.addf %mul3A_599, %get3A_201 : vector<16xf32>
        %sub3A_601 = arith.subf %get3A_585, %get3A_126 : vector<16xf32>
        %sub3A_602 = arith.subf %get3A_585, %get3A_126 : vector<16xf32>
        %mul3A_603 = arith.mulf %sub3A_601, %sub3A_602 : vector<16xf32>
        %mul3A_604 = arith.mulf %mul3A_603, %get3A_166 : vector<16xf32>
        %add3A_605 = arith.addf %mul3A_604, %get3A_206 : vector<16xf32>
        %sub3A_606 = arith.subf %get3A_585, %get3A_131 : vector<16xf32>
        %sub3A_607 = arith.subf %get3A_585, %get3A_131 : vector<16xf32>
        %mul3A_608 = arith.mulf %sub3A_606, %sub3A_607 : vector<16xf32>
        %mul3A_609 = arith.mulf %mul3A_608, %get3A_171 : vector<16xf32>
        %add3A_610 = arith.addf %mul3A_609, %get3A_211 : vector<16xf32>
        %sub3A_611 = arith.subf %get3A_585, %get3A_136 : vector<16xf32>
        %sub3A_612 = arith.subf %get3A_585, %get3A_136 : vector<16xf32>
        %mul3A_613 = arith.mulf %sub3A_611, %sub3A_612 : vector<16xf32>
        %mul3A_614 = arith.mulf %mul3A_613, %get3A_176 : vector<16xf32>
        %add3A_615 = arith.addf %mul3A_614, %get3A_216 : vector<16xf32>
        %sub3A_616 = arith.subf %get3A_585, %get3A_141 : vector<16xf32>
        %sub3A_617 = arith.subf %get3A_585, %get3A_141 : vector<16xf32>
        %mul3A_618 = arith.mulf %sub3A_616, %sub3A_617 : vector<16xf32>
        %mul3A_619 = arith.mulf %mul3A_618, %get3A_181 : vector<16xf32>
        %add3A_620 = arith.addf %mul3A_619, %get3A_221 : vector<16xf32>
        %sub3A_621 = arith.subf %get3A_585, %get3A_146 : vector<16xf32>
        %sub3A_622 = arith.subf %get3A_585, %get3A_146 : vector<16xf32>
        %mul3A_623 = arith.mulf %sub3A_621, %sub3A_622 : vector<16xf32>
        %mul3A_624 = arith.mulf %mul3A_623, %get3A_186 : vector<16xf32>
        %add3A_625 = arith.addf %mul3A_624, %get3A_226 : vector<16xf32>
        %max3A_626 = arith.maximumf %add3A_590, %add3A_595 : vector<16xf32>
        %max3A_627 = arith.maximumf %add3A_600, %add3A_605 : vector<16xf32>
        %max3A_628 = arith.maximumf %max3A_626, %max3A_627 : vector<16xf32>
        %max3A_629 = arith.maximumf %add3A_610, %add3A_615 : vector<16xf32>
        %max3A_630 = arith.maximumf %add3A_620, %add3A_625 : vector<16xf32>
        %max3A_631 = arith.maximumf %max3A_629, %max3A_630 : vector<16xf32>
        %max3A_632 = arith.maximumf %max3A_628, %max3A_631 : vector<16xf32>
        %sub3A_633 = arith.subf %add3A_590, %max3A_632 : vector<16xf32>
        %exp3A_634 = math.exp %sub3A_633 : vector<16xf32>
        %sub3A_635 = arith.subf %add3A_595, %max3A_632 : vector<16xf32>
        %exp3A_636 = math.exp %sub3A_635 : vector<16xf32>
        %add3A_637 = arith.addf %exp3A_634, %exp3A_636 : vector<16xf32>
        %sub3A_638 = arith.subf %add3A_600, %max3A_632 : vector<16xf32>
        %exp3A_639 = math.exp %sub3A_638 : vector<16xf32>
        %add3A_640 = arith.addf %add3A_637, %exp3A_639 : vector<16xf32>
        %sub3A_641 = arith.subf %add3A_605, %max3A_632 : vector<16xf32>
        %exp3A_642 = math.exp %sub3A_641 : vector<16xf32>
        %add3A_643 = arith.addf %add3A_640, %exp3A_642 : vector<16xf32>
        %sub3A_644 = arith.subf %add3A_610, %max3A_632 : vector<16xf32>
        %exp3A_645 = math.exp %sub3A_644 : vector<16xf32>
        %add3A_646 = arith.addf %add3A_643, %exp3A_645 : vector<16xf32>
        %sub3A_647 = arith.subf %add3A_615, %max3A_632 : vector<16xf32>
        %exp3A_648 = math.exp %sub3A_647 : vector<16xf32>
        %add3A_649 = arith.addf %add3A_646, %exp3A_648 : vector<16xf32>
        %sub3A_650 = arith.subf %add3A_620, %max3A_632 : vector<16xf32>
        %exp3A_651 = math.exp %sub3A_650 : vector<16xf32>
        %add3A_652 = arith.addf %add3A_649, %exp3A_651 : vector<16xf32>
        %sub3A_653 = arith.subf %add3A_625, %max3A_632 : vector<16xf32>
        %exp3A_654 = math.exp %sub3A_653 : vector<16xf32>
        %add3A_655 = arith.addf %add3A_652, %exp3A_654 : vector<16xf32>
        %bitcast_convert_type3A_656 = tpu.bitcast %add3A_655 : vector<16xf32> -> vector<16xi32>
        %shift_right_arithmetic3A_657 = arith.constant 23 : i32
        %shift_right_arithmetic3A_658 = vector.broadcast %shift_right_arithmetic3A_657 : i32 to vector<16xi32>
        %shift_right_arithmetic3A_659 = arith.shrsi %bitcast_convert_type3A_656, %shift_right_arithmetic3A_658 : vector<16xi32>
        %sub3A_660 = arith.constant 127 : i32
        %sub3A_661 = vector.broadcast %sub3A_660 : i32 to vector<16xi32>
        %sub3A_662 = arith.subi %shift_right_arithmetic3A_659, %sub3A_661 : vector<16xi32>
        %and3A_663 = arith.constant 8388607 : i32
        %and3A_664 = vector.broadcast %and3A_663 : i32 to vector<16xi32>
        %and3A_665 = arith.andi %bitcast_convert_type3A_656, %and3A_664 : vector<16xi32>
        %or3A_666 = arith.constant 1065353216 : i32
        %or3A_667 = vector.broadcast %or3A_666 : i32 to vector<16xi32>
        %or3A_668 = arith.ori %and3A_665, %or3A_667 : vector<16xi32>
        %bitcast_convert_type3A_669 = tpu.bitcast %or3A_668 : vector<16xi32> -> vector<16xf32>
        %sub3A_670 = arith.constant 1.000000e+00 : f32
        %sub3A_671 = vector.broadcast %sub3A_670 : f32 to vector<16xf32>
        %sub3A_672 = arith.subf %bitcast_convert_type3A_669, %sub3A_671 : vector<16xf32>
        %mul3A_673 = arith.constant 0.15270029 : f32
        %mul3A_674 = vector.broadcast %mul3A_673 : f32 to vector<16xf32>
        %mul3A_675 = arith.mulf %mul3A_674, %sub3A_672 : vector<16xf32>
        %add3A_676 = arith.constant -0.568704069 : f32
        %add3A_677 = vector.broadcast %add3A_676 : f32 to vector<16xf32>
        %add3A_678 = arith.addf %mul3A_675, %add3A_677 : vector<16xf32>
        %mul3A_679 = arith.mulf %add3A_678, %sub3A_672 : vector<16xf32>
        %add3A_680 = arith.constant 1.41565323 : f32
        %add3A_681 = vector.broadcast %add3A_680 : f32 to vector<16xf32>
        %add3A_682 = arith.addf %mul3A_679, %add3A_681 : vector<16xf32>
        %mul3A_683 = arith.mulf %add3A_682, %sub3A_672 : vector<16xf32>
        %add3A_684 = arith.constant 8.25462805E-4 : f32
        %add3A_685 = vector.broadcast %add3A_684 : f32 to vector<16xf32>
        %add3A_686 = arith.addf %mul3A_683, %add3A_685 : vector<16xf32>
        %convert_element_type3A_687 = arith.sitofp %sub3A_662 : vector<16xi32> to vector<16xf32>
        %add3A_688 = arith.addf %convert_element_type3A_687, %add3A_686 : vector<16xf32>
        %mul3A_689 = arith.constant 0.693147182 : f32
        %mul3A_690 = vector.broadcast %mul3A_689 : f32 to vector<16xf32>
        %mul3A_691 = arith.mulf %add3A_688, %mul3A_690 : vector<16xf32>
        %add3A_692 = arith.addf %max3A_632, %mul3A_691 : vector<16xf32>
        %swap3A_693 = arith.constant 3 : i32
        %swap3A_694 = arith.index_cast %and3A_47 : i32 to index
        %swap3A_695 = arith.index_cast %swap3A_693 : i32 to index
        %swap3A_696 = arith.index_cast %mul3A_107 : i32 to index
        %swap3A_697 = tpu.vector_load %arg6[%swap3A_694, %swap3A_695, %swap3A_696] {strides = array<i32>} : memref<2x16x2048xf32, #tpu.memory_space<vmem>>, vector<1x1x16xf32>,
        %swap3A_698 = vector.shape_cast %swap3A_697 : vector<1x1x16xf32> to vector<16xf32>
        %swap3A_699 = vector.shape_cast %add3A_692 : vector<16xf32> to vector<1x1x16xf32>
        tpu.vector_store %arg6[%swap3A_694, %swap3A_695, %swap3A_696], %swap3A_699 {strides = array<i32>} : memref<2x16x2048xf32, #tpu.memory_space<vmem>>, vector<1x1x16xf32>,
        %get3A_700 = arith.constant 4 : i32
        %get3A_701 = arith.index_cast %and3A_47 : i32 to index
        %get3A_702 = arith.index_cast %get3A_700 : i32 to index
        %get3A_703 = arith.index_cast %mul3A_107 : i32 to index
        %get3A_704 = tpu.vector_load %arg6[%get3A_701, %get3A_702, %get3A_703] {strides = array<i32>} : memref<2x16x2048xf32, #tpu.memory_space<vmem>>, vector<1x1x16xf32>,
        %get3A_705 = vector.shape_cast %get3A_704 : vector<1x1x16xf32> to vector<16xf32>
        %sub3A_706 = arith.subf %get3A_705, %get3A_111 : vector<16xf32>
        %sub3A_707 = arith.subf %get3A_705, %get3A_111 : vector<16xf32>
        %mul3A_708 = arith.mulf %sub3A_706, %sub3A_707 : vector<16xf32>
        %mul3A_709 = arith.mulf %mul3A_708, %get3A_151 : vector<16xf32>
        %add3A_710 = arith.addf %mul3A_709, %get3A_191 : vector<16xf32>
        %sub3A_711 = arith.subf %get3A_705, %get3A_116 : vector<16xf32>
        %sub3A_712 = arith.subf %get3A_705, %get3A_116 : vector<16xf32>
        %mul3A_713 = arith.mulf %sub3A_711, %sub3A_712 : vector<16xf32>
        %mul3A_714 = arith.mulf %mul3A_713, %get3A_156 : vector<16xf32>
        %add3A_715 = arith.addf %mul3A_714, %get3A_196 : vector<16xf32>
        %sub3A_716 = arith.subf %get3A_705, %get3A_121 : vector<16xf32>
        %sub3A_717 = arith.subf %get3A_705, %get3A_121 : vector<16xf32>
        %mul3A_718 = arith.mulf %sub3A_716, %sub3A_717 : vector<16xf32>
        %mul3A_719 = arith.mulf %mul3A_718, %get3A_161 : vector<16xf32>
        %add3A_720 = arith.addf %mul3A_719, %get3A_201 : vector<16xf32>
        %sub3A_721 = arith.subf %get3A_705, %get3A_126 : vector<16xf32>
        %sub3A_722 = arith.subf %get3A_705, %get3A_126 : vector<16xf32>
        %mul3A_723 = arith.mulf %sub3A_721, %sub3A_722 : vector<16xf32>
        %mul3A_724 = arith.mulf %mul3A_723, %get3A_166 : vector<16xf32>
        %add3A_725 = arith.addf %mul3A_724, %get3A_206 : vector<16xf32>
        %sub3A_726 = arith.subf %get3A_705, %get3A_131 : vector<16xf32>
        %sub3A_727 = arith.subf %get3A_705, %get3A_131 : vector<16xf32>
        %mul3A_728 = arith.mulf %sub3A_726, %sub3A_727 : vector<16xf32>
        %mul3A_729 = arith.mulf %mul3A_728, %get3A_171 : vector<16xf32>
        %add3A_730 = arith.addf %mul3A_729, %get3A_211 : vector<16xf32>
        %sub3A_731 = arith.subf %get3A_705, %get3A_136 : vector<16xf32>
        %sub3A_732 = arith.subf %get3A_705, %get3A_136 : vector<16xf32>
        %mul3A_733 = arith.mulf %sub3A_731, %sub3A_732 : vector<16xf32>
        %mul3A_734 = arith.mulf %mul3A_733, %get3A_176 : vector<16xf32>
        %add3A_735 = arith.addf %mul3A_734, %get3A_216 : vector<16xf32>
        %sub3A_736 = arith.subf %get3A_705, %get3A_141 : vector<16xf32>
        %sub3A_737 = arith.subf %get3A_705, %get3A_141 : vector<16xf32>
        %mul3A_738 = arith.mulf %sub3A_736, %sub3A_737 : vector<16xf32>
        %mul3A_739 = arith.mulf %mul3A_738, %get3A_181 : vector<16xf32>
        %add3A_740 = arith.addf %mul3A_739, %get3A_221 : vector<16xf32>
        %sub3A_741 = arith.subf %get3A_705, %get3A_146 : vector<16xf32>
        %sub3A_742 = arith.subf %get3A_705, %get3A_146 : vector<16xf32>
        %mul3A_743 = arith.mulf %sub3A_741, %sub3A_742 : vector<16xf32>
        %mul3A_744 = arith.mulf %mul3A_743, %get3A_186 : vector<16xf32>
        %add3A_745 = arith.addf %mul3A_744, %get3A_226 : vector<16xf32>
        %max3A_746 = arith.maximumf %add3A_710, %add3A_715 : vector<16xf32>
        %max3A_747 = arith.maximumf %add3A_720, %add3A_725 : vector<16xf32>
        %max3A_748 = arith.maximumf %max3A_746, %max3A_747 : vector<16xf32>
        %max3A_749 = arith.maximumf %add3A_730, %add3A_735 : vector<16xf32>
        %max3A_750 = arith.maximumf %add3A_740, %add3A_745 : vector<16xf32>
        %max3A_751 = arith.maximumf %max3A_749, %max3A_750 : vector<16xf32>
        %max3A_752 = arith.maximumf %max3A_748, %max3A_751 : vector<16xf32>
        %sub3A_753 = arith.subf %add3A_710, %max3A_752 : vector<16xf32>
        %exp3A_754 = math.exp %sub3A_753 : vector<16xf32>
        %sub3A_755 = arith.subf %add3A_715, %max3A_752 : vector<16xf32>
        %exp3A_756 = math.exp %sub3A_755 : vector<16xf32>
        %add3A_757 = arith.addf %exp3A_754, %exp3A_756 : vector<16xf32>
        %sub3A_758 = arith.subf %add3A_720, %max3A_752 : vector<16xf32>
        %exp3A_759 = math.exp %sub3A_758 : vector<16xf32>
        %add3A_760 = arith.addf %add3A_757, %exp3A_759 : vector<16xf32>
        %sub3A_761 = arith.subf %add3A_725, %max3A_752 : vector<16xf32>
        %exp3A_762 = math.exp %sub3A_761 : vector<16xf32>
        %add3A_763 = arith.addf %add3A_760, %exp3A_762 : vector<16xf32>
        %sub3A_764 = arith.subf %add3A_730, %max3A_752 : vector<16xf32>
        %exp3A_765 = math.exp %sub3A_764 : vector<16xf32>
        %add3A_766 = arith.addf %add3A_763, %exp3A_765 : vector<16xf32>
        %sub3A_767 = arith.subf %add3A_735, %max3A_752 : vector<16xf32>
        %exp3A_768 = math.exp %sub3A_767 : vector<16xf32>
        %add3A_769 = arith.addf %add3A_766, %exp3A_768 : vector<16xf32>
        %sub3A_770 = arith.subf %add3A_740, %max3A_752 : vector<16xf32>
        %exp3A_771 = math.exp %sub3A_770 : vector<16xf32>
        %add3A_772 = arith.addf %add3A_769, %exp3A_771 : vector<16xf32>
        %sub3A_773 = arith.subf %add3A_745, %max3A_752 : vector<16xf32>
        %exp3A_774 = math.exp %sub3A_773 : vector<16xf32>
        %add3A_775 = arith.addf %add3A_772, %exp3A_774 : vector<16xf32>
        %bitcast_convert_type3A_776 = tpu.bitcast %add3A_775 : vector<16xf32> -> vector<16xi32>
        %shift_right_arithmetic3A_777 = arith.constant 23 : i32
        %shift_right_arithmetic3A_778 = vector.broadcast %shift_right_arithmetic3A_777 : i32 to vector<16xi32>
        %shift_right_arithmetic3A_779 = arith.shrsi %bitcast_convert_type3A_776, %shift_right_arithmetic3A_778 : vector<16xi32>
        %sub3A_780 = arith.constant 127 : i32
        %sub3A_781 = vector.broadcast %sub3A_780 : i32 to vector<16xi32>
        %sub3A_782 = arith.subi %shift_right_arithmetic3A_779, %sub3A_781 : vector<16xi32>
        %and3A_783 = arith.constant 8388607 : i32
        %and3A_784 = vector.broadcast %and3A_783 : i32 to vector<16xi32>
        %and3A_785 = arith.andi %bitcast_convert_type3A_776, %and3A_784 : vector<16xi32>
        %or3A_786 = arith.constant 1065353216 : i32
        %or3A_787 = vector.broadcast %or3A_786 : i32 to vector<16xi32>
        %or3A_788 = arith.ori %and3A_785, %or3A_787 : vector<16xi32>
        %bitcast_convert_type3A_789 = tpu.bitcast %or3A_788 : vector<16xi32> -> vector<16xf32>
        %sub3A_790 = arith.constant 1.000000e+00 : f32
        %sub3A_791 = vector.broadcast %sub3A_790 : f32 to vector<16xf32>
        %sub3A_792 = arith.subf %bitcast_convert_type3A_789, %sub3A_791 : vector<16xf32>
        %mul3A_793 = arith.constant 0.15270029 : f32
        %mul3A_794 = vector.broadcast %mul3A_793 : f32 to vector<16xf32>
        %mul3A_795 = arith.mulf %mul3A_794, %sub3A_792 : vector<16xf32>
        %add3A_796 = arith.constant -0.568704069 : f32
        %add3A_797 = vector.broadcast %add3A_796 : f32 to vector<16xf32>
        %add3A_798 = arith.addf %mul3A_795, %add3A_797 : vector<16xf32>
        %mul3A_799 = arith.mulf %add3A_798, %sub3A_792 : vector<16xf32>
        %add3A_800 = arith.constant 1.41565323 : f32
        %add3A_801 = vector.broadcast %add3A_800 : f32 to vector<16xf32>
        %add3A_802 = arith.addf %mul3A_799, %add3A_801 : vector<16xf32>
        %mul3A_803 = arith.mulf %add3A_802, %sub3A_792 : vector<16xf32>
        %add3A_804 = arith.constant 8.25462805E-4 : f32
        %add3A_805 = vector.broadcast %add3A_804 : f32 to vector<16xf32>
        %add3A_806 = arith.addf %mul3A_803, %add3A_805 : vector<16xf32>
        %convert_element_type3A_807 = arith.sitofp %sub3A_782 : vector<16xi32> to vector<16xf32>
        %add3A_808 = arith.addf %convert_element_type3A_807, %add3A_806 : vector<16xf32>
        %mul3A_809 = arith.constant 0.693147182 : f32
        %mul3A_810 = vector.broadcast %mul3A_809 : f32 to vector<16xf32>
        %mul3A_811 = arith.mulf %add3A_808, %mul3A_810 : vector<16xf32>
        %add3A_812 = arith.addf %max3A_752, %mul3A_811 : vector<16xf32>
        %swap3A_813 = arith.constant 4 : i32
        %swap3A_814 = arith.index_cast %and3A_47 : i32 to index
        %swap3A_815 = arith.index_cast %swap3A_813 : i32 to index
        %swap3A_816 = arith.index_cast %mul3A_107 : i32 to index
        %swap3A_817 = tpu.vector_load %arg6[%swap3A_814, %swap3A_815, %swap3A_816] {strides = array<i32>} : memref<2x16x2048xf32, #tpu.memory_space<vmem>>, vector<1x1x16xf32>,
        %swap3A_818 = vector.shape_cast %swap3A_817 : vector<1x1x16xf32> to vector<16xf32>
        %swap3A_819 = vector.shape_cast %add3A_812 : vector<16xf32> to vector<1x1x16xf32>
        tpu.vector_store %arg6[%swap3A_814, %swap3A_815, %swap3A_816], %swap3A_819 {strides = array<i32>} : memref<2x16x2048xf32, #tpu.memory_space<vmem>>, vector<1x1x16xf32>,
        %get3A_820 = arith.constant 5 : i32
        %get3A_821 = arith.index_cast %and3A_47 : i32 to index
        %get3A_822 = arith.index_cast %get3A_820 : i32 to index
        %get3A_823 = arith.index_cast %mul3A_107 : i32 to index
        %get3A_824 = tpu.vector_load %arg6[%get3A_821, %get3A_822, %get3A_823] {strides = array<i32>} : memref<2x16x2048xf32, #tpu.memory_space<vmem>>, vector<1x1x16xf32>,
        %get3A_825 = vector.shape_cast %get3A_824 : vector<1x1x16xf32> to vector<16xf32>
        %sub3A_826 = arith.subf %get3A_825, %get3A_111 : vector<16xf32>
        %sub3A_827 = arith.subf %get3A_825, %get3A_111 : vector<16xf32>
        %mul3A_828 = arith.mulf %sub3A_826, %sub3A_827 : vector<16xf32>
        %mul3A_829 = arith.mulf %mul3A_828, %get3A_151 : vector<16xf32>
        %add3A_830 = arith.addf %mul3A_829, %get3A_191 : vector<16xf32>
        %sub3A_831 = arith.subf %get3A_825, %get3A_116 : vector<16xf32>
        %sub3A_832 = arith.subf %get3A_825, %get3A_116 : vector<16xf32>
        %mul3A_833 = arith.mulf %sub3A_831, %sub3A_832 : vector<16xf32>
        %mul3A_834 = arith.mulf %mul3A_833, %get3A_156 : vector<16xf32>
        %add3A_835 = arith.addf %mul3A_834, %get3A_196 : vector<16xf32>
        %sub3A_836 = arith.subf %get3A_825, %get3A_121 : vector<16xf32>
        %sub3A_837 = arith.subf %get3A_825, %get3A_121 : vector<16xf32>
        %mul3A_838 = arith.mulf %sub3A_836, %sub3A_837 : vector<16xf32>
        %mul3A_839 = arith.mulf %mul3A_838, %get3A_161 : vector<16xf32>
        %add3A_840 = arith.addf %mul3A_839, %get3A_201 : vector<16xf32>
        %sub3A_841 = arith.subf %get3A_825, %get3A_126 : vector<16xf32>
        %sub3A_842 = arith.subf %get3A_825, %get3A_126 : vector<16xf32>
        %mul3A_843 = arith.mulf %sub3A_841, %sub3A_842 : vector<16xf32>
        %mul3A_844 = arith.mulf %mul3A_843, %get3A_166 : vector<16xf32>
        %add3A_845 = arith.addf %mul3A_844, %get3A_206 : vector<16xf32>
        %sub3A_846 = arith.subf %get3A_825, %get3A_131 : vector<16xf32>
        %sub3A_847 = arith.subf %get3A_825, %get3A_131 : vector<16xf32>
        %mul3A_848 = arith.mulf %sub3A_846, %sub3A_847 : vector<16xf32>
        %mul3A_849 = arith.mulf %mul3A_848, %get3A_171 : vector<16xf32>
        %add3A_850 = arith.addf %mul3A_849, %get3A_211 : vector<16xf32>
        %sub3A_851 = arith.subf %get3A_825, %get3A_136 : vector<16xf32>
        %sub3A_852 = arith.subf %get3A_825, %get3A_136 : vector<16xf32>
        %mul3A_853 = arith.mulf %sub3A_851, %sub3A_852 : vector<16xf32>
        %mul3A_854 = arith.mulf %mul3A_853, %get3A_176 : vector<16xf32>
        %add3A_855 = arith.addf %mul3A_854, %get3A_216 : vector<16xf32>
        %sub3A_856 = arith.subf %get3A_825, %get3A_141 : vector<16xf32>
        %sub3A_857 = arith.subf %get3A_825, %get3A_141 : vector<16xf32>
        %mul3A_858 = arith.mulf %sub3A_856, %sub3A_857 : vector<16xf32>
        %mul3A_859 = arith.mulf %mul3A_858, %get3A_181 : vector<16xf32>
        %add3A_860 = arith.addf %mul3A_859, %get3A_221 : vector<16xf32>
        %sub3A_861 = arith.subf %get3A_825, %get3A_146 : vector<16xf32>
        %sub3A_862 = arith.subf %get3A_825, %get3A_146 : vector<16xf32>
        %mul3A_863 = arith.mulf %sub3A_861, %sub3A_862 : vector<16xf32>
        %mul3A_864 = arith.mulf %mul3A_863, %get3A_186 : vector<16xf32>
        %add3A_865 = arith.addf %mul3A_864, %get3A_226 : vector<16xf32>
        %max3A_866 = arith.maximumf %add3A_830, %add3A_835 : vector<16xf32>
        %max3A_867 = arith.maximumf %add3A_840, %add3A_845 : vector<16xf32>
        %max3A_868 = arith.maximumf %max3A_866, %max3A_867 : vector<16xf32>
        %max3A_869 = arith.maximumf %add3A_850, %add3A_855 : vector<16xf32>
        %max3A_870 = arith.maximumf %add3A_860, %add3A_865 : vector<16xf32>
        %max3A_871 = arith.maximumf %max3A_869, %max3A_870 : vector<16xf32>
        %max3A_872 = arith.maximumf %max3A_868, %max3A_871 : vector<16xf32>
        %sub3A_873 = arith.subf %add3A_830, %max3A_872 : vector<16xf32>
        %exp3A_874 = math.exp %sub3A_873 : vector<16xf32>
        %sub3A_875 = arith.subf %add3A_835, %max3A_872 : vector<16xf32>
        %exp3A_876 = math.exp %sub3A_875 : vector<16xf32>
        %add3A_877 = arith.addf %exp3A_874, %exp3A_876 : vector<16xf32>
        %sub3A_878 = arith.subf %add3A_840, %max3A_872 : vector<16xf32>
        %exp3A_879 = math.exp %sub3A_878 : vector<16xf32>
        %add3A_880 = arith.addf %add3A_877, %exp3A_879 : vector<16xf32>
        %sub3A_881 = arith.subf %add3A_845, %max3A_872 : vector<16xf32>
        %exp3A_882 = math.exp %sub3A_881 : vector<16xf32>
        %add3A_883 = arith.addf %add3A_880, %exp3A_882 : vector<16xf32>
        %sub3A_884 = arith.subf %add3A_850, %max3A_872 : vector<16xf32>
        %exp3A_885 = math.exp %sub3A_884 : vector<16xf32>
        %add3A_886 = arith.addf %add3A_883, %exp3A_885 : vector<16xf32>
        %sub3A_887 = arith.subf %add3A_855, %max3A_872 : vector<16xf32>
        %exp3A_888 = math.exp %sub3A_887 : vector<16xf32>
        %add3A_889 = arith.addf %add3A_886, %exp3A_888 : vector<16xf32>
        %sub3A_890 = arith.subf %add3A_860, %max3A_872 : vector<16xf32>
        %exp3A_891 = math.exp %sub3A_890 : vector<16xf32>
        %add3A_892 = arith.addf %add3A_889, %exp3A_891 : vector<16xf32>
        %sub3A_893 = arith.subf %add3A_865, %max3A_872 : vector<16xf32>
        %exp3A_894 = math.exp %sub3A_893 : vector<16xf32>
        %add3A_895 = arith.addf %add3A_892, %exp3A_894 : vector<16xf32>
        %bitcast_convert_type3A_896 = tpu.bitcast %add3A_895 : vector<16xf32> -> vector<16xi32>
        %shift_right_arithmetic3A_897 = arith.constant 23 : i32
        %shift_right_arithmetic3A_898 = vector.broadcast %shift_right_arithmetic3A_897 : i32 to vector<16xi32>
        %shift_right_arithmetic3A_899 = arith.shrsi %bitcast_convert_type3A_896, %shift_right_arithmetic3A_898 : vector<16xi32>
        %sub3A_900 = arith.constant 127 : i32
        %sub3A_901 = vector.broadcast %sub3A_900 : i32 to vector<16xi32>
        %sub3A_902 = arith.subi %shift_right_arithmetic3A_899, %sub3A_901 : vector<16xi32>
        %and3A_903 = arith.constant 8388607 : i32
        %and3A_904 = vector.broadcast %and3A_903 : i32 to vector<16xi32>
        %and3A_905 = arith.andi %bitcast_convert_type3A_896, %and3A_904 : vector<16xi32>
        %or3A_906 = arith.constant 1065353216 : i32
        %or3A_907 = vector.broadcast %or3A_906 : i32 to vector<16xi32>
        %or3A_908 = arith.ori %and3A_905, %or3A_907 : vector<16xi32>
        %bitcast_convert_type3A_909 = tpu.bitcast %or3A_908 : vector<16xi32> -> vector<16xf32>
        %sub3A_910 = arith.constant 1.000000e+00 : f32
        %sub3A_911 = vector.broadcast %sub3A_910 : f32 to vector<16xf32>
        %sub3A_912 = arith.subf %bitcast_convert_type3A_909, %sub3A_911 : vector<16xf32>
        %mul3A_913 = arith.constant 0.15270029 : f32
        %mul3A_914 = vector.broadcast %mul3A_913 : f32 to vector<16xf32>
        %mul3A_915 = arith.mulf %mul3A_914, %sub3A_912 : vector<16xf32>
        %add3A_916 = arith.constant -0.568704069 : f32
        %add3A_917 = vector.broadcast %add3A_916 : f32 to vector<16xf32>
        %add3A_918 = arith.addf %mul3A_915, %add3A_917 : vector<16xf32>
        %mul3A_919 = arith.mulf %add3A_918, %sub3A_912 : vector<16xf32>
        %add3A_920 = arith.constant 1.41565323 : f32
        %add3A_921 = vector.broadcast %add3A_920 : f32 to vector<16xf32>
        %add3A_922 = arith.addf %mul3A_919, %add3A_921 : vector<16xf32>
        %mul3A_923 = arith.mulf %add3A_922, %sub3A_912 : vector<16xf32>
        %add3A_924 = arith.constant 8.25462805E-4 : f32
        %add3A_925 = vector.broadcast %add3A_924 : f32 to vector<16xf32>
        %add3A_926 = arith.addf %mul3A_923, %add3A_925 : vector<16xf32>
        %convert_element_type3A_927 = arith.sitofp %sub3A_902 : vector<16xi32> to vector<16xf32>
        %add3A_928 = arith.addf %convert_element_type3A_927, %add3A_926 : vector<16xf32>
        %mul3A_929 = arith.constant 0.693147182 : f32
        %mul3A_930 = vector.broadcast %mul3A_929 : f32 to vector<16xf32>
        %mul3A_931 = arith.mulf %add3A_928, %mul3A_930 : vector<16xf32>
        %add3A_932 = arith.addf %max3A_872, %mul3A_931 : vector<16xf32>
        %swap3A_933 = arith.constant 5 : i32
        %swap3A_934 = arith.index_cast %and3A_47 : i32 to index
        %swap3A_935 = arith.index_cast %swap3A_933 : i32 to index
        %swap3A_936 = arith.index_cast %mul3A_107 : i32 to index
        %swap3A_937 = tpu.vector_load %arg6[%swap3A_934, %swap3A_935, %swap3A_936] {strides = array<i32>} : memref<2x16x2048xf32, #tpu.memory_space<vmem>>, vector<1x1x16xf32>,
        %swap3A_938 = vector.shape_cast %swap3A_937 : vector<1x1x16xf32> to vector<16xf32>
        %swap3A_939 = vector.shape_cast %add3A_932 : vector<16xf32> to vector<1x1x16xf32>
        tpu.vector_store %arg6[%swap3A_934, %swap3A_935, %swap3A_936], %swap3A_939 {strides = array<i32>} : memref<2x16x2048xf32, #tpu.memory_space<vmem>>, vector<1x1x16xf32>,
        %get3A_940 = arith.constant 6 : i32
        %get3A_941 = arith.index_cast %and3A_47 : i32 to index
        %get3A_942 = arith.index_cast %get3A_940 : i32 to index
        %get3A_943 = arith.index_cast %mul3A_107 : i32 to index
        %get3A_944 = tpu.vector_load %arg6[%get3A_941, %get3A_942, %get3A_943] {strides = array<i32>} : memref<2x16x2048xf32, #tpu.memory_space<vmem>>, vector<1x1x16xf32>,
        %get3A_945 = vector.shape_cast %get3A_944 : vector<1x1x16xf32> to vector<16xf32>
        %sub3A_946 = arith.subf %get3A_945, %get3A_111 : vector<16xf32>
        %sub3A_947 = arith.subf %get3A_945, %get3A_111 : vector<16xf32>
        %mul3A_948 = arith.mulf %sub3A_946, %sub3A_947 : vector<16xf32>
        %mul3A_949 = arith.mulf %mul3A_948, %get3A_151 : vector<16xf32>
        %add3A_950 = arith.addf %mul3A_949, %get3A_191 : vector<16xf32>
        %sub3A_951 = arith.subf %get3A_945, %get3A_116 : vector<16xf32>
        %sub3A_952 = arith.subf %get3A_945, %get3A_116 : vector<16xf32>
        %mul3A_953 = arith.mulf %sub3A_951, %sub3A_952 : vector<16xf32>
        %mul3A_954 = arith.mulf %mul3A_953, %get3A_156 : vector<16xf32>
        %add3A_955 = arith.addf %mul3A_954, %get3A_196 : vector<16xf32>
        %sub3A_956 = arith.subf %get3A_945, %get3A_121 : vector<16xf32>
        %sub3A_957 = arith.subf %get3A_945, %get3A_121 : vector<16xf32>
        %mul3A_958 = arith.mulf %sub3A_956, %sub3A_957 : vector<16xf32>
        %mul3A_959 = arith.mulf %mul3A_958, %get3A_161 : vector<16xf32>
        %add3A_960 = arith.addf %mul3A_959, %get3A_201 : vector<16xf32>
        %sub3A_961 = arith.subf %get3A_945, %get3A_126 : vector<16xf32>
        %sub3A_962 = arith.subf %get3A_945, %get3A_126 : vector<16xf32>
        %mul3A_963 = arith.mulf %sub3A_961, %sub3A_962 : vector<16xf32>
        %mul3A_964 = arith.mulf %mul3A_963, %get3A_166 : vector<16xf32>
        %add3A_965 = arith.addf %mul3A_964, %get3A_206 : vector<16xf32>
        %sub3A_966 = arith.subf %get3A_945, %get3A_131 : vector<16xf32>
        %sub3A_967 = arith.subf %get3A_945, %get3A_131 : vector<16xf32>
        %mul3A_968 = arith.mulf %sub3A_966, %sub3A_967 : vector<16xf32>
        %mul3A_969 = arith.mulf %mul3A_968, %get3A_171 : vector<16xf32>
        %add3A_970 = arith.addf %mul3A_969, %get3A_211 : vector<16xf32>
        %sub3A_971 = arith.subf %get3A_945, %get3A_136 : vector<16xf32>
        %sub3A_972 = arith.subf %get3A_945, %get3A_136 : vector<16xf32>
        %mul3A_973 = arith.mulf %sub3A_971, %sub3A_972 : vector<16xf32>
        %mul3A_974 = arith.mulf %mul3A_973, %get3A_176 : vector<16xf32>
        %add3A_975 = arith.addf %mul3A_974, %get3A_216 : vector<16xf32>
        %sub3A_976 = arith.subf %get3A_945, %get3A_141 : vector<16xf32>
        %sub3A_977 = arith.subf %get3A_945, %get3A_141 : vector<16xf32>
        %mul3A_978 = arith.mulf %sub3A_976, %sub3A_977 : vector<16xf32>
        %mul3A_979 = arith.mulf %mul3A_978, %get3A_181 : vector<16xf32>
        %add3A_980 = arith.addf %mul3A_979, %get3A_221 : vector<16xf32>
        %sub3A_981 = arith.subf %get3A_945, %get3A_146 : vector<16xf32>
        %sub3A_982 = arith.subf %get3A_945, %get3A_146 : vector<16xf32>
        %mul3A_983 = arith.mulf %sub3A_981, %sub3A_982 : vector<16xf32>
        %mul3A_984 = arith.mulf %mul3A_983, %get3A_186 : vector<16xf32>
        %add3A_985 = arith.addf %mul3A_984, %get3A_226 : vector<16xf32>
        %max3A_986 = arith.maximumf %add3A_950, %add3A_955 : vector<16xf32>
        %max3A_987 = arith.maximumf %add3A_960, %add3A_965 : vector<16xf32>
        %max3A_988 = arith.maximumf %max3A_986, %max3A_987 : vector<16xf32>
        %max3A_989 = arith.maximumf %add3A_970, %add3A_975 : vector<16xf32>
        %max3A_990 = arith.maximumf %add3A_980, %add3A_985 : vector<16xf32>
        %max3A_991 = arith.maximumf %max3A_989, %max3A_990 : vector<16xf32>
        %max3A_992 = arith.maximumf %max3A_988, %max3A_991 : vector<16xf32>
        %sub3A_993 = arith.subf %add3A_950, %max3A_992 : vector<16xf32>
        %exp3A_994 = math.exp %sub3A_993 : vector<16xf32>
        %sub3A_995 = arith.subf %add3A_955, %max3A_992 : vector<16xf32>
        %exp3A_996 = math.exp %sub3A_995 : vector<16xf32>
        %add3A_997 = arith.addf %exp3A_994, %exp3A_996 : vector<16xf32>
        %sub3A_998 = arith.subf %add3A_960, %max3A_992 : vector<16xf32>
        %exp3A_999 = math.exp %sub3A_998 : vector<16xf32>
        %add3A_1000 = arith.addf %add3A_997, %exp3A_999 : vector<16xf32>
        %sub3A_1001 = arith.subf %add3A_965, %max3A_992 : vector<16xf32>
        %exp3A_1002 = math.exp %sub3A_1001 : vector<16xf32>
        %add3A_1003 = arith.addf %add3A_1000, %exp3A_1002 : vector<16xf32>
        %sub3A_1004 = arith.subf %add3A_970, %max3A_992 : vector<16xf32>
        %exp3A_1005 = math.exp %sub3A_1004 : vector<16xf32>
        %add3A_1006 = arith.addf %add3A_1003, %exp3A_1005 : vector<16xf32>
        %sub3A_1007 = arith.subf %add3A_975, %max3A_992 : vector<16xf32>
        %exp3A_1008 = math.exp %sub3A_1007 : vector<16xf32>
        %add3A_1009 = arith.addf %add3A_1006, %exp3A_1008 : vector<16xf32>
        %sub3A_1010 = arith.subf %add3A_980, %max3A_992 : vector<16xf32>
        %exp3A_1011 = math.exp %sub3A_1010 : vector<16xf32>
        %add3A_1012 = arith.addf %add3A_1009, %exp3A_1011 : vector<16xf32>
        %sub3A_1013 = arith.subf %add3A_985, %max3A_992 : vector<16xf32>
        %exp3A_1014 = math.exp %sub3A_1013 : vector<16xf32>
        %add3A_1015 = arith.addf %add3A_1012, %exp3A_1014 : vector<16xf32>
        %bitcast_convert_type3A_1016 = tpu.bitcast %add3A_1015 : vector<16xf32> -> vector<16xi32>
        %shift_right_arithmetic3A_1017 = arith.constant 23 : i32
        %shift_right_arithmetic3A_1018 = vector.broadcast %shift_right_arithmetic3A_1017 : i32 to vector<16xi32>
        %shift_right_arithmetic3A_1019 = arith.shrsi %bitcast_convert_type3A_1016, %shift_right_arithmetic3A_1018 : vector<16xi32>
        %sub3A_1020 = arith.constant 127 : i32
        %sub3A_1021 = vector.broadcast %sub3A_1020 : i32 to vector<16xi32>
        %sub3A_1022 = arith.subi %shift_right_arithmetic3A_1019, %sub3A_1021 : vector<16xi32>
        %and3A_1023 = arith.constant 8388607 : i32
        %and3A_1024 = vector.broadcast %and3A_1023 : i32 to vector<16xi32>
        %and3A_1025 = arith.andi %bitcast_convert_type3A_1016, %and3A_1024 : vector<16xi32>
        %or3A_1026 = arith.constant 1065353216 : i32
        %or3A_1027 = vector.broadcast %or3A_1026 : i32 to vector<16xi32>
        %or3A_1028 = arith.ori %and3A_1025, %or3A_1027 : vector<16xi32>
        %bitcast_convert_type3A_1029 = tpu.bitcast %or3A_1028 : vector<16xi32> -> vector<16xf32>
        %sub3A_1030 = arith.constant 1.000000e+00 : f32
        %sub3A_1031 = vector.broadcast %sub3A_1030 : f32 to vector<16xf32>
        %sub3A_1032 = arith.subf %bitcast_convert_type3A_1029, %sub3A_1031 : vector<16xf32>
        %mul3A_1033 = arith.constant 0.15270029 : f32
        %mul3A_1034 = vector.broadcast %mul3A_1033 : f32 to vector<16xf32>
        %mul3A_1035 = arith.mulf %mul3A_1034, %sub3A_1032 : vector<16xf32>
        %add3A_1036 = arith.constant -0.568704069 : f32
        %add3A_1037 = vector.broadcast %add3A_1036 : f32 to vector<16xf32>
        %add3A_1038 = arith.addf %mul3A_1035, %add3A_1037 : vector<16xf32>
        %mul3A_1039 = arith.mulf %add3A_1038, %sub3A_1032 : vector<16xf32>
        %add3A_1040 = arith.constant 1.41565323 : f32
        %add3A_1041 = vector.broadcast %add3A_1040 : f32 to vector<16xf32>
        %add3A_1042 = arith.addf %mul3A_1039, %add3A_1041 : vector<16xf32>
        %mul3A_1043 = arith.mulf %add3A_1042, %sub3A_1032 : vector<16xf32>
        %add3A_1044 = arith.constant 8.25462805E-4 : f32
        %add3A_1045 = vector.broadcast %add3A_1044 : f32 to vector<16xf32>
        %add3A_1046 = arith.addf %mul3A_1043, %add3A_1045 : vector<16xf32>
        %convert_element_type3A_1047 = arith.sitofp %sub3A_1022 : vector<16xi32> to vector<16xf32>
        %add3A_1048 = arith.addf %convert_element_type3A_1047, %add3A_1046 : vector<16xf32>
        %mul3A_1049 = arith.constant 0.693147182 : f32
        %mul3A_1050 = vector.broadcast %mul3A_1049 : f32 to vector<16xf32>
        %mul3A_1051 = arith.mulf %add3A_1048, %mul3A_1050 : vector<16xf32>
        %add3A_1052 = arith.addf %max3A_992, %mul3A_1051 : vector<16xf32>
        %swap3A_1053 = arith.constant 6 : i32
        %swap3A_1054 = arith.index_cast %and3A_47 : i32 to index
        %swap3A_1055 = arith.index_cast %swap3A_1053 : i32 to index
        %swap3A_1056 = arith.index_cast %mul3A_107 : i32 to index
        %swap3A_1057 = tpu.vector_load %arg6[%swap3A_1054, %swap3A_1055, %swap3A_1056] {strides = array<i32>} : memref<2x16x2048xf32, #tpu.memory_space<vmem>>, vector<1x1x16xf32>,
        %swap3A_1058 = vector.shape_cast %swap3A_1057 : vector<1x1x16xf32> to vector<16xf32>
        %swap3A_1059 = vector.shape_cast %add3A_1052 : vector<16xf32> to vector<1x1x16xf32>
        tpu.vector_store %arg6[%swap3A_1054, %swap3A_1055, %swap3A_1056], %swap3A_1059 {strides = array<i32>} : memref<2x16x2048xf32, #tpu.memory_space<vmem>>, vector<1x1x16xf32>,
        %get3A_1060 = arith.constant 7 : i32
        %get3A_1061 = arith.index_cast %and3A_47 : i32 to index
        %get3A_1062 = arith.index_cast %get3A_1060 : i32 to index
        %get3A_1063 = arith.index_cast %mul3A_107 : i32 to index
        %get3A_1064 = tpu.vector_load %arg6[%get3A_1061, %get3A_1062, %get3A_1063] {strides = array<i32>} : memref<2x16x2048xf32, #tpu.memory_space<vmem>>, vector<1x1x16xf32>,
        %get3A_1065 = vector.shape_cast %get3A_1064 : vector<1x1x16xf32> to vector<16xf32>
        %sub3A_1066 = arith.subf %get3A_1065, %get3A_111 : vector<16xf32>
        %sub3A_1067 = arith.subf %get3A_1065, %get3A_111 : vector<16xf32>
        %mul3A_1068 = arith.mulf %sub3A_1066, %sub3A_1067 : vector<16xf32>
        %mul3A_1069 = arith.mulf %mul3A_1068, %get3A_151 : vector<16xf32>
        %add3A_1070 = arith.addf %mul3A_1069, %get3A_191 : vector<16xf32>
        %sub3A_1071 = arith.subf %get3A_1065, %get3A_116 : vector<16xf32>
        %sub3A_1072 = arith.subf %get3A_1065, %get3A_116 : vector<16xf32>
        %mul3A_1073 = arith.mulf %sub3A_1071, %sub3A_1072 : vector<16xf32>
        %mul3A_1074 = arith.mulf %mul3A_1073, %get3A_156 : vector<16xf32>
        %add3A_1075 = arith.addf %mul3A_1074, %get3A_196 : vector<16xf32>
        %sub3A_1076 = arith.subf %get3A_1065, %get3A_121 : vector<16xf32>
        %sub3A_1077 = arith.subf %get3A_1065, %get3A_121 : vector<16xf32>
        %mul3A_1078 = arith.mulf %sub3A_1076, %sub3A_1077 : vector<16xf32>
        %mul3A_1079 = arith.mulf %mul3A_1078, %get3A_161 : vector<16xf32>
        %add3A_1080 = arith.addf %mul3A_1079, %get3A_201 : vector<16xf32>
        %sub3A_1081 = arith.subf %get3A_1065, %get3A_126 : vector<16xf32>
        %sub3A_1082 = arith.subf %get3A_1065, %get3A_126 : vector<16xf32>
        %mul3A_1083 = arith.mulf %sub3A_1081, %sub3A_1082 : vector<16xf32>
        %mul3A_1084 = arith.mulf %mul3A_1083, %get3A_166 : vector<16xf32>
        %add3A_1085 = arith.addf %mul3A_1084, %get3A_206 : vector<16xf32>
        %sub3A_1086 = arith.subf %get3A_1065, %get3A_131 : vector<16xf32>
        %sub3A_1087 = arith.subf %get3A_1065, %get3A_131 : vector<16xf32>
        %mul3A_1088 = arith.mulf %sub3A_1086, %sub3A_1087 : vector<16xf32>
        %mul3A_1089 = arith.mulf %mul3A_1088, %get3A_171 : vector<16xf32>
        %add3A_1090 = arith.addf %mul3A_1089, %get3A_211 : vector<16xf32>
        %sub3A_1091 = arith.subf %get3A_1065, %get3A_136 : vector<16xf32>
        %sub3A_1092 = arith.subf %get3A_1065, %get3A_136 : vector<16xf32>
        %mul3A_1093 = arith.mulf %sub3A_1091, %sub3A_1092 : vector<16xf32>
        %mul3A_1094 = arith.mulf %mul3A_1093, %get3A_176 : vector<16xf32>
        %add3A_1095 = arith.addf %mul3A_1094, %get3A_216 : vector<16xf32>
        %sub3A_1096 = arith.subf %get3A_1065, %get3A_141 : vector<16xf32>
        %sub3A_1097 = arith.subf %get3A_1065, %get3A_141 : vector<16xf32>
        %mul3A_1098 = arith.mulf %sub3A_1096, %sub3A_1097 : vector<16xf32>
        %mul3A_1099 = arith.mulf %mul3A_1098, %get3A_181 : vector<16xf32>
        %add3A_1100 = arith.addf %mul3A_1099, %get3A_221 : vector<16xf32>
        %sub3A_1101 = arith.subf %get3A_1065, %get3A_146 : vector<16xf32>
        %sub3A_1102 = arith.subf %get3A_1065, %get3A_146 : vector<16xf32>
        %mul3A_1103 = arith.mulf %sub3A_1101, %sub3A_1102 : vector<16xf32>
        %mul3A_1104 = arith.mulf %mul3A_1103, %get3A_186 : vector<16xf32>
        %add3A_1105 = arith.addf %mul3A_1104, %get3A_226 : vector<16xf32>
        %max3A_1106 = arith.maximumf %add3A_1070, %add3A_1075 : vector<16xf32>
        %max3A_1107 = arith.maximumf %add3A_1080, %add3A_1085 : vector<16xf32>
        %max3A_1108 = arith.maximumf %max3A_1106, %max3A_1107 : vector<16xf32>
        %max3A_1109 = arith.maximumf %add3A_1090, %add3A_1095 : vector<16xf32>
        %max3A_1110 = arith.maximumf %add3A_1100, %add3A_1105 : vector<16xf32>
        %max3A_1111 = arith.maximumf %max3A_1109, %max3A_1110 : vector<16xf32>
        %max3A_1112 = arith.maximumf %max3A_1108, %max3A_1111 : vector<16xf32>
        %sub3A_1113 = arith.subf %add3A_1070, %max3A_1112 : vector<16xf32>
        %exp3A_1114 = math.exp %sub3A_1113 : vector<16xf32>
        %sub3A_1115 = arith.subf %add3A_1075, %max3A_1112 : vector<16xf32>
        %exp3A_1116 = math.exp %sub3A_1115 : vector<16xf32>
        %add3A_1117 = arith.addf %exp3A_1114, %exp3A_1116 : vector<16xf32>
        %sub3A_1118 = arith.subf %add3A_1080, %max3A_1112 : vector<16xf32>
        %exp3A_1119 = math.exp %sub3A_1118 : vector<16xf32>
        %add3A_1120 = arith.addf %add3A_1117, %exp3A_1119 : vector<16xf32>
        %sub3A_1121 = arith.subf %add3A_1085, %max3A_1112 : vector<16xf32>
        %exp3A_1122 = math.exp %sub3A_1121 : vector<16xf32>
        %add3A_1123 = arith.addf %add3A_1120, %exp3A_1122 : vector<16xf32>
        %sub3A_1124 = arith.subf %add3A_1090, %max3A_1112 : vector<16xf32>
        %exp3A_1125 = math.exp %sub3A_1124 : vector<16xf32>
        %add3A_1126 = arith.addf %add3A_1123, %exp3A_1125 : vector<16xf32>
        %sub3A_1127 = arith.subf %add3A_1095, %max3A_1112 : vector<16xf32>
        %exp3A_1128 = math.exp %sub3A_1127 : vector<16xf32>
        %add3A_1129 = arith.addf %add3A_1126, %exp3A_1128 : vector<16xf32>
        %sub3A_1130 = arith.subf %add3A_1100, %max3A_1112 : vector<16xf32>
        %exp3A_1131 = math.exp %sub3A_1130 : vector<16xf32>
        %add3A_1132 = arith.addf %add3A_1129, %exp3A_1131 : vector<16xf32>
        %sub3A_1133 = arith.subf %add3A_1105, %max3A_1112 : vector<16xf32>
        %exp3A_1134 = math.exp %sub3A_1133 : vector<16xf32>
        %add3A_1135 = arith.addf %add3A_1132, %exp3A_1134 : vector<16xf32>
        %bitcast_convert_type3A_1136 = tpu.bitcast %add3A_1135 : vector<16xf32> -> vector<16xi32>
        %shift_right_arithmetic3A_1137 = arith.constant 23 : i32
        %shift_right_arithmetic3A_1138 = vector.broadcast %shift_right_arithmetic3A_1137 : i32 to vector<16xi32>
        %shift_right_arithmetic3A_1139 = arith.shrsi %bitcast_convert_type3A_1136, %shift_right_arithmetic3A_1138 : vector<16xi32>
        %sub3A_1140 = arith.constant 127 : i32
        %sub3A_1141 = vector.broadcast %sub3A_1140 : i32 to vector<16xi32>
        %sub3A_1142 = arith.subi %shift_right_arithmetic3A_1139, %sub3A_1141 : vector<16xi32>
        %and3A_1143 = arith.constant 8388607 : i32
        %and3A_1144 = vector.broadcast %and3A_1143 : i32 to vector<16xi32>
        %and3A_1145 = arith.andi %bitcast_convert_type3A_1136, %and3A_1144 : vector<16xi32>
        %or3A_1146 = arith.constant 1065353216 : i32
        %or3A_1147 = vector.broadcast %or3A_1146 : i32 to vector<16xi32>
        %or3A_1148 = arith.ori %and3A_1145, %or3A_1147 : vector<16xi32>
        %bitcast_convert_type3A_1149 = tpu.bitcast %or3A_1148 : vector<16xi32> -> vector<16xf32>
        %sub3A_1150 = arith.constant 1.000000e+00 : f32
        %sub3A_1151 = vector.broadcast %sub3A_1150 : f32 to vector<16xf32>
        %sub3A_1152 = arith.subf %bitcast_convert_type3A_1149, %sub3A_1151 : vector<16xf32>
        %mul3A_1153 = arith.constant 0.15270029 : f32
        %mul3A_1154 = vector.broadcast %mul3A_1153 : f32 to vector<16xf32>
        %mul3A_1155 = arith.mulf %mul3A_1154, %sub3A_1152 : vector<16xf32>
        %add3A_1156 = arith.constant -0.568704069 : f32
        %add3A_1157 = vector.broadcast %add3A_1156 : f32 to vector<16xf32>
        %add3A_1158 = arith.addf %mul3A_1155, %add3A_1157 : vector<16xf32>
        %mul3A_1159 = arith.mulf %add3A_1158, %sub3A_1152 : vector<16xf32>
        %add3A_1160 = arith.constant 1.41565323 : f32
        %add3A_1161 = vector.broadcast %add3A_1160 : f32 to vector<16xf32>
        %add3A_1162 = arith.addf %mul3A_1159, %add3A_1161 : vector<16xf32>
        %mul3A_1163 = arith.mulf %add3A_1162, %sub3A_1152 : vector<16xf32>
        %add3A_1164 = arith.constant 8.25462805E-4 : f32
        %add3A_1165 = vector.broadcast %add3A_1164 : f32 to vector<16xf32>
        %add3A_1166 = arith.addf %mul3A_1163, %add3A_1165 : vector<16xf32>
        %convert_element_type3A_1167 = arith.sitofp %sub3A_1142 : vector<16xi32> to vector<16xf32>
        %add3A_1168 = arith.addf %convert_element_type3A_1167, %add3A_1166 : vector<16xf32>
        %mul3A_1169 = arith.constant 0.693147182 : f32
        %mul3A_1170 = vector.broadcast %mul3A_1169 : f32 to vector<16xf32>
        %mul3A_1171 = arith.mulf %add3A_1168, %mul3A_1170 : vector<16xf32>
        %add3A_1172 = arith.addf %max3A_1112, %mul3A_1171 : vector<16xf32>
        %swap3A_1173 = arith.constant 7 : i32
        %swap3A_1174 = arith.index_cast %and3A_47 : i32 to index
        %swap3A_1175 = arith.index_cast %swap3A_1173 : i32 to index
        %swap3A_1176 = arith.index_cast %mul3A_107 : i32 to index
        %swap3A_1177 = tpu.vector_load %arg6[%swap3A_1174, %swap3A_1175, %swap3A_1176] {strides = array<i32>} : memref<2x16x2048xf32, #tpu.memory_space<vmem>>, vector<1x1x16xf32>,
        %swap3A_1178 = vector.shape_cast %swap3A_1177 : vector<1x1x16xf32> to vector<16xf32>
        %swap3A_1179 = vector.shape_cast %add3A_1172 : vector<16xf32> to vector<1x1x16xf32>
        tpu.vector_store %arg6[%swap3A_1174, %swap3A_1175, %swap3A_1176], %swap3A_1179 {strides = array<i32>} : memref<2x16x2048xf32, #tpu.memory_space<vmem>>, vector<1x1x16xf32>,
        %get3A_1180 = arith.constant 8 : i32
        %get3A_1181 = arith.index_cast %and3A_47 : i32 to index
        %get3A_1182 = arith.index_cast %get3A_1180 : i32 to index
        %get3A_1183 = arith.index_cast %mul3A_107 : i32 to index
        %get3A_1184 = tpu.vector_load %arg6[%get3A_1181, %get3A_1182, %get3A_1183] {strides = array<i32>} : memref<2x16x2048xf32, #tpu.memory_space<vmem>>, vector<1x1x16xf32>,
        %get3A_1185 = vector.shape_cast %get3A_1184 : vector<1x1x16xf32> to vector<16xf32>
        %sub3A_1186 = arith.subf %get3A_1185, %get3A_111 : vector<16xf32>
        %sub3A_1187 = arith.subf %get3A_1185, %get3A_111 : vector<16xf32>
        %mul3A_1188 = arith.mulf %sub3A_1186, %sub3A_1187 : vector<16xf32>
        %mul3A_1189 = arith.mulf %mul3A_1188, %get3A_151 : vector<16xf32>
        %add3A_1190 = arith.addf %mul3A_1189, %get3A_191 : vector<16xf32>
        %sub3A_1191 = arith.subf %get3A_1185, %get3A_116 : vector<16xf32>
        %sub3A_1192 = arith.subf %get3A_1185, %get3A_116 : vector<16xf32>
        %mul3A_1193 = arith.mulf %sub3A_1191, %sub3A_1192 : vector<16xf32>
        %mul3A_1194 = arith.mulf %mul3A_1193, %get3A_156 : vector<16xf32>
        %add3A_1195 = arith.addf %mul3A_1194, %get3A_196 : vector<16xf32>
        %sub3A_1196 = arith.subf %get3A_1185, %get3A_121 : vector<16xf32>
        %sub3A_1197 = arith.subf %get3A_1185, %get3A_121 : vector<16xf32>
        %mul3A_1198 = arith.mulf %sub3A_1196, %sub3A_1197 : vector<16xf32>
        %mul3A_1199 = arith.mulf %mul3A_1198, %get3A_161 : vector<16xf32>
        %add3A_1200 = arith.addf %mul3A_1199, %get3A_201 : vector<16xf32>
        %sub3A_1201 = arith.subf %get3A_1185, %get3A_126 : vector<16xf32>
        %sub3A_1202 = arith.subf %get3A_1185, %get3A_126 : vector<16xf32>
        %mul3A_1203 = arith.mulf %sub3A_1201, %sub3A_1202 : vector<16xf32>
        %mul3A_1204 = arith.mulf %mul3A_1203, %get3A_166 : vector<16xf32>
        %add3A_1205 = arith.addf %mul3A_1204, %get3A_206 : vector<16xf32>
        %sub3A_1206 = arith.subf %get3A_1185, %get3A_131 : vector<16xf32>
        %sub3A_1207 = arith.subf %get3A_1185, %get3A_131 : vector<16xf32>
        %mul3A_1208 = arith.mulf %sub3A_1206, %sub3A_1207 : vector<16xf32>
        %mul3A_1209 = arith.mulf %mul3A_1208, %get3A_171 : vector<16xf32>
        %add3A_1210 = arith.addf %mul3A_1209, %get3A_211 : vector<16xf32>
        %sub3A_1211 = arith.subf %get3A_1185, %get3A_136 : vector<16xf32>
        %sub3A_1212 = arith.subf %get3A_1185, %get3A_136 : vector<16xf32>
        %mul3A_1213 = arith.mulf %sub3A_1211, %sub3A_1212 : vector<16xf32>
        %mul3A_1214 = arith.mulf %mul3A_1213, %get3A_176 : vector<16xf32>
        %add3A_1215 = arith.addf %mul3A_1214, %get3A_216 : vector<16xf32>
        %sub3A_1216 = arith.subf %get3A_1185, %get3A_141 : vector<16xf32>
        %sub3A_1217 = arith.subf %get3A_1185, %get3A_141 : vector<16xf32>
        %mul3A_1218 = arith.mulf %sub3A_1216, %sub3A_1217 : vector<16xf32>
        %mul3A_1219 = arith.mulf %mul3A_1218, %get3A_181 : vector<16xf32>
        %add3A_1220 = arith.addf %mul3A_1219, %get3A_221 : vector<16xf32>
        %sub3A_1221 = arith.subf %get3A_1185, %get3A_146 : vector<16xf32>
        %sub3A_1222 = arith.subf %get3A_1185, %get3A_146 : vector<16xf32>
        %mul3A_1223 = arith.mulf %sub3A_1221, %sub3A_1222 : vector<16xf32>
        %mul3A_1224 = arith.mulf %mul3A_1223, %get3A_186 : vector<16xf32>
        %add3A_1225 = arith.addf %mul3A_1224, %get3A_226 : vector<16xf32>
        %max3A_1226 = arith.maximumf %add3A_1190, %add3A_1195 : vector<16xf32>
        %max3A_1227 = arith.maximumf %add3A_1200, %add3A_1205 : vector<16xf32>
        %max3A_1228 = arith.maximumf %max3A_1226, %max3A_1227 : vector<16xf32>
        %max3A_1229 = arith.maximumf %add3A_1210, %add3A_1215 : vector<16xf32>
        %max3A_1230 = arith.maximumf %add3A_1220, %add3A_1225 : vector<16xf32>
        %max3A_1231 = arith.maximumf %max3A_1229, %max3A_1230 : vector<16xf32>
        %max3A_1232 = arith.maximumf %max3A_1228, %max3A_1231 : vector<16xf32>
        %sub3A_1233 = arith.subf %add3A_1190, %max3A_1232 : vector<16xf32>
        %exp3A_1234 = math.exp %sub3A_1233 : vector<16xf32>
        %sub3A_1235 = arith.subf %add3A_1195, %max3A_1232 : vector<16xf32>
        %exp3A_1236 = math.exp %sub3A_1235 : vector<16xf32>
        %add3A_1237 = arith.addf %exp3A_1234, %exp3A_1236 : vector<16xf32>
        %sub3A_1238 = arith.subf %add3A_1200, %max3A_1232 : vector<16xf32>
        %exp3A_1239 = math.exp %sub3A_1238 : vector<16xf32>
        %add3A_1240 = arith.addf %add3A_1237, %exp3A_1239 : vector<16xf32>
        %sub3A_1241 = arith.subf %add3A_1205, %max3A_1232 : vector<16xf32>
        %exp3A_1242 = math.exp %sub3A_1241 : vector<16xf32>
        %add3A_1243 = arith.addf %add3A_1240, %exp3A_1242 : vector<16xf32>
        %sub3A_1244 = arith.subf %add3A_1210, %max3A_1232 : vector<16xf32>
        %exp3A_1245 = math.exp %sub3A_1244 : vector<16xf32>
        %add3A_1246 = arith.addf %add3A_1243, %exp3A_1245 : vector<16xf32>
        %sub3A_1247 = arith.subf %add3A_1215, %max3A_1232 : vector<16xf32>
        %exp3A_1248 = math.exp %sub3A_1247 : vector<16xf32>
        %add3A_1249 = arith.addf %add3A_1246, %exp3A_1248 : vector<16xf32>
        %sub3A_1250 = arith.subf %add3A_1220, %max3A_1232 : vector<16xf32>
        %exp3A_1251 = math.exp %sub3A_1250 : vector<16xf32>
        %add3A_1252 = arith.addf %add3A_1249, %exp3A_1251 : vector<16xf32>
        %sub3A_1253 = arith.subf %add3A_1225, %max3A_1232 : vector<16xf32>
        %exp3A_1254 = math.exp %sub3A_1253 : vector<16xf32>
        %add3A_1255 = arith.addf %add3A_1252, %exp3A_1254 : vector<16xf32>
        %bitcast_convert_type3A_1256 = tpu.bitcast %add3A_1255 : vector<16xf32> -> vector<16xi32>
        %shift_right_arithmetic3A_1257 = arith.constant 23 : i32
        %shift_right_arithmetic3A_1258 = vector.broadcast %shift_right_arithmetic3A_1257 : i32 to vector<16xi32>
        %shift_right_arithmetic3A_1259 = arith.shrsi %bitcast_convert_type3A_1256, %shift_right_arithmetic3A_1258 : vector<16xi32>
        %sub3A_1260 = arith.constant 127 : i32
        %sub3A_1261 = vector.broadcast %sub3A_1260 : i32 to vector<16xi32>
        %sub3A_1262 = arith.subi %shift_right_arithmetic3A_1259, %sub3A_1261 : vector<16xi32>
        %and3A_1263 = arith.constant 8388607 : i32
        %and3A_1264 = vector.broadcast %and3A_1263 : i32 to vector<16xi32>
        %and3A_1265 = arith.andi %bitcast_convert_type3A_1256, %and3A_1264 : vector<16xi32>
        %or3A_1266 = arith.constant 1065353216 : i32
        %or3A_1267 = vector.broadcast %or3A_1266 : i32 to vector<16xi32>
        %or3A_1268 = arith.ori %and3A_1265, %or3A_1267 : vector<16xi32>
        %bitcast_convert_type3A_1269 = tpu.bitcast %or3A_1268 : vector<16xi32> -> vector<16xf32>
        %sub3A_1270 = arith.constant 1.000000e+00 : f32
        %sub3A_1271 = vector.broadcast %sub3A_1270 : f32 to vector<16xf32>
        %sub3A_1272 = arith.subf %bitcast_convert_type3A_1269, %sub3A_1271 : vector<16xf32>
        %mul3A_1273 = arith.constant 0.15270029 : f32
        %mul3A_1274 = vector.broadcast %mul3A_1273 : f32 to vector<16xf32>
        %mul3A_1275 = arith.mulf %mul3A_1274, %sub3A_1272 : vector<16xf32>
        %add3A_1276 = arith.constant -0.568704069 : f32
        %add3A_1277 = vector.broadcast %add3A_1276 : f32 to vector<16xf32>
        %add3A_1278 = arith.addf %mul3A_1275, %add3A_1277 : vector<16xf32>
        %mul3A_1279 = arith.mulf %add3A_1278, %sub3A_1272 : vector<16xf32>
        %add3A_1280 = arith.constant 1.41565323 : f32
        %add3A_1281 = vector.broadcast %add3A_1280 : f32 to vector<16xf32>
        %add3A_1282 = arith.addf %mul3A_1279, %add3A_1281 : vector<16xf32>
        %mul3A_1283 = arith.mulf %add3A_1282, %sub3A_1272 : vector<16xf32>
        %add3A_1284 = arith.constant 8.25462805E-4 : f32
        %add3A_1285 = vector.broadcast %add3A_1284 : f32 to vector<16xf32>
        %add3A_1286 = arith.addf %mul3A_1283, %add3A_1285 : vector<16xf32>
        %convert_element_type3A_1287 = arith.sitofp %sub3A_1262 : vector<16xi32> to vector<16xf32>
        %add3A_1288 = arith.addf %convert_element_type3A_1287, %add3A_1286 : vector<16xf32>
        %mul3A_1289 = arith.constant 0.693147182 : f32
        %mul3A_1290 = vector.broadcast %mul3A_1289 : f32 to vector<16xf32>
        %mul3A_1291 = arith.mulf %add3A_1288, %mul3A_1290 : vector<16xf32>
        %add3A_1292 = arith.addf %max3A_1232, %mul3A_1291 : vector<16xf32>
        %swap3A_1293 = arith.constant 8 : i32
        %swap3A_1294 = arith.index_cast %and3A_47 : i32 to index
        %swap3A_1295 = arith.index_cast %swap3A_1293 : i32 to index
        %swap3A_1296 = arith.index_cast %mul3A_107 : i32 to index
        %swap3A_1297 = tpu.vector_load %arg6[%swap3A_1294, %swap3A_1295, %swap3A_1296] {strides = array<i32>} : memref<2x16x2048xf32, #tpu.memory_space<vmem>>, vector<1x1x16xf32>,
        %swap3A_1298 = vector.shape_cast %swap3A_1297 : vector<1x1x16xf32> to vector<16xf32>
        %swap3A_1299 = vector.shape_cast %add3A_1292 : vector<16xf32> to vector<1x1x16xf32>
        tpu.vector_store %arg6[%swap3A_1294, %swap3A_1295, %swap3A_1296], %swap3A_1299 {strides = array<i32>} : memref<2x16x2048xf32, #tpu.memory_space<vmem>>, vector<1x1x16xf32>,
        %get3A_1300 = arith.constant 9 : i32
        %get3A_1301 = arith.index_cast %and3A_47 : i32 to index
        %get3A_1302 = arith.index_cast %get3A_1300 : i32 to index
        %get3A_1303 = arith.index_cast %mul3A_107 : i32 to index
        %get3A_1304 = tpu.vector_load %arg6[%get3A_1301, %get3A_1302, %get3A_1303] {strides = array<i32>} : memref<2x16x2048xf32, #tpu.memory_space<vmem>>, vector<1x1x16xf32>,
        %get3A_1305 = vector.shape_cast %get3A_1304 : vector<1x1x16xf32> to vector<16xf32>
        %sub3A_1306 = arith.subf %get3A_1305, %get3A_111 : vector<16xf32>
        %sub3A_1307 = arith.subf %get3A_1305, %get3A_111 : vector<16xf32>
        %mul3A_1308 = arith.mulf %sub3A_1306, %sub3A_1307 : vector<16xf32>
        %mul3A_1309 = arith.mulf %mul3A_1308, %get3A_151 : vector<16xf32>
        %add3A_1310 = arith.addf %mul3A_1309, %get3A_191 : vector<16xf32>
        %sub3A_1311 = arith.subf %get3A_1305, %get3A_116 : vector<16xf32>
        %sub3A_1312 = arith.subf %get3A_1305, %get3A_116 : vector<16xf32>
        %mul3A_1313 = arith.mulf %sub3A_1311, %sub3A_1312 : vector<16xf32>
        %mul3A_1314 = arith.mulf %mul3A_1313, %get3A_156 : vector<16xf32>
        %add3A_1315 = arith.addf %mul3A_1314, %get3A_196 : vector<16xf32>
        %sub3A_1316 = arith.subf %get3A_1305, %get3A_121 : vector<16xf32>
        %sub3A_1317 = arith.subf %get3A_1305, %get3A_121 : vector<16xf32>
        %mul3A_1318 = arith.mulf %sub3A_1316, %sub3A_1317 : vector<16xf32>
        %mul3A_1319 = arith.mulf %mul3A_1318, %get3A_161 : vector<16xf32>
        %add3A_1320 = arith.addf %mul3A_1319, %get3A_201 : vector<16xf32>
        %sub3A_1321 = arith.subf %get3A_1305, %get3A_126 : vector<16xf32>
        %sub3A_1322 = arith.subf %get3A_1305, %get3A_126 : vector<16xf32>
        %mul3A_1323 = arith.mulf %sub3A_1321, %sub3A_1322 : vector<16xf32>
        %mul3A_1324 = arith.mulf %mul3A_1323, %get3A_166 : vector<16xf32>
        %add3A_1325 = arith.addf %mul3A_1324, %get3A_206 : vector<16xf32>
        %sub3A_1326 = arith.subf %get3A_1305, %get3A_131 : vector<16xf32>
        %sub3A_1327 = arith.subf %get3A_1305, %get3A_131 : vector<16xf32>
        %mul3A_1328 = arith.mulf %sub3A_1326, %sub3A_1327 : vector<16xf32>
        %mul3A_1329 = arith.mulf %mul3A_1328, %get3A_171 : vector<16xf32>
        %add3A_1330 = arith.addf %mul3A_1329, %get3A_211 : vector<16xf32>
        %sub3A_1331 = arith.subf %get3A_1305, %get3A_136 : vector<16xf32>
        %sub3A_1332 = arith.subf %get3A_1305, %get3A_136 : vector<16xf32>
        %mul3A_1333 = arith.mulf %sub3A_1331, %sub3A_1332 : vector<16xf32>
        %mul3A_1334 = arith.mulf %mul3A_1333, %get3A_176 : vector<16xf32>
        %add3A_1335 = arith.addf %mul3A_1334, %get3A_216 : vector<16xf32>
        %sub3A_1336 = arith.subf %get3A_1305, %get3A_141 : vector<16xf32>
        %sub3A_1337 = arith.subf %get3A_1305, %get3A_141 : vector<16xf32>
        %mul3A_1338 = arith.mulf %sub3A_1336, %sub3A_1337 : vector<16xf32>
        %mul3A_1339 = arith.mulf %mul3A_1338, %get3A_181 : vector<16xf32>
        %add3A_1340 = arith.addf %mul3A_1339, %get3A_221 : vector<16xf32>
        %sub3A_1341 = arith.subf %get3A_1305, %get3A_146 : vector<16xf32>
        %sub3A_1342 = arith.subf %get3A_1305, %get3A_146 : vector<16xf32>
        %mul3A_1343 = arith.mulf %sub3A_1341, %sub3A_1342 : vector<16xf32>
        %mul3A_1344 = arith.mulf %mul3A_1343, %get3A_186 : vector<16xf32>
        %add3A_1345 = arith.addf %mul3A_1344, %get3A_226 : vector<16xf32>
        %max3A_1346 = arith.maximumf %add3A_1310, %add3A_1315 : vector<16xf32>
        %max3A_1347 = arith.maximumf %add3A_1320, %add3A_1325 : vector<16xf32>
        %max3A_1348 = arith.maximumf %max3A_1346, %max3A_1347 : vector<16xf32>
        %max3A_1349 = arith.maximumf %add3A_1330, %add3A_1335 : vector<16xf32>
        %max3A_1350 = arith.maximumf %add3A_1340, %add3A_1345 : vector<16xf32>
        %max3A_1351 = arith.maximumf %max3A_1349, %max3A_1350 : vector<16xf32>
        %max3A_1352 = arith.maximumf %max3A_1348, %max3A_1351 : vector<16xf32>
        %sub3A_1353 = arith.subf %add3A_1310, %max3A_1352 : vector<16xf32>
        %exp3A_1354 = math.exp %sub3A_1353 : vector<16xf32>
        %sub3A_1355 = arith.subf %add3A_1315, %max3A_1352 : vector<16xf32>
        %exp3A_1356 = math.exp %sub3A_1355 : vector<16xf32>
        %add3A_1357 = arith.addf %exp3A_1354, %exp3A_1356 : vector<16xf32>
        %sub3A_1358 = arith.subf %add3A_1320, %max3A_1352 : vector<16xf32>
        %exp3A_1359 = math.exp %sub3A_1358 : vector<16xf32>
        %add3A_1360 = arith.addf %add3A_1357, %exp3A_1359 : vector<16xf32>
        %sub3A_1361 = arith.subf %add3A_1325, %max3A_1352 : vector<16xf32>
        %exp3A_1362 = math.exp %sub3A_1361 : vector<16xf32>
        %add3A_1363 = arith.addf %add3A_1360, %exp3A_1362 : vector<16xf32>
        %sub3A_1364 = arith.subf %add3A_1330, %max3A_1352 : vector<16xf32>
        %exp3A_1365 = math.exp %sub3A_1364 : vector<16xf32>
        %add3A_1366 = arith.addf %add3A_1363, %exp3A_1365 : vector<16xf32>
        %sub3A_1367 = arith.subf %add3A_1335, %max3A_1352 : vector<16xf32>
        %exp3A_1368 = math.exp %sub3A_1367 : vector<16xf32>
        %add3A_1369 = arith.addf %add3A_1366, %exp3A_1368 : vector<16xf32>
        %sub3A_1370 = arith.subf %add3A_1340, %max3A_1352 : vector<16xf32>
        %exp3A_1371 = math.exp %sub3A_1370 : vector<16xf32>
        %add3A_1372 = arith.addf %add3A_1369, %exp3A_1371 : vector<16xf32>
        %sub3A_1373 = arith.subf %add3A_1345, %max3A_1352 : vector<16xf32>
        %exp3A_1374 = math.exp %sub3A_1373 : vector<16xf32>
        %add3A_1375 = arith.addf %add3A_1372, %exp3A_1374 : vector<16xf32>
        %bitcast_convert_type3A_1376 = tpu.bitcast %add3A_1375 : vector<16xf32> -> vector<16xi32>
        %shift_right_arithmetic3A_1377 = arith.constant 23 : i32
        %shift_right_arithmetic3A_1378 = vector.broadcast %shift_right_arithmetic3A_1377 : i32 to vector<16xi32>
        %shift_right_arithmetic3A_1379 = arith.shrsi %bitcast_convert_type3A_1376, %shift_right_arithmetic3A_1378 : vector<16xi32>
        %sub3A_1380 = arith.constant 127 : i32
        %sub3A_1381 = vector.broadcast %sub3A_1380 : i32 to vector<16xi32>
        %sub3A_1382 = arith.subi %shift_right_arithmetic3A_1379, %sub3A_1381 : vector<16xi32>
        %and3A_1383 = arith.constant 8388607 : i32
        %and3A_1384 = vector.broadcast %and3A_1383 : i32 to vector<16xi32>
        %and3A_1385 = arith.andi %bitcast_convert_type3A_1376, %and3A_1384 : vector<16xi32>
        %or3A_1386 = arith.constant 1065353216 : i32
        %or3A_1387 = vector.broadcast %or3A_1386 : i32 to vector<16xi32>
        %or3A_1388 = arith.ori %and3A_1385, %or3A_1387 : vector<16xi32>
        %bitcast_convert_type3A_1389 = tpu.bitcast %or3A_1388 : vector<16xi32> -> vector<16xf32>
        %sub3A_1390 = arith.constant 1.000000e+00 : f32
        %sub3A_1391 = vector.broadcast %sub3A_1390 : f32 to vector<16xf32>
        %sub3A_1392 = arith.subf %bitcast_convert_type3A_1389, %sub3A_1391 : vector<16xf32>
        %mul3A_1393 = arith.constant 0.15270029 : f32
        %mul3A_1394 = vector.broadcast %mul3A_1393 : f32 to vector<16xf32>
        %mul3A_1395 = arith.mulf %mul3A_1394, %sub3A_1392 : vector<16xf32>
        %add3A_1396 = arith.constant -0.568704069 : f32
        %add3A_1397 = vector.broadcast %add3A_1396 : f32 to vector<16xf32>
        %add3A_1398 = arith.addf %mul3A_1395, %add3A_1397 : vector<16xf32>
        %mul3A_1399 = arith.mulf %add3A_1398, %sub3A_1392 : vector<16xf32>
        %add3A_1400 = arith.constant 1.41565323 : f32
        %add3A_1401 = vector.broadcast %add3A_1400 : f32 to vector<16xf32>
        %add3A_1402 = arith.addf %mul3A_1399, %add3A_1401 : vector<16xf32>
        %mul3A_1403 = arith.mulf %add3A_1402, %sub3A_1392 : vector<16xf32>
        %add3A_1404 = arith.constant 8.25462805E-4 : f32
        %add3A_1405 = vector.broadcast %add3A_1404 : f32 to vector<16xf32>
        %add3A_1406 = arith.addf %mul3A_1403, %add3A_1405 : vector<16xf32>
        %convert_element_type3A_1407 = arith.sitofp %sub3A_1382 : vector<16xi32> to vector<16xf32>
        %add3A_1408 = arith.addf %convert_element_type3A_1407, %add3A_1406 : vector<16xf32>
        %mul3A_1409 = arith.constant 0.693147182 : f32
        %mul3A_1410 = vector.broadcast %mul3A_1409 : f32 to vector<16xf32>
        %mul3A_1411 = arith.mulf %add3A_1408, %mul3A_1410 : vector<16xf32>
        %add3A_1412 = arith.addf %max3A_1352, %mul3A_1411 : vector<16xf32>
        %swap3A_1413 = arith.constant 9 : i32
        %swap3A_1414 = arith.index_cast %and3A_47 : i32 to index
        %swap3A_1415 = arith.index_cast %swap3A_1413 : i32 to index
        %swap3A_1416 = arith.index_cast %mul3A_107 : i32 to index
        %swap3A_1417 = tpu.vector_load %arg6[%swap3A_1414, %swap3A_1415, %swap3A_1416] {strides = array<i32>} : memref<2x16x2048xf32, #tpu.memory_space<vmem>>, vector<1x1x16xf32>,
        %swap3A_1418 = vector.shape_cast %swap3A_1417 : vector<1x1x16xf32> to vector<16xf32>
        %swap3A_1419 = vector.shape_cast %add3A_1412 : vector<16xf32> to vector<1x1x16xf32>
        tpu.vector_store %arg6[%swap3A_1414, %swap3A_1415, %swap3A_1416], %swap3A_1419 {strides = array<i32>} : memref<2x16x2048xf32, #tpu.memory_space<vmem>>, vector<1x1x16xf32>,
        %get3A_1420 = arith.constant 10 : i32
        %get3A_1421 = arith.index_cast %and3A_47 : i32 to index
        %get3A_1422 = arith.index_cast %get3A_1420 : i32 to index
        %get3A_1423 = arith.index_cast %mul3A_107 : i32 to index
        %get3A_1424 = tpu.vector_load %arg6[%get3A_1421, %get3A_1422, %get3A_1423] {strides = array<i32>} : memref<2x16x2048xf32, #tpu.memory_space<vmem>>, vector<1x1x16xf32>,
        %get3A_1425 = vector.shape_cast %get3A_1424 : vector<1x1x16xf32> to vector<16xf32>
        %sub3A_1426 = arith.subf %get3A_1425, %get3A_111 : vector<16xf32>
        %sub3A_1427 = arith.subf %get3A_1425, %get3A_111 : vector<16xf32>
        %mul3A_1428 = arith.mulf %sub3A_1426, %sub3A_1427 : vector<16xf32>
        %mul3A_1429 = arith.mulf %mul3A_1428, %get3A_151 : vector<16xf32>
        %add3A_1430 = arith.addf %mul3A_1429, %get3A_191 : vector<16xf32>
        %sub3A_1431 = arith.subf %get3A_1425, %get3A_116 : vector<16xf32>
        %sub3A_1432 = arith.subf %get3A_1425, %get3A_116 : vector<16xf32>
        %mul3A_1433 = arith.mulf %sub3A_1431, %sub3A_1432 : vector<16xf32>
        %mul3A_1434 = arith.mulf %mul3A_1433, %get3A_156 : vector<16xf32>
        %add3A_1435 = arith.addf %mul3A_1434, %get3A_196 : vector<16xf32>
        %sub3A_1436 = arith.subf %get3A_1425, %get3A_121 : vector<16xf32>
        %sub3A_1437 = arith.subf %get3A_1425, %get3A_121 : vector<16xf32>
        %mul3A_1438 = arith.mulf %sub3A_1436, %sub3A_1437 : vector<16xf32>
        %mul3A_1439 = arith.mulf %mul3A_1438, %get3A_161 : vector<16xf32>
        %add3A_1440 = arith.addf %mul3A_1439, %get3A_201 : vector<16xf32>
        %sub3A_1441 = arith.subf %get3A_1425, %get3A_126 : vector<16xf32>
        %sub3A_1442 = arith.subf %get3A_1425, %get3A_126 : vector<16xf32>
        %mul3A_1443 = arith.mulf %sub3A_1441, %sub3A_1442 : vector<16xf32>
        %mul3A_1444 = arith.mulf %mul3A_1443, %get3A_166 : vector<16xf32>
        %add3A_1445 = arith.addf %mul3A_1444, %get3A_206 : vector<16xf32>
        %sub3A_1446 = arith.subf %get3A_1425, %get3A_131 : vector<16xf32>
        %sub3A_1447 = arith.subf %get3A_1425, %get3A_131 : vector<16xf32>
        %mul3A_1448 = arith.mulf %sub3A_1446, %sub3A_1447 : vector<16xf32>
        %mul3A_1449 = arith.mulf %mul3A_1448, %get3A_171 : vector<16xf32>
        %add3A_1450 = arith.addf %mul3A_1449, %get3A_211 : vector<16xf32>
        %sub3A_1451 = arith.subf %get3A_1425, %get3A_136 : vector<16xf32>
        %sub3A_1452 = arith.subf %get3A_1425, %get3A_136 : vector<16xf32>
        %mul3A_1453 = arith.mulf %sub3A_1451, %sub3A_1452 : vector<16xf32>
        %mul3A_1454 = arith.mulf %mul3A_1453, %get3A_176 : vector<16xf32>
        %add3A_1455 = arith.addf %mul3A_1454, %get3A_216 : vector<16xf32>
        %sub3A_1456 = arith.subf %get3A_1425, %get3A_141 : vector<16xf32>
        %sub3A_1457 = arith.subf %get3A_1425, %get3A_141 : vector<16xf32>
        %mul3A_1458 = arith.mulf %sub3A_1456, %sub3A_1457 : vector<16xf32>
        %mul3A_1459 = arith.mulf %mul3A_1458, %get3A_181 : vector<16xf32>
        %add3A_1460 = arith.addf %mul3A_1459, %get3A_221 : vector<16xf32>
        %sub3A_1461 = arith.subf %get3A_1425, %get3A_146 : vector<16xf32>
        %sub3A_1462 = arith.subf %get3A_1425, %get3A_146 : vector<16xf32>
        %mul3A_1463 = arith.mulf %sub3A_1461, %sub3A_1462 : vector<16xf32>
        %mul3A_1464 = arith.mulf %mul3A_1463, %get3A_186 : vector<16xf32>
        %add3A_1465 = arith.addf %mul3A_1464, %get3A_226 : vector<16xf32>
        %max3A_1466 = arith.maximumf %add3A_1430, %add3A_1435 : vector<16xf32>
        %max3A_1467 = arith.maximumf %add3A_1440, %add3A_1445 : vector<16xf32>
        %max3A_1468 = arith.maximumf %max3A_1466, %max3A_1467 : vector<16xf32>
        %max3A_1469 = arith.maximumf %add3A_1450, %add3A_1455 : vector<16xf32>
        %max3A_1470 = arith.maximumf %add3A_1460, %add3A_1465 : vector<16xf32>
        %max3A_1471 = arith.maximumf %max3A_1469, %max3A_1470 : vector<16xf32>
        %max3A_1472 = arith.maximumf %max3A_1468, %max3A_1471 : vector<16xf32>
        %sub3A_1473 = arith.subf %add3A_1430, %max3A_1472 : vector<16xf32>
        %exp3A_1474 = math.exp %sub3A_1473 : vector<16xf32>
        %sub3A_1475 = arith.subf %add3A_1435, %max3A_1472 : vector<16xf32>
        %exp3A_1476 = math.exp %sub3A_1475 : vector<16xf32>
        %add3A_1477 = arith.addf %exp3A_1474, %exp3A_1476 : vector<16xf32>
        %sub3A_1478 = arith.subf %add3A_1440, %max3A_1472 : vector<16xf32>
        %exp3A_1479 = math.exp %sub3A_1478 : vector<16xf32>
        %add3A_1480 = arith.addf %add3A_1477, %exp3A_1479 : vector<16xf32>
        %sub3A_1481 = arith.subf %add3A_1445, %max3A_1472 : vector<16xf32>
        %exp3A_1482 = math.exp %sub3A_1481 : vector<16xf32>
        %add3A_1483 = arith.addf %add3A_1480, %exp3A_1482 : vector<16xf32>
        %sub3A_1484 = arith.subf %add3A_1450, %max3A_1472 : vector<16xf32>
        %exp3A_1485 = math.exp %sub3A_1484 : vector<16xf32>
        %add3A_1486 = arith.addf %add3A_1483, %exp3A_1485 : vector<16xf32>
        %sub3A_1487 = arith.subf %add3A_1455, %max3A_1472 : vector<16xf32>
        %exp3A_1488 = math.exp %sub3A_1487 : vector<16xf32>
        %add3A_1489 = arith.addf %add3A_1486, %exp3A_1488 : vector<16xf32>
        %sub3A_1490 = arith.subf %add3A_1460, %max3A_1472 : vector<16xf32>
        %exp3A_1491 = math.exp %sub3A_1490 : vector<16xf32>
        %add3A_1492 = arith.addf %add3A_1489, %exp3A_1491 : vector<16xf32>
        %sub3A_1493 = arith.subf %add3A_1465, %max3A_1472 : vector<16xf32>
        %exp3A_1494 = math.exp %sub3A_1493 : vector<16xf32>
        %add3A_1495 = arith.addf %add3A_1492, %exp3A_1494 : vector<16xf32>
        %bitcast_convert_type3A_1496 = tpu.bitcast %add3A_1495 : vector<16xf32> -> vector<16xi32>
        %shift_right_arithmetic3A_1497 = arith.constant 23 : i32
        %shift_right_arithmetic3A_1498 = vector.broadcast %shift_right_arithmetic3A_1497 : i32 to vector<16xi32>
        %shift_right_arithmetic3A_1499 = arith.shrsi %bitcast_convert_type3A_1496, %shift_right_arithmetic3A_1498 : vector<16xi32>
        %sub3A_1500 = arith.constant 127 : i32
        %sub3A_1501 = vector.broadcast %sub3A_1500 : i32 to vector<16xi32>
        %sub3A_1502 = arith.subi %shift_right_arithmetic3A_1499, %sub3A_1501 : vector<16xi32>
        %and3A_1503 = arith.constant 8388607 : i32
        %and3A_1504 = vector.broadcast %and3A_1503 : i32 to vector<16xi32>
        %and3A_1505 = arith.andi %bitcast_convert_type3A_1496, %and3A_1504 : vector<16xi32>
        %or3A_1506 = arith.constant 1065353216 : i32
        %or3A_1507 = vector.broadcast %or3A_1506 : i32 to vector<16xi32>
        %or3A_1508 = arith.ori %and3A_1505, %or3A_1507 : vector<16xi32>
        %bitcast_convert_type3A_1509 = tpu.bitcast %or3A_1508 : vector<16xi32> -> vector<16xf32>
        %sub3A_1510 = arith.constant 1.000000e+00 : f32
        %sub3A_1511 = vector.broadcast %sub3A_1510 : f32 to vector<16xf32>
        %sub3A_1512 = arith.subf %bitcast_convert_type3A_1509, %sub3A_1511 : vector<16xf32>
        %mul3A_1513 = arith.constant 0.15270029 : f32
        %mul3A_1514 = vector.broadcast %mul3A_1513 : f32 to vector<16xf32>
        %mul3A_1515 = arith.mulf %mul3A_1514, %sub3A_1512 : vector<16xf32>
        %add3A_1516 = arith.constant -0.568704069 : f32
        %add3A_1517 = vector.broadcast %add3A_1516 : f32 to vector<16xf32>
        %add3A_1518 = arith.addf %mul3A_1515, %add3A_1517 : vector<16xf32>
        %mul3A_1519 = arith.mulf %add3A_1518, %sub3A_1512 : vector<16xf32>
        %add3A_1520 = arith.constant 1.41565323 : f32
        %add3A_1521 = vector.broadcast %add3A_1520 : f32 to vector<16xf32>
        %add3A_1522 = arith.addf %mul3A_1519, %add3A_1521 : vector<16xf32>
        %mul3A_1523 = arith.mulf %add3A_1522, %sub3A_1512 : vector<16xf32>
        %add3A_1524 = arith.constant 8.25462805E-4 : f32
        %add3A_1525 = vector.broadcast %add3A_1524 : f32 to vector<16xf32>
        %add3A_1526 = arith.addf %mul3A_1523, %add3A_1525 : vector<16xf32>
        %convert_element_type3A_1527 = arith.sitofp %sub3A_1502 : vector<16xi32> to vector<16xf32>
        %add3A_1528 = arith.addf %convert_element_type3A_1527, %add3A_1526 : vector<16xf32>
        %mul3A_1529 = arith.constant 0.693147182 : f32
        %mul3A_1530 = vector.broadcast %mul3A_1529 : f32 to vector<16xf32>
        %mul3A_1531 = arith.mulf %add3A_1528, %mul3A_1530 : vector<16xf32>
        %add3A_1532 = arith.addf %max3A_1472, %mul3A_1531 : vector<16xf32>
        %swap3A_1533 = arith.constant 10 : i32
        %swap3A_1534 = arith.index_cast %and3A_47 : i32 to index
        %swap3A_1535 = arith.index_cast %swap3A_1533 : i32 to index
        %swap3A_1536 = arith.index_cast %mul3A_107 : i32 to index
        %swap3A_1537 = tpu.vector_load %arg6[%swap3A_1534, %swap3A_1535, %swap3A_1536] {strides = array<i32>} : memref<2x16x2048xf32, #tpu.memory_space<vmem>>, vector<1x1x16xf32>,
        %swap3A_1538 = vector.shape_cast %swap3A_1537 : vector<1x1x16xf32> to vector<16xf32>
        %swap3A_1539 = vector.shape_cast %add3A_1532 : vector<16xf32> to vector<1x1x16xf32>
        tpu.vector_store %arg6[%swap3A_1534, %swap3A_1535, %swap3A_1536], %swap3A_1539 {strides = array<i32>} : memref<2x16x2048xf32, #tpu.memory_space<vmem>>, vector<1x1x16xf32>,
        %get3A_1540 = arith.constant 11 : i32
        %get3A_1541 = arith.index_cast %and3A_47 : i32 to index
        %get3A_1542 = arith.index_cast %get3A_1540 : i32 to index
        %get3A_1543 = arith.index_cast %mul3A_107 : i32 to index
        %get3A_1544 = tpu.vector_load %arg6[%get3A_1541, %get3A_1542, %get3A_1543] {strides = array<i32>} : memref<2x16x2048xf32, #tpu.memory_space<vmem>>, vector<1x1x16xf32>,
        %get3A_1545 = vector.shape_cast %get3A_1544 : vector<1x1x16xf32> to vector<16xf32>
        %sub3A_1546 = arith.subf %get3A_1545, %get3A_111 : vector<16xf32>
        %sub3A_1547 = arith.subf %get3A_1545, %get3A_111 : vector<16xf32>
        %mul3A_1548 = arith.mulf %sub3A_1546, %sub3A_1547 : vector<16xf32>
        %mul3A_1549 = arith.mulf %mul3A_1548, %get3A_151 : vector<16xf32>
        %add3A_1550 = arith.addf %mul3A_1549, %get3A_191 : vector<16xf32>
        %sub3A_1551 = arith.subf %get3A_1545, %get3A_116 : vector<16xf32>
        %sub3A_1552 = arith.subf %get3A_1545, %get3A_116 : vector<16xf32>
        %mul3A_1553 = arith.mulf %sub3A_1551, %sub3A_1552 : vector<16xf32>
        %mul3A_1554 = arith.mulf %mul3A_1553, %get3A_156 : vector<16xf32>
        %add3A_1555 = arith.addf %mul3A_1554, %get3A_196 : vector<16xf32>
        %sub3A_1556 = arith.subf %get3A_1545, %get3A_121 : vector<16xf32>
        %sub3A_1557 = arith.subf %get3A_1545, %get3A_121 : vector<16xf32>
        %mul3A_1558 = arith.mulf %sub3A_1556, %sub3A_1557 : vector<16xf32>
        %mul3A_1559 = arith.mulf %mul3A_1558, %get3A_161 : vector<16xf32>
        %add3A_1560 = arith.addf %mul3A_1559, %get3A_201 : vector<16xf32>
        %sub3A_1561 = arith.subf %get3A_1545, %get3A_126 : vector<16xf32>
        %sub3A_1562 = arith.subf %get3A_1545, %get3A_126 : vector<16xf32>
        %mul3A_1563 = arith.mulf %sub3A_1561, %sub3A_1562 : vector<16xf32>
        %mul3A_1564 = arith.mulf %mul3A_1563, %get3A_166 : vector<16xf32>
        %add3A_1565 = arith.addf %mul3A_1564, %get3A_206 : vector<16xf32>
        %sub3A_1566 = arith.subf %get3A_1545, %get3A_131 : vector<16xf32>
        %sub3A_1567 = arith.subf %get3A_1545, %get3A_131 : vector<16xf32>
        %mul3A_1568 = arith.mulf %sub3A_1566, %sub3A_1567 : vector<16xf32>
        %mul3A_1569 = arith.mulf %mul3A_1568, %get3A_171 : vector<16xf32>
        %add3A_1570 = arith.addf %mul3A_1569, %get3A_211 : vector<16xf32>
        %sub3A_1571 = arith.subf %get3A_1545, %get3A_136 : vector<16xf32>
        %sub3A_1572 = arith.subf %get3A_1545, %get3A_136 : vector<16xf32>
        %mul3A_1573 = arith.mulf %sub3A_1571, %sub3A_1572 : vector<16xf32>
        %mul3A_1574 = arith.mulf %mul3A_1573, %get3A_176 : vector<16xf32>
        %add3A_1575 = arith.addf %mul3A_1574, %get3A_216 : vector<16xf32>
        %sub3A_1576 = arith.subf %get3A_1545, %get3A_141 : vector<16xf32>
        %sub3A_1577 = arith.subf %get3A_1545, %get3A_141 : vector<16xf32>
        %mul3A_1578 = arith.mulf %sub3A_1576, %sub3A_1577 : vector<16xf32>
        %mul3A_1579 = arith.mulf %mul3A_1578, %get3A_181 : vector<16xf32>
        %add3A_1580 = arith.addf %mul3A_1579, %get3A_221 : vector<16xf32>
        %sub3A_1581 = arith.subf %get3A_1545, %get3A_146 : vector<16xf32>
        %sub3A_1582 = arith.subf %get3A_1545, %get3A_146 : vector<16xf32>
        %mul3A_1583 = arith.mulf %sub3A_1581, %sub3A_1582 : vector<16xf32>
        %mul3A_1584 = arith.mulf %mul3A_1583, %get3A_186 : vector<16xf32>
        %add3A_1585 = arith.addf %mul3A_1584, %get3A_226 : vector<16xf32>
        %max3A_1586 = arith.maximumf %add3A_1550, %add3A_1555 : vector<16xf32>
        %max3A_1587 = arith.maximumf %add3A_1560, %add3A_1565 : vector<16xf32>
        %max3A_1588 = arith.maximumf %max3A_1586, %max3A_1587 : vector<16xf32>
        %max3A_1589 = arith.maximumf %add3A_1570, %add3A_1575 : vector<16xf32>
        %max3A_1590 = arith.maximumf %add3A_1580, %add3A_1585 : vector<16xf32>
        %max3A_1591 = arith.maximumf %max3A_1589, %max3A_1590 : vector<16xf32>
        %max3A_1592 = arith.maximumf %max3A_1588, %max3A_1591 : vector<16xf32>
        %sub3A_1593 = arith.subf %add3A_1550, %max3A_1592 : vector<16xf32>
        %exp3A_1594 = math.exp %sub3A_1593 : vector<16xf32>
        %sub3A_1595 = arith.subf %add3A_1555, %max3A_1592 : vector<16xf32>
        %exp3A_1596 = math.exp %sub3A_1595 : vector<16xf32>
        %add3A_1597 = arith.addf %exp3A_1594, %exp3A_1596 : vector<16xf32>
        %sub3A_1598 = arith.subf %add3A_1560, %max3A_1592 : vector<16xf32>
        %exp3A_1599 = math.exp %sub3A_1598 : vector<16xf32>
        %add3A_1600 = arith.addf %add3A_1597, %exp3A_1599 : vector<16xf32>
        %sub3A_1601 = arith.subf %add3A_1565, %max3A_1592 : vector<16xf32>
        %exp3A_1602 = math.exp %sub3A_1601 : vector<16xf32>
        %add3A_1603 = arith.addf %add3A_1600, %exp3A_1602 : vector<16xf32>
        %sub3A_1604 = arith.subf %add3A_1570, %max3A_1592 : vector<16xf32>
        %exp3A_1605 = math.exp %sub3A_1604 : vector<16xf32>
        %add3A_1606 = arith.addf %add3A_1603, %exp3A_1605 : vector<16xf32>
        %sub3A_1607 = arith.subf %add3A_1575, %max3A_1592 : vector<16xf32>
        %exp3A_1608 = math.exp %sub3A_1607 : vector<16xf32>
        %add3A_1609 = arith.addf %add3A_1606, %exp3A_1608 : vector<16xf32>
        %sub3A_1610 = arith.subf %add3A_1580, %max3A_1592 : vector<16xf32>
        %exp3A_1611 = math.exp %sub3A_1610 : vector<16xf32>
        %add3A_1612 = arith.addf %add3A_1609, %exp3A_1611 : vector<16xf32>
        %sub3A_1613 = arith.subf %add3A_1585, %max3A_1592 : vector<16xf32>
        %exp3A_1614 = math.exp %sub3A_1613 : vector<16xf32>
        %add3A_1615 = arith.addf %add3A_1612, %exp3A_1614 : vector<16xf32>
        %bitcast_convert_type3A_1616 = tpu.bitcast %add3A_1615 : vector<16xf32> -> vector<16xi32>
        %shift_right_arithmetic3A_1617 = arith.constant 23 : i32
        %shift_right_arithmetic3A_1618 = vector.broadcast %shift_right_arithmetic3A_1617 : i32 to vector<16xi32>
        %shift_right_arithmetic3A_1619 = arith.shrsi %bitcast_convert_type3A_1616, %shift_right_arithmetic3A_1618 : vector<16xi32>
        %sub3A_1620 = arith.constant 127 : i32
        %sub3A_1621 = vector.broadcast %sub3A_1620 : i32 to vector<16xi32>
        %sub3A_1622 = arith.subi %shift_right_arithmetic3A_1619, %sub3A_1621 : vector<16xi32>
        %and3A_1623 = arith.constant 8388607 : i32
        %and3A_1624 = vector.broadcast %and3A_1623 : i32 to vector<16xi32>
        %and3A_1625 = arith.andi %bitcast_convert_type3A_1616, %and3A_1624 : vector<16xi32>
        %or3A_1626 = arith.constant 1065353216 : i32
        %or3A_1627 = vector.broadcast %or3A_1626 : i32 to vector<16xi32>
        %or3A_1628 = arith.ori %and3A_1625, %or3A_1627 : vector<16xi32>
        %bitcast_convert_type3A_1629 = tpu.bitcast %or3A_1628 : vector<16xi32> -> vector<16xf32>
        %sub3A_1630 = arith.constant 1.000000e+00 : f32
        %sub3A_1631 = vector.broadcast %sub3A_1630 : f32 to vector<16xf32>
        %sub3A_1632 = arith.subf %bitcast_convert_type3A_1629, %sub3A_1631 : vector<16xf32>
        %mul3A_1633 = arith.constant 0.15270029 : f32
        %mul3A_1634 = vector.broadcast %mul3A_1633 : f32 to vector<16xf32>
        %mul3A_1635 = arith.mulf %mul3A_1634, %sub3A_1632 : vector<16xf32>
        %add3A_1636 = arith.constant -0.568704069 : f32
        %add3A_1637 = vector.broadcast %add3A_1636 : f32 to vector<16xf32>
        %add3A_1638 = arith.addf %mul3A_1635, %add3A_1637 : vector<16xf32>
        %mul3A_1639 = arith.mulf %add3A_1638, %sub3A_1632 : vector<16xf32>
        %add3A_1640 = arith.constant 1.41565323 : f32
        %add3A_1641 = vector.broadcast %add3A_1640 : f32 to vector<16xf32>
        %add3A_1642 = arith.addf %mul3A_1639, %add3A_1641 : vector<16xf32>
        %mul3A_1643 = arith.mulf %add3A_1642, %sub3A_1632 : vector<16xf32>
        %add3A_1644 = arith.constant 8.25462805E-4 : f32
        %add3A_1645 = vector.broadcast %add3A_1644 : f32 to vector<16xf32>
        %add3A_1646 = arith.addf %mul3A_1643, %add3A_1645 : vector<16xf32>
        %convert_element_type3A_1647 = arith.sitofp %sub3A_1622 : vector<16xi32> to vector<16xf32>
        %add3A_1648 = arith.addf %convert_element_type3A_1647, %add3A_1646 : vector<16xf32>
        %mul3A_1649 = arith.constant 0.693147182 : f32
        %mul3A_1650 = vector.broadcast %mul3A_1649 : f32 to vector<16xf32>
        %mul3A_1651 = arith.mulf %add3A_1648, %mul3A_1650 : vector<16xf32>
        %add3A_1652 = arith.addf %max3A_1592, %mul3A_1651 : vector<16xf32>
        %swap3A_1653 = arith.constant 11 : i32
        %swap3A_1654 = arith.index_cast %and3A_47 : i32 to index
        %swap3A_1655 = arith.index_cast %swap3A_1653 : i32 to index
        %swap3A_1656 = arith.index_cast %mul3A_107 : i32 to index
        %swap3A_1657 = tpu.vector_load %arg6[%swap3A_1654, %swap3A_1655, %swap3A_1656] {strides = array<i32>} : memref<2x16x2048xf32, #tpu.memory_space<vmem>>, vector<1x1x16xf32>,
        %swap3A_1658 = vector.shape_cast %swap3A_1657 : vector<1x1x16xf32> to vector<16xf32>
        %swap3A_1659 = vector.shape_cast %add3A_1652 : vector<16xf32> to vector<1x1x16xf32>
        tpu.vector_store %arg6[%swap3A_1654, %swap3A_1655, %swap3A_1656], %swap3A_1659 {strides = array<i32>} : memref<2x16x2048xf32, #tpu.memory_space<vmem>>, vector<1x1x16xf32>,
        %get3A_1660 = arith.constant 12 : i32
        %get3A_1661 = arith.index_cast %and3A_47 : i32 to index
        %get3A_1662 = arith.index_cast %get3A_1660 : i32 to index
        %get3A_1663 = arith.index_cast %mul3A_107 : i32 to index
        %get3A_1664 = tpu.vector_load %arg6[%get3A_1661, %get3A_1662, %get3A_1663] {strides = array<i32>} : memref<2x16x2048xf32, #tpu.memory_space<vmem>>, vector<1x1x16xf32>,
        %get3A_1665 = vector.shape_cast %get3A_1664 : vector<1x1x16xf32> to vector<16xf32>
        %sub3A_1666 = arith.subf %get3A_1665, %get3A_111 : vector<16xf32>
        %sub3A_1667 = arith.subf %get3A_1665, %get3A_111 : vector<16xf32>
        %mul3A_1668 = arith.mulf %sub3A_1666, %sub3A_1667 : vector<16xf32>
        %mul3A_1669 = arith.mulf %mul3A_1668, %get3A_151 : vector<16xf32>
        %add3A_1670 = arith.addf %mul3A_1669, %get3A_191 : vector<16xf32>
        %sub3A_1671 = arith.subf %get3A_1665, %get3A_116 : vector<16xf32>
        %sub3A_1672 = arith.subf %get3A_1665, %get3A_116 : vector<16xf32>
        %mul3A_1673 = arith.mulf %sub3A_1671, %sub3A_1672 : vector<16xf32>
        %mul3A_1674 = arith.mulf %mul3A_1673, %get3A_156 : vector<16xf32>
        %add3A_1675 = arith.addf %mul3A_1674, %get3A_196 : vector<16xf32>
        %sub3A_1676 = arith.subf %get3A_1665, %get3A_121 : vector<16xf32>
        %sub3A_1677 = arith.subf %get3A_1665, %get3A_121 : vector<16xf32>
        %mul3A_1678 = arith.mulf %sub3A_1676, %sub3A_1677 : vector<16xf32>
        %mul3A_1679 = arith.mulf %mul3A_1678, %get3A_161 : vector<16xf32>
        %add3A_1680 = arith.addf %mul3A_1679, %get3A_201 : vector<16xf32>
        %sub3A_1681 = arith.subf %get3A_1665, %get3A_126 : vector<16xf32>
        %sub3A_1682 = arith.subf %get3A_1665, %get3A_126 : vector<16xf32>
        %mul3A_1683 = arith.mulf %sub3A_1681, %sub3A_1682 : vector<16xf32>
        %mul3A_1684 = arith.mulf %mul3A_1683, %get3A_166 : vector<16xf32>
        %add3A_1685 = arith.addf %mul3A_1684, %get3A_206 : vector<16xf32>
        %sub3A_1686 = arith.subf %get3A_1665, %get3A_131 : vector<16xf32>
        %sub3A_1687 = arith.subf %get3A_1665, %get3A_131 : vector<16xf32>
        %mul3A_1688 = arith.mulf %sub3A_1686, %sub3A_1687 : vector<16xf32>
        %mul3A_1689 = arith.mulf %mul3A_1688, %get3A_171 : vector<16xf32>
        %add3A_1690 = arith.addf %mul3A_1689, %get3A_211 : vector<16xf32>
        %sub3A_1691 = arith.subf %get3A_1665, %get3A_136 : vector<16xf32>
        %sub3A_1692 = arith.subf %get3A_1665, %get3A_136 : vector<16xf32>
        %mul3A_1693 = arith.mulf %sub3A_1691, %sub3A_1692 : vector<16xf32>
        %mul3A_1694 = arith.mulf %mul3A_1693, %get3A_176 : vector<16xf32>
        %add3A_1695 = arith.addf %mul3A_1694, %get3A_216 : vector<16xf32>
        %sub3A_1696 = arith.subf %get3A_1665, %get3A_141 : vector<16xf32>
        %sub3A_1697 = arith.subf %get3A_1665, %get3A_141 : vector<16xf32>
        %mul3A_1698 = arith.mulf %sub3A_1696, %sub3A_1697 : vector<16xf32>
        %mul3A_1699 = arith.mulf %mul3A_1698, %get3A_181 : vector<16xf32>
        %add3A_1700 = arith.addf %mul3A_1699, %get3A_221 : vector<16xf32>
        %sub3A_1701 = arith.subf %get3A_1665, %get3A_146 : vector<16xf32>
        %sub3A_1702 = arith.subf %get3A_1665, %get3A_146 : vector<16xf32>
        %mul3A_1703 = arith.mulf %sub3A_1701, %sub3A_1702 : vector<16xf32>
        %mul3A_1704 = arith.mulf %mul3A_1703, %get3A_186 : vector<16xf32>
        %add3A_1705 = arith.addf %mul3A_1704, %get3A_226 : vector<16xf32>
        %max3A_1706 = arith.maximumf %add3A_1670, %add3A_1675 : vector<16xf32>
        %max3A_1707 = arith.maximumf %add3A_1680, %add3A_1685 : vector<16xf32>
        %max3A_1708 = arith.maximumf %max3A_1706, %max3A_1707 : vector<16xf32>
        %max3A_1709 = arith.maximumf %add3A_1690, %add3A_1695 : vector<16xf32>
        %max3A_1710 = arith.maximumf %add3A_1700, %add3A_1705 : vector<16xf32>
        %max3A_1711 = arith.maximumf %max3A_1709, %max3A_1710 : vector<16xf32>
        %max3A_1712 = arith.maximumf %max3A_1708, %max3A_1711 : vector<16xf32>
        %sub3A_1713 = arith.subf %add3A_1670, %max3A_1712 : vector<16xf32>
        %exp3A_1714 = math.exp %sub3A_1713 : vector<16xf32>
        %sub3A_1715 = arith.subf %add3A_1675, %max3A_1712 : vector<16xf32>
        %exp3A_1716 = math.exp %sub3A_1715 : vector<16xf32>
        %add3A_1717 = arith.addf %exp3A_1714, %exp3A_1716 : vector<16xf32>
        %sub3A_1718 = arith.subf %add3A_1680, %max3A_1712 : vector<16xf32>
        %exp3A_1719 = math.exp %sub3A_1718 : vector<16xf32>
        %add3A_1720 = arith.addf %add3A_1717, %exp3A_1719 : vector<16xf32>
        %sub3A_1721 = arith.subf %add3A_1685, %max3A_1712 : vector<16xf32>
        %exp3A_1722 = math.exp %sub3A_1721 : vector<16xf32>
        %add3A_1723 = arith.addf %add3A_1720, %exp3A_1722 : vector<16xf32>
        %sub3A_1724 = arith.subf %add3A_1690, %max3A_1712 : vector<16xf32>
        %exp3A_1725 = math.exp %sub3A_1724 : vector<16xf32>
        %add3A_1726 = arith.addf %add3A_1723, %exp3A_1725 : vector<16xf32>
        %sub3A_1727 = arith.subf %add3A_1695, %max3A_1712 : vector<16xf32>
        %exp3A_1728 = math.exp %sub3A_1727 : vector<16xf32>
        %add3A_1729 = arith.addf %add3A_1726, %exp3A_1728 : vector<16xf32>
        %sub3A_1730 = arith.subf %add3A_1700, %max3A_1712 : vector<16xf32>
        %exp3A_1731 = math.exp %sub3A_1730 : vector<16xf32>
        %add3A_1732 = arith.addf %add3A_1729, %exp3A_1731 : vector<16xf32>
        %sub3A_1733 = arith.subf %add3A_1705, %max3A_1712 : vector<16xf32>
        %exp3A_1734 = math.exp %sub3A_1733 : vector<16xf32>
        %add3A_1735 = arith.addf %add3A_1732, %exp3A_1734 : vector<16xf32>
        %bitcast_convert_type3A_1736 = tpu.bitcast %add3A_1735 : vector<16xf32> -> vector<16xi32>
        %shift_right_arithmetic3A_1737 = arith.constant 23 : i32
        %shift_right_arithmetic3A_1738 = vector.broadcast %shift_right_arithmetic3A_1737 : i32 to vector<16xi32>
        %shift_right_arithmetic3A_1739 = arith.shrsi %bitcast_convert_type3A_1736, %shift_right_arithmetic3A_1738 : vector<16xi32>
        %sub3A_1740 = arith.constant 127 : i32
        %sub3A_1741 = vector.broadcast %sub3A_1740 : i32 to vector<16xi32>
        %sub3A_1742 = arith.subi %shift_right_arithmetic3A_1739, %sub3A_1741 : vector<16xi32>
        %and3A_1743 = arith.constant 8388607 : i32
        %and3A_1744 = vector.broadcast %and3A_1743 : i32 to vector<16xi32>
        %and3A_1745 = arith.andi %bitcast_convert_type3A_1736, %and3A_1744 : vector<16xi32>
        %or3A_1746 = arith.constant 1065353216 : i32
        %or3A_1747 = vector.broadcast %or3A_1746 : i32 to vector<16xi32>
        %or3A_1748 = arith.ori %and3A_1745, %or3A_1747 : vector<16xi32>
        %bitcast_convert_type3A_1749 = tpu.bitcast %or3A_1748 : vector<16xi32> -> vector<16xf32>
        %sub3A_1750 = arith.constant 1.000000e+00 : f32
        %sub3A_1751 = vector.broadcast %sub3A_1750 : f32 to vector<16xf32>
        %sub3A_1752 = arith.subf %bitcast_convert_type3A_1749, %sub3A_1751 : vector<16xf32>
        %mul3A_1753 = arith.constant 0.15270029 : f32
        %mul3A_1754 = vector.broadcast %mul3A_1753 : f32 to vector<16xf32>
        %mul3A_1755 = arith.mulf %mul3A_1754, %sub3A_1752 : vector<16xf32>
        %add3A_1756 = arith.constant -0.568704069 : f32
        %add3A_1757 = vector.broadcast %add3A_1756 : f32 to vector<16xf32>
        %add3A_1758 = arith.addf %mul3A_1755, %add3A_1757 : vector<16xf32>
        %mul3A_1759 = arith.mulf %add3A_1758, %sub3A_1752 : vector<16xf32>
        %add3A_1760 = arith.constant 1.41565323 : f32
        %add3A_1761 = vector.broadcast %add3A_1760 : f32 to vector<16xf32>
        %add3A_1762 = arith.addf %mul3A_1759, %add3A_1761 : vector<16xf32>
        %mul3A_1763 = arith.mulf %add3A_1762, %sub3A_1752 : vector<16xf32>
        %add3A_1764 = arith.constant 8.25462805E-4 : f32
        %add3A_1765 = vector.broadcast %add3A_1764 : f32 to vector<16xf32>
        %add3A_1766 = arith.addf %mul3A_1763, %add3A_1765 : vector<16xf32>
        %convert_element_type3A_1767 = arith.sitofp %sub3A_1742 : vector<16xi32> to vector<16xf32>
        %add3A_1768 = arith.addf %convert_element_type3A_1767, %add3A_1766 : vector<16xf32>
        %mul3A_1769 = arith.constant 0.693147182 : f32
        %mul3A_1770 = vector.broadcast %mul3A_1769 : f32 to vector<16xf32>
        %mul3A_1771 = arith.mulf %add3A_1768, %mul3A_1770 : vector<16xf32>
        %add3A_1772 = arith.addf %max3A_1712, %mul3A_1771 : vector<16xf32>
        %swap3A_1773 = arith.constant 12 : i32
        %swap3A_1774 = arith.index_cast %and3A_47 : i32 to index
        %swap3A_1775 = arith.index_cast %swap3A_1773 : i32 to index
        %swap3A_1776 = arith.index_cast %mul3A_107 : i32 to index
        %swap3A_1777 = tpu.vector_load %arg6[%swap3A_1774, %swap3A_1775, %swap3A_1776] {strides = array<i32>} : memref<2x16x2048xf32, #tpu.memory_space<vmem>>, vector<1x1x16xf32>,
        %swap3A_1778 = vector.shape_cast %swap3A_1777 : vector<1x1x16xf32> to vector<16xf32>
        %swap3A_1779 = vector.shape_cast %add3A_1772 : vector<16xf32> to vector<1x1x16xf32>
        tpu.vector_store %arg6[%swap3A_1774, %swap3A_1775, %swap3A_1776], %swap3A_1779 {strides = array<i32>} : memref<2x16x2048xf32, #tpu.memory_space<vmem>>, vector<1x1x16xf32>,
        %get3A_1780 = arith.constant 13 : i32
        %get3A_1781 = arith.index_cast %and3A_47 : i32 to index
        %get3A_1782 = arith.index_cast %get3A_1780 : i32 to index
        %get3A_1783 = arith.index_cast %mul3A_107 : i32 to index
        %get3A_1784 = tpu.vector_load %arg6[%get3A_1781, %get3A_1782, %get3A_1783] {strides = array<i32>} : memref<2x16x2048xf32, #tpu.memory_space<vmem>>, vector<1x1x16xf32>,
        %get3A_1785 = vector.shape_cast %get3A_1784 : vector<1x1x16xf32> to vector<16xf32>
        %sub3A_1786 = arith.subf %get3A_1785, %get3A_111 : vector<16xf32>
        %sub3A_1787 = arith.subf %get3A_1785, %get3A_111 : vector<16xf32>
        %mul3A_1788 = arith.mulf %sub3A_1786, %sub3A_1787 : vector<16xf32>
        %mul3A_1789 = arith.mulf %mul3A_1788, %get3A_151 : vector<16xf32>
        %add3A_1790 = arith.addf %mul3A_1789, %get3A_191 : vector<16xf32>
        %sub3A_1791 = arith.subf %get3A_1785, %get3A_116 : vector<16xf32>
        %sub3A_1792 = arith.subf %get3A_1785, %get3A_116 : vector<16xf32>
        %mul3A_1793 = arith.mulf %sub3A_1791, %sub3A_1792 : vector<16xf32>
        %mul3A_1794 = arith.mulf %mul3A_1793, %get3A_156 : vector<16xf32>
        %add3A_1795 = arith.addf %mul3A_1794, %get3A_196 : vector<16xf32>
        %sub3A_1796 = arith.subf %get3A_1785, %get3A_121 : vector<16xf32>
        %sub3A_1797 = arith.subf %get3A_1785, %get3A_121 : vector<16xf32>
        %mul3A_1798 = arith.mulf %sub3A_1796, %sub3A_1797 : vector<16xf32>
        %mul3A_1799 = arith.mulf %mul3A_1798, %get3A_161 : vector<16xf32>
        %add3A_1800 = arith.addf %mul3A_1799, %get3A_201 : vector<16xf32>
        %sub3A_1801 = arith.subf %get3A_1785, %get3A_126 : vector<16xf32>
        %sub3A_1802 = arith.subf %get3A_1785, %get3A_126 : vector<16xf32>
        %mul3A_1803 = arith.mulf %sub3A_1801, %sub3A_1802 : vector<16xf32>
        %mul3A_1804 = arith.mulf %mul3A_1803, %get3A_166 : vector<16xf32>
        %add3A_1805 = arith.addf %mul3A_1804, %get3A_206 : vector<16xf32>
        %sub3A_1806 = arith.subf %get3A_1785, %get3A_131 : vector<16xf32>
        %sub3A_1807 = arith.subf %get3A_1785, %get3A_131 : vector<16xf32>
        %mul3A_1808 = arith.mulf %sub3A_1806, %sub3A_1807 : vector<16xf32>
        %mul3A_1809 = arith.mulf %mul3A_1808, %get3A_171 : vector<16xf32>
        %add3A_1810 = arith.addf %mul3A_1809, %get3A_211 : vector<16xf32>
        %sub3A_1811 = arith.subf %get3A_1785, %get3A_136 : vector<16xf32>
        %sub3A_1812 = arith.subf %get3A_1785, %get3A_136 : vector<16xf32>
        %mul3A_1813 = arith.mulf %sub3A_1811, %sub3A_1812 : vector<16xf32>
        %mul3A_1814 = arith.mulf %mul3A_1813, %get3A_176 : vector<16xf32>
        %add3A_1815 = arith.addf %mul3A_1814, %get3A_216 : vector<16xf32>
        %sub3A_1816 = arith.subf %get3A_1785, %get3A_141 : vector<16xf32>
        %sub3A_1817 = arith.subf %get3A_1785, %get3A_141 : vector<16xf32>
        %mul3A_1818 = arith.mulf %sub3A_1816, %sub3A_1817 : vector<16xf32>
        %mul3A_1819 = arith.mulf %mul3A_1818, %get3A_181 : vector<16xf32>
        %add3A_1820 = arith.addf %mul3A_1819, %get3A_221 : vector<16xf32>
        %sub3A_1821 = arith.subf %get3A_1785, %get3A_146 : vector<16xf32>
        %sub3A_1822 = arith.subf %get3A_1785, %get3A_146 : vector<16xf32>
        %mul3A_1823 = arith.mulf %sub3A_1821, %sub3A_1822 : vector<16xf32>
        %mul3A_1824 = arith.mulf %mul3A_1823, %get3A_186 : vector<16xf32>
        %add3A_1825 = arith.addf %mul3A_1824, %get3A_226 : vector<16xf32>
        %max3A_1826 = arith.maximumf %add3A_1790, %add3A_1795 : vector<16xf32>
        %max3A_1827 = arith.maximumf %add3A_1800, %add3A_1805 : vector<16xf32>
        %max3A_1828 = arith.maximumf %max3A_1826, %max3A_1827 : vector<16xf32>
        %max3A_1829 = arith.maximumf %add3A_1810, %add3A_1815 : vector<16xf32>
        %max3A_1830 = arith.maximumf %add3A_1820, %add3A_1825 : vector<16xf32>
        %max3A_1831 = arith.maximumf %max3A_1829, %max3A_1830 : vector<16xf32>
        %max3A_1832 = arith.maximumf %max3A_1828, %max3A_1831 : vector<16xf32>
        %sub3A_1833 = arith.subf %add3A_1790, %max3A_1832 : vector<16xf32>
        %exp3A_1834 = math.exp %sub3A_1833 : vector<16xf32>
        %sub3A_1835 = arith.subf %add3A_1795, %max3A_1832 : vector<16xf32>
        %exp3A_1836 = math.exp %sub3A_1835 : vector<16xf32>
        %add3A_1837 = arith.addf %exp3A_1834, %exp3A_1836 : vector<16xf32>
        %sub3A_1838 = arith.subf %add3A_1800, %max3A_1832 : vector<16xf32>
        %exp3A_1839 = math.exp %sub3A_1838 : vector<16xf32>
        %add3A_1840 = arith.addf %add3A_1837, %exp3A_1839 : vector<16xf32>
        %sub3A_1841 = arith.subf %add3A_1805, %max3A_1832 : vector<16xf32>
        %exp3A_1842 = math.exp %sub3A_1841 : vector<16xf32>
        %add3A_1843 = arith.addf %add3A_1840, %exp3A_1842 : vector<16xf32>
        %sub3A_1844 = arith.subf %add3A_1810, %max3A_1832 : vector<16xf32>
        %exp3A_1845 = math.exp %sub3A_1844 : vector<16xf32>
        %add3A_1846 = arith.addf %add3A_1843, %exp3A_1845 : vector<16xf32>
        %sub3A_1847 = arith.subf %add3A_1815, %max3A_1832 : vector<16xf32>
        %exp3A_1848 = math.exp %sub3A_1847 : vector<16xf32>
        %add3A_1849 = arith.addf %add3A_1846, %exp3A_1848 : vector<16xf32>
        %sub3A_1850 = arith.subf %add3A_1820, %max3A_1832 : vector<16xf32>
        %exp3A_1851 = math.exp %sub3A_1850 : vector<16xf32>
        %add3A_1852 = arith.addf %add3A_1849, %exp3A_1851 : vector<16xf32>
        %sub3A_1853 = arith.subf %add3A_1825, %max3A_1832 : vector<16xf32>
        %exp3A_1854 = math.exp %sub3A_1853 : vector<16xf32>
        %add3A_1855 = arith.addf %add3A_1852, %exp3A_1854 : vector<16xf32>
        %bitcast_convert_type3A_1856 = tpu.bitcast %add3A_1855 : vector<16xf32> -> vector<16xi32>
        %shift_right_arithmetic3A_1857 = arith.constant 23 : i32
        %shift_right_arithmetic3A_1858 = vector.broadcast %shift_right_arithmetic3A_1857 : i32 to vector<16xi32>
        %shift_right_arithmetic3A_1859 = arith.shrsi %bitcast_convert_type3A_1856, %shift_right_arithmetic3A_1858 : vector<16xi32>
        %sub3A_1860 = arith.constant 127 : i32
        %sub3A_1861 = vector.broadcast %sub3A_1860 : i32 to vector<16xi32>
        %sub3A_1862 = arith.subi %shift_right_arithmetic3A_1859, %sub3A_1861 : vector<16xi32>
        %and3A_1863 = arith.constant 8388607 : i32
        %and3A_1864 = vector.broadcast %and3A_1863 : i32 to vector<16xi32>
        %and3A_1865 = arith.andi %bitcast_convert_type3A_1856, %and3A_1864 : vector<16xi32>
        %or3A_1866 = arith.constant 1065353216 : i32
        %or3A_1867 = vector.broadcast %or3A_1866 : i32 to vector<16xi32>
        %or3A_1868 = arith.ori %and3A_1865, %or3A_1867 : vector<16xi32>
        %bitcast_convert_type3A_1869 = tpu.bitcast %or3A_1868 : vector<16xi32> -> vector<16xf32>
        %sub3A_1870 = arith.constant 1.000000e+00 : f32
        %sub3A_1871 = vector.broadcast %sub3A_1870 : f32 to vector<16xf32>
        %sub3A_1872 = arith.subf %bitcast_convert_type3A_1869, %sub3A_1871 : vector<16xf32>
        %mul3A_1873 = arith.constant 0.15270029 : f32
        %mul3A_1874 = vector.broadcast %mul3A_1873 : f32 to vector<16xf32>
        %mul3A_1875 = arith.mulf %mul3A_1874, %sub3A_1872 : vector<16xf32>
        %add3A_1876 = arith.constant -0.568704069 : f32
        %add3A_1877 = vector.broadcast %add3A_1876 : f32 to vector<16xf32>
        %add3A_1878 = arith.addf %mul3A_1875, %add3A_1877 : vector<16xf32>
        %mul3A_1879 = arith.mulf %add3A_1878, %sub3A_1872 : vector<16xf32>
        %add3A_1880 = arith.constant 1.41565323 : f32
        %add3A_1881 = vector.broadcast %add3A_1880 : f32 to vector<16xf32>
        %add3A_1882 = arith.addf %mul3A_1879, %add3A_1881 : vector<16xf32>
        %mul3A_1883 = arith.mulf %add3A_1882, %sub3A_1872 : vector<16xf32>
        %add3A_1884 = arith.constant 8.25462805E-4 : f32
        %add3A_1885 = vector.broadcast %add3A_1884 : f32 to vector<16xf32>
        %add3A_1886 = arith.addf %mul3A_1883, %add3A_1885 : vector<16xf32>
        %convert_element_type3A_1887 = arith.sitofp %sub3A_1862 : vector<16xi32> to vector<16xf32>
        %add3A_1888 = arith.addf %convert_element_type3A_1887, %add3A_1886 : vector<16xf32>
        %mul3A_1889 = arith.constant 0.693147182 : f32
        %mul3A_1890 = vector.broadcast %mul3A_1889 : f32 to vector<16xf32>
        %mul3A_1891 = arith.mulf %add3A_1888, %mul3A_1890 : vector<16xf32>
        %add3A_1892 = arith.addf %max3A_1832, %mul3A_1891 : vector<16xf32>
        %swap3A_1893 = arith.constant 13 : i32
        %swap3A_1894 = arith.index_cast %and3A_47 : i32 to index
        %swap3A_1895 = arith.index_cast %swap3A_1893 : i32 to index
        %swap3A_1896 = arith.index_cast %mul3A_107 : i32 to index
        %swap3A_1897 = tpu.vector_load %arg6[%swap3A_1894, %swap3A_1895, %swap3A_1896] {strides = array<i32>} : memref<2x16x2048xf32, #tpu.memory_space<vmem>>, vector<1x1x16xf32>,
        %swap3A_1898 = vector.shape_cast %swap3A_1897 : vector<1x1x16xf32> to vector<16xf32>
        %swap3A_1899 = vector.shape_cast %add3A_1892 : vector<16xf32> to vector<1x1x16xf32>
        tpu.vector_store %arg6[%swap3A_1894, %swap3A_1895, %swap3A_1896], %swap3A_1899 {strides = array<i32>} : memref<2x16x2048xf32, #tpu.memory_space<vmem>>, vector<1x1x16xf32>,
        %get3A_1900 = arith.constant 14 : i32
        %get3A_1901 = arith.index_cast %and3A_47 : i32 to index
        %get3A_1902 = arith.index_cast %get3A_1900 : i32 to index
        %get3A_1903 = arith.index_cast %mul3A_107 : i32 to index
        %get3A_1904 = tpu.vector_load %arg6[%get3A_1901, %get3A_1902, %get3A_1903] {strides = array<i32>} : memref<2x16x2048xf32, #tpu.memory_space<vmem>>, vector<1x1x16xf32>,
        %get3A_1905 = vector.shape_cast %get3A_1904 : vector<1x1x16xf32> to vector<16xf32>
        %sub3A_1906 = arith.subf %get3A_1905, %get3A_111 : vector<16xf32>
        %sub3A_1907 = arith.subf %get3A_1905, %get3A_111 : vector<16xf32>
        %mul3A_1908 = arith.mulf %sub3A_1906, %sub3A_1907 : vector<16xf32>
        %mul3A_1909 = arith.mulf %mul3A_1908, %get3A_151 : vector<16xf32>
        %add3A_1910 = arith.addf %mul3A_1909, %get3A_191 : vector<16xf32>
        %sub3A_1911 = arith.subf %get3A_1905, %get3A_116 : vector<16xf32>
        %sub3A_1912 = arith.subf %get3A_1905, %get3A_116 : vector<16xf32>
        %mul3A_1913 = arith.mulf %sub3A_1911, %sub3A_1912 : vector<16xf32>
        %mul3A_1914 = arith.mulf %mul3A_1913, %get3A_156 : vector<16xf32>
        %add3A_1915 = arith.addf %mul3A_1914, %get3A_196 : vector<16xf32>
        %sub3A_1916 = arith.subf %get3A_1905, %get3A_121 : vector<16xf32>
        %sub3A_1917 = arith.subf %get3A_1905, %get3A_121 : vector<16xf32>
        %mul3A_1918 = arith.mulf %sub3A_1916, %sub3A_1917 : vector<16xf32>
        %mul3A_1919 = arith.mulf %mul3A_1918, %get3A_161 : vector<16xf32>
        %add3A_1920 = arith.addf %mul3A_1919, %get3A_201 : vector<16xf32>
        %sub3A_1921 = arith.subf %get3A_1905, %get3A_126 : vector<16xf32>
        %sub3A_1922 = arith.subf %get3A_1905, %get3A_126 : vector<16xf32>
        %mul3A_1923 = arith.mulf %sub3A_1921, %sub3A_1922 : vector<16xf32>
        %mul3A_1924 = arith.mulf %mul3A_1923, %get3A_166 : vector<16xf32>
        %add3A_1925 = arith.addf %mul3A_1924, %get3A_206 : vector<16xf32>
        %sub3A_1926 = arith.subf %get3A_1905, %get3A_131 : vector<16xf32>
        %sub3A_1927 = arith.subf %get3A_1905, %get3A_131 : vector<16xf32>
        %mul3A_1928 = arith.mulf %sub3A_1926, %sub3A_1927 : vector<16xf32>
        %mul3A_1929 = arith.mulf %mul3A_1928, %get3A_171 : vector<16xf32>
        %add3A_1930 = arith.addf %mul3A_1929, %get3A_211 : vector<16xf32>
        %sub3A_1931 = arith.subf %get3A_1905, %get3A_136 : vector<16xf32>
        %sub3A_1932 = arith.subf %get3A_1905, %get3A_136 : vector<16xf32>
        %mul3A_1933 = arith.mulf %sub3A_1931, %sub3A_1932 : vector<16xf32>
        %mul3A_1934 = arith.mulf %mul3A_1933, %get3A_176 : vector<16xf32>
        %add3A_1935 = arith.addf %mul3A_1934, %get3A_216 : vector<16xf32>
        %sub3A_1936 = arith.subf %get3A_1905, %get3A_141 : vector<16xf32>
        %sub3A_1937 = arith.subf %get3A_1905, %get3A_141 : vector<16xf32>
        %mul3A_1938 = arith.mulf %sub3A_1936, %sub3A_1937 : vector<16xf32>
        %mul3A_1939 = arith.mulf %mul3A_1938, %get3A_181 : vector<16xf32>
        %add3A_1940 = arith.addf %mul3A_1939, %get3A_221 : vector<16xf32>
        %sub3A_1941 = arith.subf %get3A_1905, %get3A_146 : vector<16xf32>
        %sub3A_1942 = arith.subf %get3A_1905, %get3A_146 : vector<16xf32>
        %mul3A_1943 = arith.mulf %sub3A_1941, %sub3A_1942 : vector<16xf32>
        %mul3A_1944 = arith.mulf %mul3A_1943, %get3A_186 : vector<16xf32>
        %add3A_1945 = arith.addf %mul3A_1944, %get3A_226 : vector<16xf32>
        %max3A_1946 = arith.maximumf %add3A_1910, %add3A_1915 : vector<16xf32>
        %max3A_1947 = arith.maximumf %add3A_1920, %add3A_1925 : vector<16xf32>
        %max3A_1948 = arith.maximumf %max3A_1946, %max3A_1947 : vector<16xf32>
        %max3A_1949 = arith.maximumf %add3A_1930, %add3A_1935 : vector<16xf32>
        %max3A_1950 = arith.maximumf %add3A_1940, %add3A_1945 : vector<16xf32>
        %max3A_1951 = arith.maximumf %max3A_1949, %max3A_1950 : vector<16xf32>
        %max3A_1952 = arith.maximumf %max3A_1948, %max3A_1951 : vector<16xf32>
        %sub3A_1953 = arith.subf %add3A_1910, %max3A_1952 : vector<16xf32>
        %exp3A_1954 = math.exp %sub3A_1953 : vector<16xf32>
        %sub3A_1955 = arith.subf %add3A_1915, %max3A_1952 : vector<16xf32>
        %exp3A_1956 = math.exp %sub3A_1955 : vector<16xf32>
        %add3A_1957 = arith.addf %exp3A_1954, %exp3A_1956 : vector<16xf32>
        %sub3A_1958 = arith.subf %add3A_1920, %max3A_1952 : vector<16xf32>
        %exp3A_1959 = math.exp %sub3A_1958 : vector<16xf32>
        %add3A_1960 = arith.addf %add3A_1957, %exp3A_1959 : vector<16xf32>
        %sub3A_1961 = arith.subf %add3A_1925, %max3A_1952 : vector<16xf32>
        %exp3A_1962 = math.exp %sub3A_1961 : vector<16xf32>
        %add3A_1963 = arith.addf %add3A_1960, %exp3A_1962 : vector<16xf32>
        %sub3A_1964 = arith.subf %add3A_1930, %max3A_1952 : vector<16xf32>
        %exp3A_1965 = math.exp %sub3A_1964 : vector<16xf32>
        %add3A_1966 = arith.addf %add3A_1963, %exp3A_1965 : vector<16xf32>
        %sub3A_1967 = arith.subf %add3A_1935, %max3A_1952 : vector<16xf32>
        %exp3A_1968 = math.exp %sub3A_1967 : vector<16xf32>
        %add3A_1969 = arith.addf %add3A_1966, %exp3A_1968 : vector<16xf32>
        %sub3A_1970 = arith.subf %add3A_1940, %max3A_1952 : vector<16xf32>
        %exp3A_1971 = math.exp %sub3A_1970 : vector<16xf32>
        %add3A_1972 = arith.addf %add3A_1969, %exp3A_1971 : vector<16xf32>
        %sub3A_1973 = arith.subf %add3A_1945, %max3A_1952 : vector<16xf32>
        %exp3A_1974 = math.exp %sub3A_1973 : vector<16xf32>
        %add3A_1975 = arith.addf %add3A_1972, %exp3A_1974 : vector<16xf32>
        %bitcast_convert_type3A_1976 = tpu.bitcast %add3A_1975 : vector<16xf32> -> vector<16xi32>
        %shift_right_arithmetic3A_1977 = arith.constant 23 : i32
        %shift_right_arithmetic3A_1978 = vector.broadcast %shift_right_arithmetic3A_1977 : i32 to vector<16xi32>
        %shift_right_arithmetic3A_1979 = arith.shrsi %bitcast_convert_type3A_1976, %shift_right_arithmetic3A_1978 : vector<16xi32>
        %sub3A_1980 = arith.constant 127 : i32
        %sub3A_1981 = vector.broadcast %sub3A_1980 : i32 to vector<16xi32>
        %sub3A_1982 = arith.subi %shift_right_arithmetic3A_1979, %sub3A_1981 : vector<16xi32>
        %and3A_1983 = arith.constant 8388607 : i32
        %and3A_1984 = vector.broadcast %and3A_1983 : i32 to vector<16xi32>
        %and3A_1985 = arith.andi %bitcast_convert_type3A_1976, %and3A_1984 : vector<16xi32>
        %or3A_1986 = arith.constant 1065353216 : i32
        %or3A_1987 = vector.broadcast %or3A_1986 : i32 to vector<16xi32>
        %or3A_1988 = arith.ori %and3A_1985, %or3A_1987 : vector<16xi32>
        %bitcast_convert_type3A_1989 = tpu.bitcast %or3A_1988 : vector<16xi32> -> vector<16xf32>
        %sub3A_1990 = arith.constant 1.000000e+00 : f32
        %sub3A_1991 = vector.broadcast %sub3A_1990 : f32 to vector<16xf32>
        %sub3A_1992 = arith.subf %bitcast_convert_type3A_1989, %sub3A_1991 : vector<16xf32>
        %mul3A_1993 = arith.constant 0.15270029 : f32
        %mul3A_1994 = vector.broadcast %mul3A_1993 : f32 to vector<16xf32>
        %mul3A_1995 = arith.mulf %mul3A_1994, %sub3A_1992 : vector<16xf32>
        %add3A_1996 = arith.constant -0.568704069 : f32
        %add3A_1997 = vector.broadcast %add3A_1996 : f32 to vector<16xf32>
        %add3A_1998 = arith.addf %mul3A_1995, %add3A_1997 : vector<16xf32>
        %mul3A_1999 = arith.mulf %add3A_1998, %sub3A_1992 : vector<16xf32>
        %add3A_2000 = arith.constant 1.41565323 : f32
        %add3A_2001 = vector.broadcast %add3A_2000 : f32 to vector<16xf32>
        %add3A_2002 = arith.addf %mul3A_1999, %add3A_2001 : vector<16xf32>
        %mul3A_2003 = arith.mulf %add3A_2002, %sub3A_1992 : vector<16xf32>
        %add3A_2004 = arith.constant 8.25462805E-4 : f32
        %add3A_2005 = vector.broadcast %add3A_2004 : f32 to vector<16xf32>
        %add3A_2006 = arith.addf %mul3A_2003, %add3A_2005 : vector<16xf32>
        %convert_element_type3A_2007 = arith.sitofp %sub3A_1982 : vector<16xi32> to vector<16xf32>
        %add3A_2008 = arith.addf %convert_element_type3A_2007, %add3A_2006 : vector<16xf32>
        %mul3A_2009 = arith.constant 0.693147182 : f32
        %mul3A_2010 = vector.broadcast %mul3A_2009 : f32 to vector<16xf32>
        %mul3A_2011 = arith.mulf %add3A_2008, %mul3A_2010 : vector<16xf32>
        %add3A_2012 = arith.addf %max3A_1952, %mul3A_2011 : vector<16xf32>
        %swap3A_2013 = arith.constant 14 : i32
        %swap3A_2014 = arith.index_cast %and3A_47 : i32 to index
        %swap3A_2015 = arith.index_cast %swap3A_2013 : i32 to index
        %swap3A_2016 = arith.index_cast %mul3A_107 : i32 to index
        %swap3A_2017 = tpu.vector_load %arg6[%swap3A_2014, %swap3A_2015, %swap3A_2016] {strides = array<i32>} : memref<2x16x2048xf32, #tpu.memory_space<vmem>>, vector<1x1x16xf32>,
        %swap3A_2018 = vector.shape_cast %swap3A_2017 : vector<1x1x16xf32> to vector<16xf32>
        %swap3A_2019 = vector.shape_cast %add3A_2012 : vector<16xf32> to vector<1x1x16xf32>
        tpu.vector_store %arg6[%swap3A_2014, %swap3A_2015, %swap3A_2016], %swap3A_2019 {strides = array<i32>} : memref<2x16x2048xf32, #tpu.memory_space<vmem>>, vector<1x1x16xf32>,
        %get3A_2020 = arith.constant 15 : i32
        %get3A_2021 = arith.index_cast %and3A_47 : i32 to index
        %get3A_2022 = arith.index_cast %get3A_2020 : i32 to index
        %get3A_2023 = arith.index_cast %mul3A_107 : i32 to index
        %get3A_2024 = tpu.vector_load %arg6[%get3A_2021, %get3A_2022, %get3A_2023] {strides = array<i32>} : memref<2x16x2048xf32, #tpu.memory_space<vmem>>, vector<1x1x16xf32>,
        %get3A_2025 = vector.shape_cast %get3A_2024 : vector<1x1x16xf32> to vector<16xf32>
        %sub3A_2026 = arith.subf %get3A_2025, %get3A_111 : vector<16xf32>
        %sub3A_2027 = arith.subf %get3A_2025, %get3A_111 : vector<16xf32>
        %mul3A_2028 = arith.mulf %sub3A_2026, %sub3A_2027 : vector<16xf32>
        %mul3A_2029 = arith.mulf %mul3A_2028, %get3A_151 : vector<16xf32>
        %add3A_2030 = arith.addf %mul3A_2029, %get3A_191 : vector<16xf32>
        %sub3A_2031 = arith.subf %get3A_2025, %get3A_116 : vector<16xf32>
        %sub3A_2032 = arith.subf %get3A_2025, %get3A_116 : vector<16xf32>
        %mul3A_2033 = arith.mulf %sub3A_2031, %sub3A_2032 : vector<16xf32>
        %mul3A_2034 = arith.mulf %mul3A_2033, %get3A_156 : vector<16xf32>
        %add3A_2035 = arith.addf %mul3A_2034, %get3A_196 : vector<16xf32>
        %sub3A_2036 = arith.subf %get3A_2025, %get3A_121 : vector<16xf32>
        %sub3A_2037 = arith.subf %get3A_2025, %get3A_121 : vector<16xf32>
        %mul3A_2038 = arith.mulf %sub3A_2036, %sub3A_2037 : vector<16xf32>
        %mul3A_2039 = arith.mulf %mul3A_2038, %get3A_161 : vector<16xf32>
        %add3A_2040 = arith.addf %mul3A_2039, %get3A_201 : vector<16xf32>
        %sub3A_2041 = arith.subf %get3A_2025, %get3A_126 : vector<16xf32>
        %sub3A_2042 = arith.subf %get3A_2025, %get3A_126 : vector<16xf32>
        %mul3A_2043 = arith.mulf %sub3A_2041, %sub3A_2042 : vector<16xf32>
        %mul3A_2044 = arith.mulf %mul3A_2043, %get3A_166 : vector<16xf32>
        %add3A_2045 = arith.addf %mul3A_2044, %get3A_206 : vector<16xf32>
        %sub3A_2046 = arith.subf %get3A_2025, %get3A_131 : vector<16xf32>
        %sub3A_2047 = arith.subf %get3A_2025, %get3A_131 : vector<16xf32>
        %mul3A_2048 = arith.mulf %sub3A_2046, %sub3A_2047 : vector<16xf32>
        %mul3A_2049 = arith.mulf %mul3A_2048, %get3A_171 : vector<16xf32>
        %add3A_2050 = arith.addf %mul3A_2049, %get3A_211 : vector<16xf32>
        %sub3A_2051 = arith.subf %get3A_2025, %get3A_136 : vector<16xf32>
        %sub3A_2052 = arith.subf %get3A_2025, %get3A_136 : vector<16xf32>
        %mul3A_2053 = arith.mulf %sub3A_2051, %sub3A_2052 : vector<16xf32>
        %mul3A_2054 = arith.mulf %mul3A_2053, %get3A_176 : vector<16xf32>
        %add3A_2055 = arith.addf %mul3A_2054, %get3A_216 : vector<16xf32>
        %sub3A_2056 = arith.subf %get3A_2025, %get3A_141 : vector<16xf32>
        %sub3A_2057 = arith.subf %get3A_2025, %get3A_141 : vector<16xf32>
        %mul3A_2058 = arith.mulf %sub3A_2056, %sub3A_2057 : vector<16xf32>
        %mul3A_2059 = arith.mulf %mul3A_2058, %get3A_181 : vector<16xf32>
        %add3A_2060 = arith.addf %mul3A_2059, %get3A_221 : vector<16xf32>
        %sub3A_2061 = arith.subf %get3A_2025, %get3A_146 : vector<16xf32>
        %sub3A_2062 = arith.subf %get3A_2025, %get3A_146 : vector<16xf32>
        %mul3A_2063 = arith.mulf %sub3A_2061, %sub3A_2062 : vector<16xf32>
        %mul3A_2064 = arith.mulf %mul3A_2063, %get3A_186 : vector<16xf32>
        %add3A_2065 = arith.addf %mul3A_2064, %get3A_226 : vector<16xf32>
        %max3A_2066 = arith.maximumf %add3A_2030, %add3A_2035 : vector<16xf32>
        %max3A_2067 = arith.maximumf %add3A_2040, %add3A_2045 : vector<16xf32>
        %max3A_2068 = arith.maximumf %max3A_2066, %max3A_2067 : vector<16xf32>
        %max3A_2069 = arith.maximumf %add3A_2050, %add3A_2055 : vector<16xf32>
        %max3A_2070 = arith.maximumf %add3A_2060, %add3A_2065 : vector<16xf32>
        %max3A_2071 = arith.maximumf %max3A_2069, %max3A_2070 : vector<16xf32>
        %max3A_2072 = arith.maximumf %max3A_2068, %max3A_2071 : vector<16xf32>
        %sub3A_2073 = arith.subf %add3A_2030, %max3A_2072 : vector<16xf32>
        %exp3A_2074 = math.exp %sub3A_2073 : vector<16xf32>
        %sub3A_2075 = arith.subf %add3A_2035, %max3A_2072 : vector<16xf32>
        %exp3A_2076 = math.exp %sub3A_2075 : vector<16xf32>
        %add3A_2077 = arith.addf %exp3A_2074, %exp3A_2076 : vector<16xf32>
        %sub3A_2078 = arith.subf %add3A_2040, %max3A_2072 : vector<16xf32>
        %exp3A_2079 = math.exp %sub3A_2078 : vector<16xf32>
        %add3A_2080 = arith.addf %add3A_2077, %exp3A_2079 : vector<16xf32>
        %sub3A_2081 = arith.subf %add3A_2045, %max3A_2072 : vector<16xf32>
        %exp3A_2082 = math.exp %sub3A_2081 : vector<16xf32>
        %add3A_2083 = arith.addf %add3A_2080, %exp3A_2082 : vector<16xf32>
        %sub3A_2084 = arith.subf %add3A_2050, %max3A_2072 : vector<16xf32>
        %exp3A_2085 = math.exp %sub3A_2084 : vector<16xf32>
        %add3A_2086 = arith.addf %add3A_2083, %exp3A_2085 : vector<16xf32>
        %sub3A_2087 = arith.subf %add3A_2055, %max3A_2072 : vector<16xf32>
        %exp3A_2088 = math.exp %sub3A_2087 : vector<16xf32>
        %add3A_2089 = arith.addf %add3A_2086, %exp3A_2088 : vector<16xf32>
        %sub3A_2090 = arith.subf %add3A_2060, %max3A_2072 : vector<16xf32>
        %exp3A_2091 = math.exp %sub3A_2090 : vector<16xf32>
        %add3A_2092 = arith.addf %add3A_2089, %exp3A_2091 : vector<16xf32>
        %sub3A_2093 = arith.subf %add3A_2065, %max3A_2072 : vector<16xf32>
        %exp3A_2094 = math.exp %sub3A_2093 : vector<16xf32>
        %add3A_2095 = arith.addf %add3A_2092, %exp3A_2094 : vector<16xf32>
        %bitcast_convert_type3A_2096 = tpu.bitcast %add3A_2095 : vector<16xf32> -> vector<16xi32>
        %shift_right_arithmetic3A_2097 = arith.constant 23 : i32
        %shift_right_arithmetic3A_2098 = vector.broadcast %shift_right_arithmetic3A_2097 : i32 to vector<16xi32>
        %shift_right_arithmetic3A_2099 = arith.shrsi %bitcast_convert_type3A_2096, %shift_right_arithmetic3A_2098 : vector<16xi32>
        %sub3A_2100 = arith.constant 127 : i32
        %sub3A_2101 = vector.broadcast %sub3A_2100 : i32 to vector<16xi32>
        %sub3A_2102 = arith.subi %shift_right_arithmetic3A_2099, %sub3A_2101 : vector<16xi32>
        %and3A_2103 = arith.constant 8388607 : i32
        %and3A_2104 = vector.broadcast %and3A_2103 : i32 to vector<16xi32>
        %and3A_2105 = arith.andi %bitcast_convert_type3A_2096, %and3A_2104 : vector<16xi32>
        %or3A_2106 = arith.constant 1065353216 : i32
        %or3A_2107 = vector.broadcast %or3A_2106 : i32 to vector<16xi32>
        %or3A_2108 = arith.ori %and3A_2105, %or3A_2107 : vector<16xi32>
        %bitcast_convert_type3A_2109 = tpu.bitcast %or3A_2108 : vector<16xi32> -> vector<16xf32>
        %sub3A_2110 = arith.constant 1.000000e+00 : f32
        %sub3A_2111 = vector.broadcast %sub3A_2110 : f32 to vector<16xf32>
        %sub3A_2112 = arith.subf %bitcast_convert_type3A_2109, %sub3A_2111 : vector<16xf32>
        %mul3A_2113 = arith.constant 0.15270029 : f32
        %mul3A_2114 = vector.broadcast %mul3A_2113 : f32 to vector<16xf32>
        %mul3A_2115 = arith.mulf %mul3A_2114, %sub3A_2112 : vector<16xf32>
        %add3A_2116 = arith.constant -0.568704069 : f32
        %add3A_2117 = vector.broadcast %add3A_2116 : f32 to vector<16xf32>
        %add3A_2118 = arith.addf %mul3A_2115, %add3A_2117 : vector<16xf32>
        %mul3A_2119 = arith.mulf %add3A_2118, %sub3A_2112 : vector<16xf32>
        %add3A_2120 = arith.constant 1.41565323 : f32
        %add3A_2121 = vector.broadcast %add3A_2120 : f32 to vector<16xf32>
        %add3A_2122 = arith.addf %mul3A_2119, %add3A_2121 : vector<16xf32>
        %mul3A_2123 = arith.mulf %add3A_2122, %sub3A_2112 : vector<16xf32>
        %add3A_2124 = arith.constant 8.25462805E-4 : f32
        %add3A_2125 = vector.broadcast %add3A_2124 : f32 to vector<16xf32>
        %add3A_2126 = arith.addf %mul3A_2123, %add3A_2125 : vector<16xf32>
        %convert_element_type3A_2127 = arith.sitofp %sub3A_2102 : vector<16xi32> to vector<16xf32>
        %add3A_2128 = arith.addf %convert_element_type3A_2127, %add3A_2126 : vector<16xf32>
        %mul3A_2129 = arith.constant 0.693147182 : f32
        %mul3A_2130 = vector.broadcast %mul3A_2129 : f32 to vector<16xf32>
        %mul3A_2131 = arith.mulf %add3A_2128, %mul3A_2130 : vector<16xf32>
        %add3A_2132 = arith.addf %max3A_2072, %mul3A_2131 : vector<16xf32>
        %swap3A_2133 = arith.constant 15 : i32
        %swap3A_2134 = arith.index_cast %and3A_47 : i32 to index
        %swap3A_2135 = arith.index_cast %swap3A_2133 : i32 to index
        %swap3A_2136 = arith.index_cast %mul3A_107 : i32 to index
        %swap3A_2137 = tpu.vector_load %arg6[%swap3A_2134, %swap3A_2135, %swap3A_2136] {strides = array<i32>} : memref<2x16x2048xf32, #tpu.memory_space<vmem>>, vector<1x1x16xf32>,
        %swap3A_2138 = vector.shape_cast %swap3A_2137 : vector<1x1x16xf32> to vector<16xf32>
        %swap3A_2139 = vector.shape_cast %add3A_2132 : vector<16xf32> to vector<1x1x16xf32>
        tpu.vector_store %arg6[%swap3A_2134, %swap3A_2135, %swap3A_2136], %swap3A_2139 {strides = array<i32>} : memref<2x16x2048xf32, #tpu.memory_space<vmem>>, vector<1x1x16xf32>,
      }
      %scan3A_72 = arith.constant 128 : i32
      %and3A_73 = arith.constant 1 : i32
      %and3A_74 = arith.andi %scan3A_45, %and3A_73 : i32
      %mul3A_75 = arith.constant 16 : i32
      %mul3A_76 = arith.muli %scan3A_45, %mul3A_75 : i32
      %add3A_77 = arith.addi %mul3A_2, %mul3A_76 : i32
      %dma_start3A_78 = arith.constant 0 : i32
      %dma_start3A_79 = arith.constant 0 : i32
      %dma_start3A_80 = tpu.memref_slice %arg6[%and3A_74, %dma_start3A_78, %dma_start3A_79] : memref<2x16x2048xf32, #tpu.memory_space<vmem>> -> memref<1x16x2048xf32, #tpu.memory_space<vmem>>
      %dma_start3A_81 = tpu.memref_squeeze %dma_start3A_80 : memref<1x16x2048xf32, #tpu.memory_space<vmem>> -> memref<16x2048xf32, #tpu.memory_space<vmem>>
      %dma_start3A_82 = arith.constant 0 : i32
      %dma_start3A_83 = tpu.memref_slice %arg4[%add3A_77, %dma_start3A_82] : memref<4096x2048xf32, #tpu.memory_space<hbm>> -> memref<16x2048xf32, #tpu.memory_space<hbm>>
      %dma_start3A_84 = tpu.memref_slice %arg8[%and3A_74] : memref<2x!tpu.dma_semaphore, #tpu.memory_space<semaphore_mem>> -> memref<1x!tpu.dma_semaphore, #tpu.memory_space<semaphore_mem>>
      %dma_start3A_85 = tpu.memref_squeeze %dma_start3A_84 : memref<1x!tpu.dma_semaphore, #tpu.memory_space<semaphore_mem>> -> memref<!tpu.dma_semaphore, #tpu.memory_space<semaphore_mem>>
      %dma_start3A_86 = arith.constant 0 : i32
      %dma_start3A_87 = tpu.memref_slice %arg4[%add3A_77, %dma_start3A_86] : memref<4096x2048xf32, #tpu.memory_space<hbm>> -> memref<16x2048xf32, #tpu.memory_space<hbm>>
      %dma_start3A_88 = arith.constant 0 : i32
      %dma_start3A_89 = arith.constant 0 : i32
      %dma_start3A_90 = tpu.memref_slice %arg6[%and3A_74, %dma_start3A_88, %dma_start3A_89] : memref<2x16x2048xf32, #tpu.memory_space<vmem>> -> memref<1x16x2048xf32, #tpu.memory_space<vmem>>
      %dma_start3A_91 = tpu.memref_squeeze %dma_start3A_90 : memref<1x16x2048xf32, #tpu.memory_space<vmem>> -> memref<16x2048xf32, #tpu.memory_space<vmem>>
      tpu.enqueue_dma source(%dma_start3A_91 : memref<16x2048xf32, #tpu.memory_space<vmem>>) target(%dma_start3A_87 : memref<16x2048xf32, #tpu.memory_space<hbm>>) target_semaphore(%dma_start3A_85 : memref<!tpu.dma_semaphore, #tpu.memory_space<semaphore_mem>>)
    }
    %scan3A_24 = arith.constant 8 : i32
    %and3A_25 = arith.constant 7 : i32
    %and3A_26 = arith.constant 1 : i32
    %and3A_27 = arith.andi %and3A_25, %and3A_26 : i32
    %mul3A_28 = arith.constant 7 : i32
    %mul3A_29 = arith.constant 16 : i32
    %mul3A_30 = arith.muli %mul3A_28, %mul3A_29 : i32
    %add3A_31 = arith.addi %mul3A_2, %mul3A_30 : i32
    %dma_wait3A = arith.constant 0 : i32
    %dma_wait3A_32 = arith.constant 0 : i32
    %dma_wait3A_33 = tpu.memref_slice %arg6[%and3A_27, %dma_wait3A, %dma_wait3A_32] : memref<2x16x2048xf32, #tpu.memory_space<vmem>> -> memref<1x16x2048xf32, #tpu.memory_space<vmem>>
    %dma_wait3A_34 = tpu.memref_squeeze %dma_wait3A_33 : memref<1x16x2048xf32, #tpu.memory_space<vmem>> -> memref<16x2048xf32, #tpu.memory_space<vmem>>
    %dma_wait3A_35 = arith.constant 0 : i32
    %dma_wait3A_36 = tpu.memref_slice %arg4[%add3A_31, %dma_wait3A_35] : memref<4096x2048xf32, #tpu.memory_space<hbm>> -> memref<16x2048xf32, #tpu.memory_space<hbm>>
    %dma_wait3A_37 = tpu.memref_slice %arg8[%and3A_27] : memref<2x!tpu.dma_semaphore, #tpu.memory_space<semaphore_mem>> -> memref<1x!tpu.dma_semaphore, #tpu.memory_space<semaphore_mem>>
    %dma_wait3A_38 = tpu.memref_squeeze %dma_wait3A_37 : memref<1x!tpu.dma_semaphore, #tpu.memory_space<semaphore_mem>> -> memref<!tpu.dma_semaphore, #tpu.memory_space<semaphore_mem>>
    %dma_wait3A_39 = arith.constant 0 : i32
    %dma_wait3A_40 = tpu.memref_slice %arg4[%add3A_31, %dma_wait3A_39] : memref<4096x2048xf32, #tpu.memory_space<hbm>> -> memref<16x2048xf32, #tpu.memory_space<hbm>>
    %dma_wait3A_41 = arith.constant 0 : i32
    %dma_wait3A_42 = arith.constant 0 : i32
    %dma_wait3A_43 = tpu.memref_slice %arg6[%and3A_27, %dma_wait3A_41, %dma_wait3A_42] : memref<2x16x2048xf32, #tpu.memory_space<vmem>> -> memref<1x16x2048xf32, #tpu.memory_space<vmem>>
    %dma_wait3A_44 = tpu.memref_squeeze %dma_wait3A_43 : memref<1x16x2048xf32, #tpu.memory_space<vmem>> -> memref<16x2048xf32, #tpu.memory_space<vmem>>
    tpu.wait_dma2 semaphore(%dma_wait3A_38 : memref<!tpu.dma_semaphore, #tpu.memory_space<semaphore_mem>>) src(%dma_wait3A_44 : memref<16x2048xf32, #tpu.memory_space<vmem>>) dst(%dma_wait3A_40 : memref<16x2048xf32, #tpu.memory_space<hbm>>)
    return
  }
}

</mosaic_0001>

<sc_bundles>
// kernel: kernel.3.cloned.1.call-start
scs
__scs_entry_jumppad:
0x0: {  	(pc) =	sbr.rel $0x88, $3  }
0x1: {  	(tag) =	ssettag $0x0;
	lr =	simm.s32 $0x1  }
0x2: {  	[smem:$0x3F9D] =	sst lr;
	_ =	strace $0xD0000000  }
0x3: {  	_ = 	snop  }
0x4: {  	_ = 	snop  }
0x5: {  	_ = 	snop  }
0x6: {  	_ = 	snop  }
0x7: {  	_ = 	snop  }
__scs_overlays_trampoline_lowered:
0x8: {  	[smem:$0x3FAC] =	sst s0  }
0x9: {  	[smem:$0x3FAD] =	sst s1  }
0xa: {  	[smem:$0x3FAE] =	sst s2  }
0xb: {  	[smem:$0x3FAF] =	sst s3  }
0xc: {  	[smem:$0x3FB0] =	sst s4  }
0xd: {  	[smem:$0x3FB1] =	sst s5  }
0xe: {  	[smem:$0x3FB2] =	sst s6  }
0xf: {  	[smem:$0x3FB3] =	sst s7  }
0x10: {  	[smem:$0x3FB4] =	sst s8  }
0x11: {  	[smem:$0x3FB5] =	sst s9;
	s0 =	simm.s32 @!p0 $0x0  }
0x12: {  	s1 =	sld [smem:$0x3F9B];
	s0 =	simm.s32 @p0 $0x1  }
0x13: {  	[smem:$0x3FB6] =	sst s0;
	s0 =	simm.s32 @!p1 $0x0  }
0x14: {  	s2 =	sld [smem:$0x3F9A];
	s0 =	simm.s32 @p1 $0x1  }
0x15: {  	[smem:$0x3FB7] =	sst s0;
	s0 =	simm.s32 @!p2 $0x0  }
0x16: {  	s3 =	sld [smem:$0x3FDB];
	s0 =	simm.s32 @p2 $0x1  }
0x17: {  	s4 =	simm.s32 $0x1BF5;
	[smem:$0x3FB9] =	sst s0  }
0x18: {  	s0 =	sld [smem:$0x3F9C];
	_ =	swait.ge [sflag:s4], $0x0  }
0x19: {  	s7 =	sld [smem:$0x3F9D]  }
0x1a: {  	s8 =	sadd.s32 $0xFFFFE003, lr  }
0x1b: {  	s9 =	sadd.s32 $0xFFFFFEF7, lr;
	s5 =	simm.s32 $0xFFFFFFFF;
	p2 =	slt.u32 s8, $0xFFFFF086  }
0x1c: {  	p1 =	slt.u32 s9, $0xF7A;
	s5 =	simm.s32 @!p2 $0x0  }
0x1d: {  	s5 =	simm.s32 @p1 $0x1;
	p0 =	seq.s32 s7, s2  }
0x1e: {  	s7 =	smul.u32 @!p0 $0xF7A, s2;
	p2 =	seq.s32 @!p0 s5, $0x0  }
0x1f: {  	s9 =	smul.u32 $0xF7A, s1;
	s8 =	simm.s32 @!p0 $0x1BF5;
	p2 =	por !p2, p0  }
0x20: {  	[sflag:s8] =	ssyncset.s32 @!p0 $0xFFFFF086;
	s6 =	sadd.s32 @!p0 s3, s7;
	s7 =	simm.s32 @!p0 $0x108  }
0x21: {  	s3 =	sadd.s32 s3, s9;
	s6 =	sadd.s32 @!p0 $0x88, s6;
	s7 =	simm.s32 @p2 $0x1082  }
0x22: {  	[simem:s7], [sflag:s8] =	dma.local @!p0 [hbm:s6], $0xF7A  }
0x23: {  	s9 =	sor.u32 $0xD0000000, s2;
	s6 =	simm.s32 $0x108;
	_ =	swait.ge @!p0 [sflag:s8], $0x0  }
0x24: {  	s3 =	sadd.s32 $0x88, s3;
	s6 =	simm.s32 @!p1 $0x1082;
	[sflag:s4] =	ssyncset.s32 $0xFFFFF086  }
0x25: {  	[simem:s6], [sflag:s4] =	dma.local [hbm:s3], $0xF7A  }
0x26: {  	[smem:$0x3F9D] =	sst s1;
	(tag) =	ssettag s2;
	_ =	strace s9  }
0x27: {  	s1 =	sld [smem:$0x3FAD]  }
0x28: {  	s2 =	sld [smem:$0x3FAE]  }
0x29: {  	s4 =	sld [smem:$0x3FB0]  }
0x2a: {  	p0 =	seq.s32 s5, $0x0;
	s5 =	sld [smem:$0x3FB1]  }
0x2b: {  	s6 =	sld [smem:$0x3FB2]  }
0x2c: {  	s7 =	sld [smem:$0x3FB3]  }
0x2d: {  	s3 =	simm.s32 $0x108;
	s8 =	sld [smem:$0x3FB4]  }
0x2e: {  	s3 =	simm.s32 @!p0 $0x1082;
	s9 =	sld [smem:$0x3FB5]  }
0x2f: {  	lr =	sadd.s32 s0, s3;
	s0 =	sld [smem:$0x3FAC]  }
0x30: {  	s3 =	sld [smem:$0x3FAF]  }
0x31: {  	[smem:$0x3FB8] =	sst s10  }
0x32: {  	s10 =	sld [smem:$0x3FB6];
	_ =	sdelay $0x3  }
0x33: {  	p0 =	seq.s32 s10, $0x1;
	s10 =	sld [smem:$0x3FB8];
	_ =	sdelay $0x3  }
0x34: {  	[smem:$0x3FB8] =	sst s10  }
0x35: {  	s10 =	sld [smem:$0x3FB7];
	_ =	sdelay $0x3  }
0x36: {  	p1 =	seq.s32 s10, $0x1;
	s10 =	sld [smem:$0x3FB8];
	_ =	sdelay $0x3  }
0x37: {  	[smem:$0x3FB8] =	sst s10  }
0x38: {  	s10 =	sld [smem:$0x3FB9]  }
0x39: {  	_ = 	snop;
	(pc) =	sbr.ind lr, $3  }
0x3a: {  	_ = 	snop  }
0x3b: {  	_ = 	snop  }
0x3c: {  	p2 =	seq.s32 s10, $0x1;
	s10 =	sld [smem:$0x3FB8]  }
0x3d: {  	_ =	shalt  }
0x3e: {  	_ =	shalt  }
0x3f: {  	_ =	shalt  }
0x40: {  	_ =	shalt  }
0x41: {  	_ =	shalt  }
0x42: {  	_ =	shalt  }
0x43: {  	_ =	shalt  }
0x44: {  	_ =	shalt  }
0x45: {  	_ =	shalt  }
0x46: {  	_ =	shalt  }
0x47: {  	_ =	shalt  }
0x48: {  	_ =	shalt  }
0x49: {  	_ =	shalt  }
0x4a: {  	_ =	shalt  }
0x4b: {  	_ =	shalt  }
0x4c: {  	_ =	shalt  }
0x4d: {  	_ =	shalt  }
0x4e: {  	_ =	shalt  }
0x4f: {  	_ =	shalt  }
0x50: {  	_ =	shalt  }
0x51: {  	_ =	shalt  }
0x52: {  	_ =	shalt  }
0x53: {  	_ =	shalt  }
0x54: {  	_ =	shalt  }
0x55: {  	_ =	shalt  }
0x56: {  	_ =	shalt  }
0x57: {  	_ =	shalt  }
0x58: {  	_ =	shalt  }
0x59: {  	_ =	shalt  }
0x5a: {  	_ =	shalt  }
0x5b: {  	_ =	shalt  }
0x5c: {  	_ =	shalt  }
0x5d: {  	_ =	shalt  }
0x5e: {  	_ =	shalt  }
0x5f: {  	_ =	shalt  }
0x60: {  	_ =	shalt  }
0x61: {  	_ =	shalt  }
0x62: {  	_ =	shalt  }
0x63: {  	_ =	shalt  }
0x64: {  	_ =	shalt  }
0x65: {  	_ =	shalt  }
0x66: {  	_ =	shalt  }
0x67: {  	_ =	shalt  }
0x68: {  	_ =	shalt  }
0x69: {  	_ =	shalt  }
0x6a: {  	_ =	shalt  }
0x6b: {  	_ =	shalt  }
0x6c: {  	_ =	shalt  }
0x6d: {  	_ =	shalt  }
0x6e: {  	_ =	shalt  }
0x6f: {  	_ =	shalt  }
0x70: {  	_ =	shalt  }
0x71: {  	_ =	shalt  }
0x72: {  	_ =	shalt  }
0x73: {  	_ =	shalt  }
0x74: {  	_ =	shalt  }
0x75: {  	_ =	shalt  }
0x76: {  	_ =	shalt  }
0x77: {  	_ =	shalt  }
0x78: {  	_ =	shalt  }
0x79: {  	_ =	shalt  }
0x7a: {  	_ =	shalt  }
0x7b: {  	_ =	shalt  }
0x7c: {  	_ =	shalt  }
0x7d: {  	_ =	shalt  }
0x7e: {  	_ =	shalt  }
0x7f: {  	_ =	shalt  }
0x80: {  	_ =	shalt  }
0x81: {  	_ =	shalt  }
0x82: {  	_ =	shalt  }
0x83: {  	_ =	shalt  }
0x84: {  	_ =	shalt  }
0x85: {  	_ =	shalt  }
0x86: {  	_ =	shalt  }
0x87: {  	_ =	shalt  }
.Lfunc_end0:
.L_simem_size_0:
called_computation_lowered:
.L_overlay_start_0:
0x88: {  	s2 =	sld [smem:$0x3FD9]  }
0x89: {  	s3 =	sld [smem:$0x3FFE];
	_ =	sdelay $0x1  }
0x8a: {  	s1 =	srdreg.scid  }
0x8b: {  	s0 =	sand.u32 $0x1, s1  }
0x8c: {  	s17 =	sshll.u32 s0, $0xA;
	s2 =	sadd.s32 s3, s2  }
0x8d: {  	s2 =	sadd.s32 s2, s17  }
0x8e: {  	[smem:$0x3FC4] =	sst s2  }
0x8f: {  	_ = 	snop  }
0x90: {  	s2 =	sld [smem:$0x3FC9]  }
0x91: {  	s18 =	sld [smem:$0x3FD0];
	(tm) =	ssettm $0x1  }
0x92: {  	s4 =	sld [smem:$0x3FFB];
	_ =	sdelay $0x3  }
0x93: {  	_ =	strace s4  }
0x94: {  	s4 =	sld [smem:$0x3FFC];
	_ =	sdelay $0x3  }
0x95: {  	_ =	strace s4  }
0x96: {  	s4 =	sld [smem:$0x3FFD];
	_ =	sdelay $0x3  }
0x97: {  	_ =	strace s4  }
0x98: {  	_ =	strace $0x8FFFFFFF  }
0x99: {  	s19 =	sld [smem:$0x3FDB];
	_ =	sdelay $0x1  }
0x9a: {  	s5 =	simm.s32 $_scs_section_size  }
0x9b: {  	s6 =	simm.s32 $_size__tile_overlayer_lowered;
	s7 =	simm.s32 $_tile_overlayer_lowered  }
0x9c: {  	s22 =	simm.s32 $0x1BFF;
	s21 =	sshll.u32 s7, $0x1;
	s4 =	sadd.s32 s5, s19  }
0x9d: {  	s8 =	simm.s32 $0x0;
	s20 =	sshll.u32 s6, $0x1;
	s6 =	sadd.s32 s21, s4  }
0x9e: {  	[timem:s8], [sflag:s22] =	dma.local [hbm:s6], s20  }
0x9f: {  	_ =	swait.ge [sflag:s22], s20  }
0xa0: {  	s5 =	ssub.s32 $0x0, s20;
	[sflag:s22] =	ssyncset.done $0x0  }
0xa1: {  	[sflag:s22] =	ssyncadd.s32 s5;
	_ =	sdelay $0x1  }
0xa2: {  	s23 =	simm.s32 $0x1B8B  }
0xa3: {  	_ =	swait.ge [sflag:s23], $0x1  }
0xa4: {  	[sflag:s23] =	ssyncset.done $0x0  }
0xa5: {  	s25 =	simm.s32 $0x1B8E;
	s24 =	sld [smem:$0x3FFE];
	[sflag:s23] =	ssyncadd.s32 $0xFFFFFFFF  }
0xa6: {  	s26 =	simm.s32 $execute0_lowered;
	[smem:$0x3FD2] =	sst s25  }
0xa7: {  	s6 =	sshll.u32 s26, $0x1;
	_ =	strace $0x80000046;
	[dreg:$0x1] =	wrdreg $0xFFFFFFFF  }
0xa8: {  	s28 =	simm.s32 $_size_execute0_lowered;
	s4 =	sadd.s32 s4, s6;
	[dreg:$0x0] =	wrdreg $0x0  }
0xa9: {  	s6 =	sshll.u32 s28, $0x1;
	[dreg:$0x2] =	wrdreg s4  }
0xaa: {  	[dreg:$0x3] =	wrdreg s6  }
0xab: {  	[dreg:$0x4] =	wrdreg $0xC0  }
0xac: {  	_ =	task [dreg:s8], $0x5FFFF  }
0xad: {  	[dreg:$0x1] =	wrdreg $0xFFFFFFFF  }
0xae: {  	[dreg:$0x0] =	wrdreg $0x60  }
0xaf: {  	[dreg:$0x2] =	wrdreg s24  }
0xb0: {  	[dreg:$0x3] =	wrdreg s2  }
0xb1: {  	[dreg:$0x4] =	wrdreg s18  }
0xb2: {  	[dreg:$0x5] =	wrdreg $0x9  }
0xb3: {  	_ =	task.clear_ibuf [dreg:s8], $0x6FFFF;
	_ =	strace $0x90000046  }
0xb4: {  	s29 =	simm.s32 $0x9;
	_ =	strace $0x80000048  }
0xb5: {  	_ =	swait.ge [sflag:s29], $0x1  }
0xb6: {  	[sflag:s29] =	ssyncadd.s32 $0xFFFFFFFF  }
0xb7: {  	_ =	strace $0x90000048  }
0xb8: {  	_ =	sfence  }
0xb9: {  	s30 =	sld [smem:$0x0];
	_ =	sdelay $0x2  }
0xba: {  	s31 =	sshll.u32 s1, $0xD;
	s1 =	sshrl.u32 s1, $0x2  }
0xbb: {  	s3 =	sand.u32 $0x4000, s31;
	s1 =	sadd.s32 s1, s30  }
0xbc: {  	s0 =	sor.u32 s3, s0;
	s1 =	sshll.u32 s1, $0x11  }
0xbd: {  	s0 =	sor.u32 s1, s0  }
0xbe: {  	s0 =	sadd.s32 $0x8F2B, s0  }
0xbf: {  	[sflag:s0] =	ssyncadd.remote.s32 $0x1  }
0xc0: {  	_ =	sfence.sel $0xFFFF  }
0xc1: {  	[dreg:$0x0] =	wrdreg $0xFFFFFFFF;
	(pc) =	sbr.abs _section_cstart, $3  }
0xc2: {  	[dreg:$0x1] =	wrdreg $0xFFFFFFFF  }
0xc3: {  	_ =	task.clear_ibuf [dreg:s8], $0x2FFFF;
	_ =	strace $0x9FFFFFFF  }
0xc4: {  	(tm) =	ssettm $0x7FFFFFFF  }
0xc5: {  	_ =	shalt  }
tec
execute0_lowered:
.L_overlay_start_1:
0x0: {  	(tag) =	ssettag $0x1  }
0x1: {  	s1 =	rddreg [dreg:$0x0]  }
0x2: {  	s4 =	rddreg [dreg:$0x1]  }
0x3: {  	s5 =	rddreg [dreg:$0x2]  }
0x4: {  	s0 =	rddreg [dreg:$0x3];
	s6 =	srdreg.scid  }
0x5: {  	s3 =	simm.s32 $0x0;
	s2 =	stileid.u32;
	s10 =	simm.s32 $0x0  }
0x6: {  	s6 =	sand.u32 $0x1, s6;
	s8 =	sshll.u32 s2, $0x10;
	[smem:$0x7FF] =	sst s3  }
0x7: {  	s7 =	ssub.s32 $0x2, s6;
	s6 =	sshll.u32 s6, $0xF;
	_ =	strace $0x80000047  }
0x8: {  	s9 =	sshrl.u32 s7, $0x1;
	s6 =	sor.u32 s6, s8;
	s8 =	simm.s32 $0x5  }
0x9: {  	s7 =	ssub.s32 s7, s9;
	s4 =	sadd.s32 s4, s6;
	s5 =	sadd.s32 s5, s6  }
0xa: {  	s9 =	simm.s32 $0x4;
	s6 =	smax.u32 s7, $0x1;
	s7 =	simm.s32 $0xC000  }
.LBB2_1:
0xb: {  	[tilespmem:s7], [sflag:$0x1] =	stream.linear.gather [hbm4b:s4+s3], $0x8000, $0x38;
	[tilespmem:$0x1C000] =	vst v63  }
0xc: {  	_ = 	snop  }
0xd: {  	[tilespmem:s3], [sflag:$0x5] =	stream.linear.gather [hbm4b:s1+s3], $0xC000, $0x38;
	[tilespmem:$0x1C000] =	vst v63  }
0xe: {  	_ =	swait.ge [sflag:s8], $0xC000  }
0xf: {  	[sflag:s8] =	ssyncset.done $0x0  }
0x10: {  	s11 =	simm.s32 $0x0;
	[sflag:s8] =	ssyncadd.s32 $0xFFFF4000  }
.LBB2_2:
0x11: {  	s13 =	sand.u32 $0x1, s11;
	s12 =	sadd.s32 $0x1, s11;
	s19 =	simm.s32 $0xFFFFF800  }
0x12: {  	s20 =	simm.s32 $0x0;
	p0 =	seq.s32 s11, $0x0;
	p1 =	seq.s32 s11, $0x7  }
0x13: {  	s21 =	simm.s32 $0x0;
	s14 =	sadd.s32 $0x1, s13;
	s15 =	sand.u32 $0x1, s12  }
0x14: {  	s30 =	sxor.u32 $0x1, s13;
	s18 =	sshll.u32 s12, $0xC;
	s31 =	sshll.u32 s13, $0xF  }
0x15: {  	_ =	swait.ge [sflag:s14], $0x8000;
	s16 =	sshll.u32 s15, $0xF;
	s17 =	sadd.s32 $0x1, s15  }
0x16: {  	s18 =	sadd.s32 s18, s4;
	s15 =	sadd.s32 $0xC000, s31;
	[sflag:s14] =	ssyncset.done $0x0  }
0x17: {  	s16 =	sadd.s32 $0xC000, s16;
	v0 =	vmov s15;
	[sflag:s14] =	ssyncadd.s32 $0xFFFF8000;
	s14 =	sadd.s32 $0x3, s30  }
.LBB2_3:
0x18: {  	p2 =	sne.s32 @!p0 s21, $0x800  }
0x19: {  	p2 =	por p2, p0  }
0x1a: {  	p3 =	sne.s32 @!p1 s21, $0x800;
	_ =	swait.ge @!p2 [sflag:s14], $0x8000  }
0x1b: {  	p3 =	por p3, p1;
	[sflag:s14] =	ssyncset.done @!p2 $0x0  }
0x1c: {  	s30 =	sadd.s32 $0x800, s19;
	s22 =	simm.s32 @!p3 $0x0;
	[sflag:s14] =	ssyncadd.s32 @!p2 $0xFFFF8000  }
0x1d: {  	[tilespmem:s16], [sflag:s17] =	stream.linear.gather @!p3 [hbm4b:s18+s22], $0x8000, $0x38;
	[tilespmem:$0x1C000] =	vst v63  }
0x1e: {  	s23 =	sand.u32 $0x3C00, s21;
	s22 =	sand.u32 $0x70, s30  }
0x1f: {  	s22 =	sor.u32 s22, s23  }
0x20: {  	v20 =	vld [tilespmem:s22+$0x0]  }
0x21: {  	v18 =	vld [tilespmem:s22+$0x80]  }
0x22: {  	v15 =	vld [tilespmem:s22+$0x100]  }
0x23: {  	v8 =	vld [tilespmem:s22+$0x180]  }
0x24: {  	v7 =	vld [tilespmem:s22+$0x200]  }
0x25: {  	v5 =	vld [tilespmem:s22+$0x280]  }
0x26: {  	v3 =	vld [tilespmem:s22+$0x300]  }
0x27: {  	v21 =	vld [tilespmem:s22+$0x4000]  }
0x28: {  	v19 =	vld [tilespmem:s22+$0x4080]  }
0x29: {  	v16 =	vld [tilespmem:s22+$0x4100]  }
0x2a: {  	v17 =	vld.idx.msk [tilespmem:v0+s22+$0x0 ss:$0x1], $0xffff  }
0x2b: {  	v10 =	vld [tilespmem:s22+$0x4180]  }
0x2c: {  	v9 =	vld [tilespmem:s22+$0x4200]  }
0x2d: {  	v6 =	vld [tilespmem:s22+$0x4280]  }
0x2e: {  	s31 =	sand.u32 $0x7, s20;
	v51 =	vld.idx.msk [tilespmem:v0+s22+$0x80 ss:$0x1], $0xffff  }
0x2f: {  	s23 =	sshll.u32 s31, $0x4;
	v2 =	vld [tilespmem:s22+$0x4300];
	v11 =	vsub.f32 v17, v20  }
0x30: {  	s23 =	sadd.s32 s23, s21;
	v1 =	vld [tilespmem:s22+$0x4380];
	v12 =	vsub.f32 v17, v18;
	v14 =	vsub.f32 v17, v15  }
0x31: {  	v24 =	vld [tilespmem:s22+$0x8000];
	s23 =	sor.u32 $0x380, s23;
	v25 =	vsub.f32 v17, v8;
	v29 =	vsub.f32 v17, v7  }
0x32: {  	v4 =	vld [tilespmem:s23+$0x0];
	v30 =	vsub.f32 v17, v5;
	v31 =	vsub.f32 v17, v3;
	v11 =	vmul.f32 v11, v11  }
0x33: {  	v22 =	vld [tilespmem:s22+$0x8080];
	v53 =	vsub.f32 v51, v20;
	v12 =	vmul.f32 v12, v12;
	v27 =	vmul.f32 v14, v14  }
0x34: {  	v23 =	vld [tilespmem:s22+$0x8100];
	v37 =	vsub.f32 v51, v5;
	v25 =	vmul.f32 v25, v25;
	v29 =	vmul.f32 v29, v29  }
0x35: {  	v13 =	vld [tilespmem:s22+$0x8180];
	v38 =	vsub.f32 v51, v3;
	v30 =	vmul.f32 v30, v30;
	v31 =	vmul.f32 v31, v31  }
0x36: {  	v55 =	vsub.f32 v51, v18;
	v14 =	vld [tilespmem:s22+$0x8200];
	v56 =	vmul.f32 v53, v53;
	v61 =	vmul.f32 v37, v37  }
0x37: {  	v32 =	vsub.f32 v17, v4;
	v17 =	vld [tilespmem:s22+$0x8380];
	v62 =	vmul.f32 v38, v38;
	v26 =	vmul.f32 v11, v21  }
0x38: {  	v57 =	vsub.f32 v51, v15;
	v28 =	vmul.f32 v12, v19;
	v11 =	vld [tilespmem:s22+$0x8280];
	v27 =	vmul.f32 v27, v16  }
0x39: {  	v58 =	vsub.f32 v51, v8;
	v12 =	vld [tilespmem:s22+$0x8300];
	v25 =	vmul.f32 v25, v10;
	v32 =	vmul.f32 v32, v32  }
0x3a: {  	v59 =	vsub.f32 v51, v7;
	v29 =	vmul.f32 v29, v9;
	v30 =	vmul.f32 v30, v6  }
0x3b: {  	v26 =	vadd.f32 v26, v24;
	v28 =	vadd.f32 v28, v22;
	v47 =	vmul.f32 v32, v1  }
0x3c: {  	v46 =	vmul.f32 v31, v2;
	v27 =	vadd.f32 v27, v23;
	v33 =	vadd.f32 v25, v13  }
0x3d: {  	v29 =	vadd.f32 v29, v14;
	v31 =	vadd.f32 v47, v17;
	v49 =	vmax.f32 v26, v28  }
0x3e: {  	v34 =	vmax.f32 v27, v33;
	v30 =	vadd.f32 v30, v11;
	v48 =	vadd.f32 v46, v12  }
0x3f: {  	v37 =	vmul.f32 v62, v2;
	v25 =	vmax.f32 v49, v34;
	v34 =	vsub.f32 v51, v4  }
0x40: {  	v60 =	vmul.f32 v59, v59;
	v35 =	vmax.f32 v29, v30;
	v36 =	vmax.f32 v48, v31  }
0x41: {  	v37 =	vadd.f32 v37, v12;
	v34 =	vmul.f32 v34, v34;
	v50 =	vmax.f32 v35, v36  }
0x42: {  	v35 =	vmul.f32 v58, v58;
	v36 =	vmul.f32 v61, v6;
	v25 =	vmax.f32 v25, v50  }
0x43: {  	v34 =	vmul.f32 v34, v1;
	v26 =	vsub.f32 v26, v25;
	v28 =	vsub.f32 v28, v25  }
0x44: {  	v27 =	vsub.f32 v27, v25;
	v54 =	vsub.f32 v33, v25;
	v33 =	vmul.f32 v55, v55  }
0x45: {  	v29 =	vsub.f32 v29, v25;
	v30 =	vsub.f32 v30, v25;
	v35 =	vmul.f32 v35, v10  }
0x46: {  	v36 =	vadd.f32 v36, v11;
	v26 =	vmul.f32 $1.442695020e+00, v26;
	v28 =	vmul.f32 $1.442695020e+00, v28  }
0x47: {  	v32 =	vsub.f32 v48, v25;
	v52 =	vmul.f32 $1.442695020e+00, v27;
	v27 =	vmul.f32 v57, v57  }
0x48: {  	v48 =	vsub.f32 v31, v25;
	v33 =	vmul.f32 v33, v19;
	v29 =	vmul.f32 $1.442695020e+00, v29  }
0x49: {  	v34 =	vadd.f32 v34, v17;
	(erf) = vpow2.f32 v26;
	v26 =	vmul.f32 v56, v21  }
0x4a: {  	v35 =	vadd.f32 v35, v13;
	v63 =	vmul.f32 $1.442695020e+00, v30;
	v50 =	vmul.f32 $1.442695020e+00, v32  }
0x4b: {  	v27 =	vmul.f32 v27, v16;
	v39 =	vadd.f32 v26, v24;
	v26 =	vmul.f32 v60, v9  }
0x4c: {  	v33 =	vadd.f32 v33, v22;
	(erf) = vpow2.f32 v28;
	v28 =	vmul.f32 $1.442695020e+00, v54;
	v60 =	vld.idx.msk [tilespmem:v0+s22+$0x100 ss:$0x1], $0xffff  }
0x4d: {  	(erf) = vpow2.f32 v52;
	v27 =	vadd.f32 v27, v23;
	v38 =	vadd.f32 v26, v14  }
0x4e: {  	v30 =	vmul.f32 $1.442695020e+00, v48;
	v40 =	vmax.f32 v37, v34;
	(erf) = vpow2.f32 v28  }
0x4f: {  	v44 =	vmax.f32 v39, v33;
	v45 =	vmax.f32 v27, v35;
	v46 =	vmax.f32 v38, v36  }
0x50: {  	(erf) = vpow2.f32 v29;
	v26 =	vmax.f32 v44, v45;
	v47 =	vmax.f32 v46, v40  }
0x51: {  	v45 =	vsub.f32 v60, v20;
	v26 =	vmax.f32 v26, v47;
	v47 =	vsub.f32 v60, v18  }
0x52: {  	(erf) = vpow2.f32 v63;
	v51 =	vsub.f32 v39, v26;
	v33 =	vsub.f32 v33, v26  }
0x53: {  	(erf) = vpow2.f32 v50;
	v27 =	vsub.f32 v27, v26;
	v62 =	vsub.f32 v35, v26  }
0x54: {  	(erf) = vpow2.f32 v30;
	v39 =	vsub.f32 v38, v26;
	v41 =	vsub.f32 v36, v26  }
0x55: {  	v49 =	vpop (erf);
	v43 =	vsub.f32 v37, v26;
	v48 =	vmul.f32 v45, v45;
	v53 =	vmul.f32 $1.442695020e+00, v51  }
0x56: {  	v34 =	vsub.f32 v34, v26;
	v52 =	vpop (erf);
	v55 =	vmul.f32 $1.442695020e+00, v33;
	v27 =	vmul.f32 $1.442695020e+00, v27  }
0x57: {  	v29 =	vadd.f32 v52, v49;
	v30 =	vmul.f32 $1.442695020e+00, v62;
	v42 =	vmul.f32 $1.442695020e+00, v39  }
0x58: {  	v44 =	vmul.f32 $1.442695020e+00, v41;
	v46 =	vmul.f32 $1.442695020e+00, v43;
	v49 =	vsub.f32 v60, v15  }
0x59: {  	v51 =	vmul.f32 v47, v47;
	v52 =	vsub.f32 v60, v8;
	v34 =	vmul.f32 $1.442695020e+00, v34  }
0x5a: {  	v54 =	vpop (erf);
	(erf) = vpow2.f32 v53;
	v33 =	vmul.f32 v49, v49  }
0x5b: {  	v29 =	vadd.f32 v29, v54;
	v31 =	vmul.f32 v51, v19;
	v32 =	vmul.f32 v52, v52  }
0x5c: {  	v53 =	vsub.f32 v60, v7;
	v54 =	vsub.f32 v60, v5;
	(erf) = vpow2.f32 v55  }
0x5d: {  	v56 =	vpop (erf);
	v55 =	vsub.f32 v60, v3;
	(erf) = vpow2.f32 v27;
	v33 =	vmul.f32 v33, v16  }
0x5e: {  	v28 =	vadd.f32 v29, v56;
	v32 =	vmul.f32 v32, v10;
	v35 =	vmul.f32 v53, v53  }
0x5f: {  	v29 =	vsub.f32 v60, v4;
	v36 =	vmul.f32 v54, v54;
	(erf) = vpow2.f32 v30  }
0x60: {  	v57 =	vpop (erf);
	v31 =	vadd.f32 v31, v22;
	v30 =	vmul.f32 v48, v21;
	v37 =	vmul.f32 v55, v55  }
0x61: {  	v28 =	vadd.f32 v28, v57;
	(erf) = vpow2.f32 v42;
	v29 =	vmul.f32 v29, v29  }
0x62: {  	v58 =	vpop (erf);
	v33 =	vadd.f32 v33, v23;
	v35 =	vmul.f32 v35, v9;
	v32 =	vadd.f32 v32, v13  }
0x63: {  	v59 =	vpop (erf);
	v36 =	vmul.f32 v36, v6;
	v30 =	vadd.f32 v30, v24;
	v28 =	vadd.f32 v28, v58  }
0x64: {  	v61 =	vpop (erf);
	v37 =	vmul.f32 v37, v2;
	v29 =	vmul.f32 v29, v1;
	v35 =	vadd.f32 v35, v14  }
0x65: {  	(erf) = vpow2.f32 v44;
	v36 =	vadd.f32 v36, v11;
	v27 =	vadd.f32 v28, v59;
	v63 =	vpop (erf)  }
0x66: {  	(erf) = vpow2.f32 v46;
	v37 =	vadd.f32 v37, v12;
	v29 =	vadd.f32 v29, v17;
	v40 =	vpop (erf)  }
0x67: {  	v58 =	vmax.f32 v30, v31;
	v28 =	vadd.f32 v27, v61;
	v27 =	vadd.f32 v40, v63;
	v63 =	vld.idx.msk [tilespmem:v0+s22+$0x180 ss:$0x1], $0xffff  }
0x68: {  	(erf) = vpow2.f32 v34;
	v59 =	vmax.f32 v33, v32;
	v41 =	vmax.f32 v35, v36;
	v50 =	vpop (erf)  }
0x69: {  	v42 =	vmax.f32 v37, v29;
	v56 =	vand.u32 $0x7FFFFF, v28;
	v27 =	vadd.f32 v27, v50  }
0x6a: {  	v60 =	vmax.f32 v58, v59;
	v61 =	vmax.f32 v41, v42;
	v57 =	vpop (erf);
	v38 =	vor.u32 $0x3F800000, v56  }
0x6b: {  	v28 =	vshra.s32 v28, $0x17;
	v38 =	vadd.f32 $-1.000000000e+00, v38;
	v27 =	vadd.f32 v27, v57  }
0x6c: {  	v28 =	vadd.s32 $0xFFFFFF81, v28;
	v52 =	vsub.f32 v63, v20;
	v54 =	vsub.f32 v63, v18  }
0x6d: {  	v28 =	vcvt.s32.f32 v28;
	v55 =	vsub.f32 v63, v15;
	v57 =	vsub.f32 v63, v8  }
0x6e: {  	v43 =	vpop (erf);
	v49 =	vmul.f32 $1.527002900e-01, v38;
	v59 =	vsub.f32 v63, v7;
	v44 =	vsub.f32 v63, v5  }
0x6f: {  	v45 =	vsub.f32 v63, v3;
	v62 =	vadd.f32 v27, v43;
	v27 =	vmax.f32 v60, v61  }
0x70: {  	v34 =	vsub.f32 v63, v4;
	v51 =	vsub.f32 v33, v27;
	v33 =	vmul.f32 v52, v52  }
0x71: {  	v53 =	vsub.f32 v32, v27;
	v32 =	vmul.f32 v54, v54;
	v40 =	vmul.f32 v55, v55  }
0x72: {  	v30 =	vsub.f32 v30, v27;
	v58 =	vmul.f32 v57, v57;
	v43 =	vmul.f32 v59, v59  }
0x73: {  	v31 =	vsub.f32 v31, v27;
	v44 =	vmul.f32 v44, v44;
	v45 =	vmul.f32 v45, v45  }
0x74: {  	v41 =	vadd.f32 $-5.687040690e-01, v49;
	v34 =	vmul.f32 v34, v34;
	v30 =	vmul.f32 $1.442695020e+00, v30  }
0x75: {  	v35 =	vsub.f32 v35, v27;
	v31 =	vmul.f32 $1.442695020e+00, v31;
	v33 =	vmul.f32 v33, v21  }
0x76: {  	v36 =	vsub.f32 v36, v27;
	v32 =	vmul.f32 v32, v19;
	v40 =	vmul.f32 v40, v16  }
0x77: {  	v48 =	vpop (erf);
	v37 =	vsub.f32 v37, v27;
	v42 =	vmul.f32 v58, v10;
	v43 =	vmul.f32 v43, v9  }
0x78: {  	v39 =	vadd.f32 v62, v48;
	v44 =	vmul.f32 v44, v6;
	v45 =	vmul.f32 v45, v2  }
0x79: {  	v50 =	vpop (erf);
	v63 =	vsub.f32 v29, v27;
	v34 =	vmul.f32 v34, v1;
	v35 =	vmul.f32 $1.442695020e+00, v35  }
0x7a: {  	v36 =	vmul.f32 $1.442695020e+00, v36;
	v49 =	vmul.f32 v41, v38;
	v39 =	vadd.f32 v39, v50  }
0x7b: {  	(erf) = vpow2.f32 v30;
	v33 =	vadd.f32 v33, v24;
	v32 =	vadd.f32 v32, v22  }
0x7c: {  	v30 =	vmul.f32 $1.442695020e+00, v51;
	v40 =	vadd.f32 v40, v23;
	v42 =	vadd.f32 v42, v13  }
0x7d: {  	v56 =	vpop (erf);
	v34 =	vadd.f32 v34, v17;
	(erf) = vpow2.f32 v31;
	v31 =	vmul.f32 $1.442695020e+00, v53  }
0x7e: {  	v39 =	vadd.f32 v39, v56;
	v53 =	vadd.f32 $1.415653230e+00, v49;
	(erf) = vpow2.f32 v30  }
0x7f: {  	v30 =	vadd.f32 v43, v14;
	v43 =	vadd.f32 v44, v11;
	v60 =	vmax.f32 v33, v32  }
0x80: {  	v61 =	vmax.f32 v40, v42;
	(erf) = vpow2.f32 v31;
	v31 =	vadd.f32 v45, v12  }
0x81: {  	v44 =	vmax.f32 v60, v61;
	v45 =	vmul.f32 $1.442695020e+00, v37;
	v57 =	vmul.f32 v53, v38  }
0x82: {  	v46 =	vmax.f32 v30, v43;
	(erf) = vpow2.f32 v35;
	v47 =	vmax.f32 v31, v34  }
0x83: {  	(erf) = vpow2.f32 v36;
	v62 =	vmax.f32 v46, v47;
	v46 =	vmul.f32 $1.442695020e+00, v63  }
0x84: {  	v47 =	vand.u32 $0x7FFFFF, v39;
	(erf) = vpow2.f32 v45;
	v29 =	vmax.f32 v44, v62  }
0x85: {  	v39 =	vshra.s32 v39, $0x17;
	v37 =	vor.u32 $0x3F800000, v47;
	v33 =	vsub.f32 v33, v29  }
0x86: {  	v39 =	vadd.s32 $0xFFFFFF81, v39;
	v32 =	vsub.f32 v32, v29;
	v48 =	vsub.f32 v40, v29  }
0x87: {  	v47 =	vld.idx.msk [tilespmem:v0+s22+$0x200 ss:$0x1], $0xffff;
	(erf) = vpow2.f32 v46;
	v61 =	vsub.f32 v42, v29;
	v30 =	vsub.f32 v30, v29  }
0x88: {  	v49 =	vsub.f32 v43, v29;
	v39 =	vcvt.s32.f32 v39;
	v33 =	vmul.f32 $1.442695020e+00, v33  }
0x89: {  	v34 =	vsub.f32 v34, v29;
	v50 =	vpop (erf);
	v32 =	vmul.f32 $1.442695020e+00, v32;
	v52 =	vmul.f32 $1.442695020e+00, v48  }
0x8a: {  	v31 =	vsub.f32 v31, v29;
	v51 =	vpop (erf);
	v40 =	vmul.f32 $1.442695020e+00, v61;
	v30 =	vmul.f32 $1.442695020e+00, v30  }
0x8b: {  	v38 =	vmul.f32 $1.442695020e+00, v49;
	v34 =	vmul.f32 $1.442695020e+00, v34;
	v54 =	vadd.f32 v51, v50  }
0x8c: {  	v56 =	vpop (erf);
	(erf) = vpow2.f32 v33;
	v33 =	vadd.f32 $-1.000000000e+00, v37;
	v53 =	vsub.f32 v47, v18  }
0x8d: {  	v51 =	vmul.f32 $1.442695020e+00, v31;
	v61 =	vsub.f32 v47, v5;
	v58 =	vadd.f32 v54, v56  }
0x8e: {  	(erf) = vpow2.f32 v32;
	v32 =	vadd.f32 $8.254628050e-04, v57;
	v54 =	vsub.f32 v47, v15  }
0x8f: {  	v59 =	vpop (erf);
	v56 =	vsub.f32 v47, v8;
	v55 =	vmul.f32 $1.527002900e-01, v33;
	(erf) = vpow2.f32 v52  }
0x90: {  	v52 =	vsub.f32 v47, v20;
	v35 =	vadd.f32 v58, v59;
	(erf) = vpow2.f32 v40  }
0x91: {  	v28 =	vadd.f32 v28, v32;
	v58 =	vmul.f32 v54, v54;
	v59 =	vmul.f32 v56, v56  }
0x92: {  	v40 =	vsub.f32 v47, v4;
	(erf) = vpow2.f32 v30;
	v31 =	vmul.f32 v52, v52  }
0x93: {  	v60 =	vpop (erf);
	v37 =	vadd.f32 $-5.687040690e-01, v55;
	v55 =	vmul.f32 v53, v53;
	v28 =	vmul.f32 $6.931471820e-01, v28  }
0x94: {  	v44 =	vadd.f32 v35, v60;
	(erf) = vpow2.f32 v38;
	v35 =	vmul.f32 v58, v16  }
0x95: {  	v62 =	vpop (erf);
	v60 =	vsub.f32 v47, v7;
	v40 =	vmul.f32 v40, v40;
	v37 =	vmul.f32 v37, v33  }
0x96: {  	(erf) = vpow2.f32 v51;
	v31 =	vmul.f32 v31, v21;
	v32 =	vadd.f32 v44, v62  }
0x97: {  	v63 =	vpop (erf);
	(erf) = vpow2.f32 v34;
	v34 =	vmul.f32 v55, v19;
	v62 =	vsub.f32 v47, v3  }
0x98: {  	v47 =	vmul.f32 v60, v60;
	v35 =	vadd.f32 v35, v23;
	v25 =	vadd.f32 v28, v25  }
0x99: {  	v45 =	vpop (erf);
	v40 =	vmul.f32 v40, v1;
	v37 =	vadd.f32 $1.415653230e+00, v37;
	v32 =	vadd.f32 v32, v63  }
0x9a: {  	v46 =	vpop (erf);
	v63 =	vadd.f32 v31, v24;
	v34 =	vadd.f32 v34, v22;
	v49 =	vmul.f32 v62, v62  }
0x9b: {  	v31 =	vmul.f32 v47, v9;
	v40 =	vadd.f32 v40, v17;
	v48 =	vpop (erf);
	v33 =	vmul.f32 v37, v33  }
0x9c: {  	v36 =	vadd.f32 v48, v46;
	v30 =	vadd.f32 v32, v45;
	v48 =	vmul.f32 v61, v61  }
0x9d: {  	v50 =	vpop (erf);
	v41 =	vmul.f32 v49, v2;
	v42 =	vadd.f32 v31, v14;
	v52 =	vmax.f32 v63, v34  }
0x9e: {  	v33 =	vadd.f32 $8.254628050e-04, v33;
	v36 =	vadd.f32 v36, v50;
	v51 =	vand.u32 $0x7FFFFF, v30  }
0x9f: {  	v57 =	vpop (erf);
	v38 =	vmul.f32 v48, v6;
	v37 =	vadd.f32 v41, v12;
	v41 =	vor.u32 $0x3F800000, v51  }
0xa0: {  	v32 =	vadd.f32 v36, v57;
	v36 =	vmul.f32 v59, v10;
	v41 =	vadd.f32 $-1.000000000e+00, v41;
	v59 =	vld.idx.msk [tilespmem:v0+s22+$0x280 ss:$0x1], $0xffff  }
0xa1: {  	v50 =	vpop (erf);
	v30 =	vshra.s32 v30, $0x17;
	v39 =	vadd.f32 v39, v33;
	v38 =	vadd.f32 v38, v11  }
0xa2: {  	v30 =	vadd.s32 $0xFFFFFF81, v30;
	v31 =	vadd.f32 v32, v50;
	v61 =	vmul.f32 $1.527002900e-01, v41  }
0xa3: {  	v56 =	vpop (erf);
	v55 =	vmax.f32 v37, v40;
	v36 =	vadd.f32 v36, v13;
	v54 =	vmax.f32 v42, v38  }
0xa4: {  	v57 =	vmax.f32 v54, v55;
	v58 =	vadd.f32 v31, v56;
	v45 =	vadd.f32 $-5.687040690e-01, v61  }
0xa5: {  	v53 =	vmax.f32 v35, v36;
	v46 =	vsub.f32 v59, v20;
	v48 =	vsub.f32 v59, v18  }
0xa6: {  	v60 =	vpop (erf);
	v32 =	vmax.f32 v52, v53;
	v50 =	vsub.f32 v59, v15;
	v52 =	vsub.f32 v59, v7  }
0xa7: {  	v53 =	vsub.f32 v59, v5;
	v31 =	vmax.f32 v32, v57;
	v44 =	vadd.f32 v58, v60  }
0xa8: {  	v30 =	vcvt.s32.f32 v30;
	v32 =	vsub.f32 v59, v4;
	v43 =	vsub.f32 v63, v31  }
0xa9: {  	v34 =	vsub.f32 v34, v31;
	v35 =	vsub.f32 v35, v31;
	v49 =	vmul.f32 v46, v46  }
0xaa: {  	v47 =	vsub.f32 v36, v31;
	v36 =	vmul.f32 v48, v48;
	v46 =	vmul.f32 v52, v52  }
0xab: {  	v42 =	vsub.f32 v42, v31;
	v32 =	vmul.f32 v32, v32;
	v43 =	vmul.f32 $1.442695020e+00, v43  }
0xac: {  	v48 =	vsub.f32 v59, v3;
	v63 =	vmul.f32 $1.442695020e+00, v34;
	v33 =	vmul.f32 $1.442695020e+00, v47  }
0xad: {  	v38 =	vsub.f32 v38, v31;
	v34 =	vmul.f32 v49, v21;
	v36 =	vmul.f32 v36, v19  }
0xae: {  	v37 =	vsub.f32 v37, v31;
	v47 =	vmul.f32 v53, v53;
	v48 =	vmul.f32 v48, v48  }
0xaf: {  	v62 =	vpop (erf);
	v40 =	vsub.f32 v40, v31;
	v46 =	vmul.f32 v46, v9;
	v42 =	vmul.f32 $1.442695020e+00, v42  }
0xb0: {  	v44 =	vadd.f32 v44, v62;
	v38 =	vmul.f32 $1.442695020e+00, v38;
	v37 =	vmul.f32 $1.442695020e+00, v37  }
0xb1: {  	v51 =	vsub.f32 v59, v8;
	v40 =	vmul.f32 $1.442695020e+00, v40;
	v32 =	vmul.f32 v32, v1  }
0xb2: {  	v57 =	vand.u32 $0x7FFFFF, v44;
	(erf) = vpow2.f32 v43;
	v43 =	vmul.f32 $1.442695020e+00, v35  }
0xb3: {  	v35 =	vmul.f32 v50, v50;
	v34 =	vadd.f32 v34, v24;
	v47 =	vmul.f32 v47, v6  }
0xb4: {  	v36 =	vadd.f32 v36, v22;
	v48 =	vmul.f32 v48, v2;
	(erf) = vpow2.f32 v63  }
0xb5: {  	v46 =	vadd.f32 v46, v14;
	(erf) = vpow2.f32 v43;
	v43 =	vmul.f32 v51, v51  }
0xb6: {  	v59 =	vor.u32 $0x3F800000, v57;
	v32 =	vadd.f32 v32, v17;
	v35 =	vmul.f32 v35, v16  }
0xb7: {  	v47 =	vadd.f32 v47, v11;
	v48 =	vadd.f32 v48, v12;
	v43 =	vmul.f32 v43, v10  }
0xb8: {  	v63 =	vmul.f32 v45, v41;
	(erf) = vpow2.f32 v33;
	v35 =	vadd.f32 v35, v23  }
0xb9: {  	v49 =	vmax.f32 v46, v47;
	v50 =	vmax.f32 v48, v32;
	v43 =	vadd.f32 v43, v13  }
0xba: {  	v54 =	vmax.f32 v34, v36;
	(erf) = vpow2.f32 v42;
	v56 =	vmax.f32 v49, v50  }
0xbb: {  	(erf) = vpow2.f32 v38;
	v49 =	vmul.f32 $6.931471820e-01, v39;
	v55 =	vmax.f32 v35, v43  }
0xbc: {  	v50 =	vadd.f32 $1.415653230e+00, v63;
	(erf) = vpow2.f32 v37;
	v33 =	vmax.f32 v54, v55  }
0xbd: {  	v61 =	vadd.f32 $-1.000000000e+00, v59;
	(erf) = vpow2.f32 v40;
	v58 =	vpop (erf);
	v33 =	vmax.f32 v33, v56  }
0xbe: {  	v26 =	vadd.f32 v49, v26;
	v52 =	vmul.f32 v50, v41;
	v60 =	vpop (erf);
	v34 =	vsub.f32 v34, v33  }
0xbf: {  	v55 =	vshra.s32 v44, $0x17;
	v36 =	vsub.f32 v36, v33;
	v42 =	vadd.f32 v60, v58  }
0xc0: {  	v39 =	vadd.s32 $0xFFFFFF81, v55;
	v62 =	vpop (erf);
	v35 =	vsub.f32 v35, v33;
	v57 =	vsub.f32 v43, v33  }
0xc1: {  	v59 =	vsub.f32 v46, v33;
	v34 =	vmul.f32 $1.442695020e+00, v34;
	v38 =	vadd.f32 v42, v62  }
0xc2: {  	v32 =	vsub.f32 v32, v33;
	v39 =	vcvt.s32.f32 v39;
	v45 =	vpop (erf);
	v42 =	vmul.f32 $1.527002900e-01, v61  }
0xc3: {  	v36 =	vmul.f32 $1.442695020e+00, v36;
	(erf) = vpow2.f32 v34;
	v34 =	vadd.f32 v38, v45  }
0xc4: {  	v51 =	vpop (erf);
	v35 =	vmul.f32 $1.442695020e+00, v35;
	v62 =	vsub.f32 v47, v33;
	v28 =	vadd.f32 $-5.687040690e-01, v42;
	v38 =	vld.idx.msk [tilespmem:v0+s22+$0x300 ss:$0x1], $0xffff  }
0xc5: {  	v63 =	vmul.f32 $1.442695020e+00, v59;
	(erf) = vpow2.f32 v36;
	v34 =	vadd.f32 v34, v51  }
0xc6: {  	v53 =	vpop (erf);
	v28 =	vmul.f32 v28, v61;
	(erf) = vpow2.f32 v35;
	v35 =	vadd.f32 $8.254628050e-04, v52  }
0xc7: {  	v32 =	vmul.f32 $1.442695020e+00, v32;
	v45 =	vsub.f32 v48, v33;
	v34 =	vadd.f32 v34, v53  }
0xc8: {  	v46 =	vmul.f32 $1.442695020e+00, v62;
	v28 =	vadd.f32 $1.415653230e+00, v28;
	v30 =	vadd.f32 v30, v35  }
0xc9: {  	v48 =	vmul.f32 $1.442695020e+00, v45;
	v47 =	vsub.f32 v38, v20;
	v49 =	vsub.f32 v38, v18  }
0xca: {  	v54 =	vpop (erf);
	v51 =	vsub.f32 v38, v15;
	v55 =	vsub.f32 v38, v7;
	v37 =	vmul.f32 v28, v61  }
0xcb: {  	v34 =	vadd.f32 v34, v54;
	v61 =	vmul.f32 $1.442695020e+00, v57;
	v30 =	vmul.f32 $6.931471820e-01, v30  }
0xcc: {  	v54 =	vsub.f32 v38, v8;
	v50 =	vmul.f32 v47, v47;
	v53 =	vmul.f32 v49, v49  }
0xcd: {  	v56 =	vpop (erf);
	v57 =	vsub.f32 v38, v3;
	v40 =	vmul.f32 v51, v51;
	v43 =	vmul.f32 v55, v55  }
0xce: {  	v28 =	vadd.f32 v34, v56;
	(erf) = vpow2.f32 v61;
	v42 =	vmul.f32 v54, v54  }
0xcf: {  	v56 =	vsub.f32 v38, v5;
	v45 =	vmul.f32 v57, v57;
	(erf) = vpow2.f32 v63  }
0xd0: {  	v38 =	vsub.f32 v38, v4;
	v36 =	vmul.f32 v50, v21;
	v41 =	vmul.f32 v53, v19  }
0xd1: {  	v37 =	vadd.f32 $8.254628050e-04, v37;
	v40 =	vmul.f32 v40, v16;
	v43 =	vmul.f32 v43, v9  }
0xd2: {  	v58 =	vpop (erf);
	(erf) = vpow2.f32 v46;
	v42 =	vmul.f32 v42, v10  }
0xd3: {  	v60 =	vpop (erf);
	v44 =	vmul.f32 v56, v56;
	v38 =	vmul.f32 v38, v38;
	v35 =	vadd.f32 v39, v37  }
0xd4: {  	v45 =	vmul.f32 v45, v2;
	v34 =	vadd.f32 v60, v58;
	v36 =	vadd.f32 v36, v24  }
0xd5: {  	(erf) = vpow2.f32 v48;
	v41 =	vadd.f32 v41, v22;
	v40 =	vadd.f32 v40, v23  }
0xd6: {  	v58 =	vand.u32 $0x7FFFFF, v28;
	v43 =	vadd.f32 v43, v14;
	v28 =	vshra.s32 v28, $0x17  }
0xd7: {  	v44 =	vmul.f32 v44, v6;
	v42 =	vadd.f32 v42, v13;
	v46 =	vor.u32 $0x3F800000, v58  }
0xd8: {  	v38 =	vmul.f32 v38, v1;
	(erf) = vpow2.f32 v32;
	v32 =	vld.idx.msk [tilespmem:v0+s22+$0x380 ss:$0x1], $0xffff;
	v46 =	vadd.f32 $-1.000000000e+00, v46  }
0xd9: {  	v52 =	vpop (erf);
	v45 =	vadd.f32 v45, v12;
	v35 =	vmul.f32 $6.931471820e-01, v35;
	v28 =	vadd.s32 $0xFFFFFF81, v28  }
0xda: {  	v34 =	vadd.f32 v34, v52;
	v44 =	vadd.f32 v44, v11;
	v58 =	vmul.f32 $1.527002900e-01, v46  }
0xdb: {  	v60 =	vmax.f32 v36, v41;
	v38 =	vadd.f32 v38, v17;
	v61 =	vmax.f32 v40, v42  }
0xdc: {  	v54 =	vmax.f32 v60, v61;
	v62 =	vmax.f32 v43, v44;
	v59 =	vpop (erf);
	v39 =	vadd.f32 $-5.687040690e-01, v58  }
0xdd: {  	v63 =	vmax.f32 v45, v38;
	v61 =	vsub.f32 v32, v20;
	v34 =	vadd.f32 v34, v59  }
0xde: {  	v55 =	vmax.f32 v62, v63;
	v63 =	vsub.f32 v32, v18;
	v52 =	vsub.f32 v32, v15;
	v51 =	vpop (erf)  }
0xdf: {  	v58 =	vsub.f32 v32, v3;
	v56 =	vadd.f32 v34, v51;
	v34 =	vmax.f32 v54, v55  }
0xe0: {  	v39 =	vmul.f32 v39, v46;
	v54 =	vsub.f32 v32, v8;
	v36 =	vsub.f32 v36, v34  }
0xe1: {  	v51 =	vmul.f32 v58, v58;
	v41 =	vsub.f32 v41, v34;
	v60 =	vsub.f32 v40, v34  }
0xe2: {  	v62 =	vsub.f32 v42, v34;
	v40 =	vmul.f32 v61, v61;
	v43 =	vsub.f32 v43, v34  }
0xe3: {  	v57 =	vpop (erf);
	v42 =	vmul.f32 v63, v63;
	v45 =	vsub.f32 v45, v34;
	v38 =	vsub.f32 v38, v34  }
0xe4: {  	v47 =	vadd.f32 v56, v57;
	v55 =	vmul.f32 v54, v54;
	v51 =	vmul.f32 v51, v2  }
0xe5: {  	v56 =	vsub.f32 v32, v7;
	v36 =	vmul.f32 $1.442695020e+00, v36;
	v41 =	vmul.f32 $1.442695020e+00, v41  }
0xe6: {  	v57 =	vsub.f32 v32, v5;
	v40 =	vmul.f32 v40, v21;
	v42 =	vmul.f32 v42, v19  }
0xe7: {  	v59 =	vpop (erf);
	v32 =	vsub.f32 v32, v4;
	v43 =	vmul.f32 $1.442695020e+00, v43;
	v38 =	vmul.f32 $1.442695020e+00, v38  }
0xe8: {  	v37 =	vadd.f32 v47, v59;
	v47 =	vmul.f32 v52, v52;
	v48 =	vmul.f32 v55, v10  }
0xe9: {  	v39 =	vadd.f32 $1.415653230e+00, v39;
	v49 =	vmul.f32 v56, v56;
	v50 =	vmul.f32 v57, v57  }
0xea: {  	v32 =	vmul.f32 v32, v32;
	v59 =	vsub.f32 v44, v34;
	(erf) = vpow2.f32 v36  }
0xeb: {  	v36 =	vmul.f32 $1.442695020e+00, v60;
	v40 =	vadd.f32 v40, v24;
	(erf) = vpow2.f32 v41  }
0xec: {  	v53 =	vpop (erf);
	v42 =	vadd.f32 v42, v22;
	v41 =	vmul.f32 $1.442695020e+00, v62;
	v47 =	vmul.f32 v47, v16  }
0xed: {  	v37 =	vadd.f32 v37, v53;
	v49 =	vmul.f32 v49, v9;
	v50 =	vmul.f32 v50, v6  }
0xee: {  	v48 =	vadd.f32 v48, v13;
	v32 =	vmul.f32 v32, v1;
	v47 =	vadd.f32 v47, v23  }
0xef: {  	(erf) = vpow2.f32 v36;
	v49 =	vadd.f32 v49, v14;
	v50 =	vadd.f32 v50, v11  }
0xf0: {  	(erf) = vpow2.f32 v41;
	v41 =	vadd.f32 v51, v12;
	v32 =	vadd.f32 v32, v17  }
0xf1: {  	v63 =	vmul.f32 $1.442695020e+00, v59;
	v60 =	vmax.f32 v40, v42;
	v51 =	vmul.f32 $1.442695020e+00, v45  }
0xf2: {  	v61 =	vmax.f32 v47, v48;
	v52 =	vmax.f32 v49, v50;
	v53 =	vmax.f32 v41, v32  }
0xf3: {  	(erf) = vpow2.f32 v43;
	v44 =	vmax.f32 v60, v61;
	v62 =	vmax.f32 v52, v53  }
0xf4: {  	v39 =	vmul.f32 v39, v46;
	(erf) = vpow2.f32 v63;
	v36 =	vmax.f32 v44, v62  }
0xf5: {  	v52 =	vand.u32 $0x7FFFFF, v37;
	(erf) = vpow2.f32 v51;
	v40 =	vsub.f32 v40, v36  }
0xf6: {  	v44 =	vor.u32 $0x3F800000, v52;
	v42 =	vsub.f32 v42, v36;
	v56 =	vsub.f32 v47, v36  }
0xf7: {  	(erf) = vpow2.f32 v38;
	v59 =	vsub.f32 v48, v36;
	v44 =	vadd.f32 $-1.000000000e+00, v44  }
0xf8: {  	v62 =	vsub.f32 v49, v36;
	v51 =	vsub.f32 v50, v36;
	v40 =	vmul.f32 $1.442695020e+00, v40  }
0xf9: {  	v41 =	vsub.f32 v41, v36;
	v53 =	vpop (erf);
	v55 =	vmul.f32 $1.442695020e+00, v42;
	v58 =	vmul.f32 $1.442695020e+00, v56  }
0xfa: {  	v32 =	vsub.f32 v32, v36;
	v54 =	vpop (erf);
	v61 =	vmul.f32 $1.442695020e+00, v59;
	v63 =	vmul.f32 $1.527002900e-01, v44  }
0xfb: {  	v49 =	vmul.f32 $1.442695020e+00, v62;
	v41 =	vmul.f32 $1.442695020e+00, v41;
	v43 =	vadd.f32 v54, v53  }
0xfc: {  	v32 =	vmul.f32 $1.442695020e+00, v32;
	v57 =	vpop (erf);
	(erf) = vpow2.f32 v40;
	v45 =	vadd.f32 $-5.687040690e-01, v63  }
0xfd: {  	v54 =	vmul.f32 $1.442695020e+00, v51;
	v63 =	vld.idx.msk [tilespmem:v0+s22+$0x4000 ss:$0x1], $0xffff;
	(erf) = vpow2.f32 v55;
	v40 =	vadd.f32 v43, v57  }
0xfe: {  	v37 =	vshra.s32 v37, $0x17;
	v60 =	vpop (erf);
	(erf) = vpow2.f32 v58;
	v56 =	vmul.f32 v45, v44  }
0xff: {  	v48 =	vpop (erf);
	v58 =	vadd.f32 $8.254628050e-04, v39;
	v40 =	vadd.f32 v40, v60;
	(erf) = vpow2.f32 v61  }
0x100: {  	v61 =	vcvt.s32.f32 v28;
	v28 =	vadd.f32 v30, v27;
	v27 =	vadd.f32 v35, v29  }
0x101: {  	v52 =	vpop (erf);
	(erf) = vpow2.f32 v49;
	v43 =	vadd.f32 $1.415653230e+00, v56;
	v40 =	vadd.f32 v40, v48  }
0x102: {  	v53 =	vpop (erf);
	(erf) = vpow2.f32 v54;
	v46 =	vadd.f32 v61, v58;
	v56 =	vsub.f32 v63, v15  }
0x103: {  	v55 =	vpop (erf);
	v58 =	vsub.f32 v63, v8;
	v61 =	vsub.f32 v63, v5;
	(erf) = vpow2.f32 v41  }
0x104: {  	v44 =	vmul.f32 v43, v44;
	v41 =	vsub.f32 v63, v4;
	v40 =	vadd.f32 v40, v52  }
0x105: {  	v29 =	vmul.f32 $6.931471820e-01, v46;
	v52 =	vsub.f32 v63, v20;
	v43 =	vmul.f32 v56, v56  }
0x106: {  	v42 =	vadd.f32 $8.254628050e-04, v44;
	v44 =	vmul.f32 v58, v58;
	v41 =	vmul.f32 v41, v41  }
0x107: {  	v37 =	vadd.s32 $0xFFFFFF81, v37;
	v57 =	vpop (erf);
	v35 =	vmul.f32 v52, v52;
	(erf) = vpow2.f32 v32  }
0x108: {  	v59 =	vadd.f32 v40, v53;
	v43 =	vmul.f32 v43, v16;
	v52 =	vmul.f32 v61, v61;
	v60 =	vpop (erf)  }
0x109: {  	v29 =	vadd.f32 v29, v31;
	v44 =	vmul.f32 v44, v10;
	v40 =	vadd.f32 v60, v57  }
0x10a: {  	v41 =	vmul.f32 v41, v1;
	v39 =	vadd.f32 v59, v55;
	v62 =	vpop (erf);
	v55 =	vsub.f32 v63, v18  }
0x10b: {  	v35 =	vmul.f32 v35, v21;
	v60 =	vsub.f32 v63, v7;
	v40 =	vadd.f32 v40, v62  }
0x10c: {  	v43 =	vadd.f32 v43, v23;
	v48 =	vpop (erf);
	v44 =	vadd.f32 v44, v13;
	v47 =	vand.u32 $0x7FFFFF, v39  }
0x10d: {  	v41 =	vadd.f32 v41, v17;
	v49 =	vor.u32 $0x3F800000, v47;
	v50 =	vadd.f32 v40, v48  }
0x10e: {  	v45 =	vmul.f32 v52, v6;
	v51 =	vpop (erf);
	v62 =	vsub.f32 v63, v3;
	v38 =	vadd.f32 $-1.000000000e+00, v49  }
0x10f: {  	v57 =	vmul.f32 v55, v55;
	v63 =	vadd.f32 v35, v24;
	v30 =	vadd.f32 v50, v51  }
0x110: {  	v45 =	vadd.f32 v45, v11;
	v54 =	vpop (erf);
	v53 =	vmul.f32 $1.527002900e-01, v38;
	v51 =	vmul.f32 v60, v60  }
0x111: {  	v39 =	vshra.s32 v39, $0x17;
	v32 =	vmul.f32 v57, v19;
	v30 =	vadd.f32 v30, v54  }
0x112: {  	v40 =	vadd.f32 $-5.687040690e-01, v53;
	v53 =	vmul.f32 v62, v62;
	v35 =	vmul.f32 v51, v9;
	v51 =	vld.idx.msk [tilespmem:v0+s22+$0x4080 ss:$0x1], $0xffff  }
0x113: {  	v39 =	vadd.s32 $0xFFFFFF81, v39;
	v59 =	vpop (erf);
	v49 =	vcvt.s32.f32 v37;
	v32 =	vadd.f32 v32, v22  }
0x114: {  	v30 =	vadd.f32 v30, v59;
	v46 =	vmul.f32 v53, v2;
	v47 =	vadd.f32 v35, v14  }
0x115: {  	v57 =	vmax.f32 v43, v44;
	v54 =	vpop (erf);
	v56 =	vmax.f32 v63, v32;
	v55 =	vmul.f32 v40, v38  }
0x116: {  	v46 =	vadd.f32 v46, v12;
	v35 =	vadd.f32 v30, v54;
	v58 =	vmax.f32 v47, v45  }
0x117: {  	v30 =	vmax.f32 v56, v57;
	v37 =	vadd.f32 $1.415653230e+00, v55;
	v54 =	vsub.f32 v51, v20  }
0x118: {  	v56 =	vsub.f32 v51, v18;
	v59 =	vmax.f32 v46, v41;
	v61 =	vand.u32 $0x7FFFFF, v35  }
0x119: {  	v35 =	vshra.s32 v35, $0x17;
	v60 =	vmax.f32 v58, v59;
	v62 =	vor.u32 $0x3F800000, v61  }
0x11a: {  	v57 =	vmul.f32 v54, v54;
	v58 =	vsub.f32 v51, v15;
	v59 =	vsub.f32 v51, v8  }
0x11b: {  	v61 =	vsub.f32 v51, v5;
	v35 =	vadd.s32 $0xFFFFFF81, v35;
	v30 =	vmax.f32 v30, v60  }
0x11c: {  	v60 =	vsub.f32 v51, v7;
	v35 =	vcvt.s32.f32 v35;
	v48 =	vsub.f32 v63, v30  }
0x11d: {  	v63 =	vmul.f32 v37, v38;
	v37 =	vadd.f32 $-1.000000000e+00, v62;
	v32 =	vsub.f32 v32, v30  }
0x11e: {  	v38 =	vcvt.s32.f32 v39;
	v39 =	vadd.f32 v49, v42;
	v53 =	vsub.f32 v43, v30  }
0x11f: {  	v55 =	vsub.f32 v44, v30;
	v43 =	vmul.f32 v56, v56;
	v44 =	vmul.f32 v57, v21  }
0x120: {  	v47 =	vsub.f32 v47, v30;
	v49 =	vmul.f32 v59, v59;
	v50 =	vmul.f32 v60, v60  }
0x121: {  	v62 =	vsub.f32 v51, v3;
	v52 =	vmul.f32 $1.442695020e+00, v48;
	v42 =	vmul.f32 $1.527002900e-01, v37  }
0x122: {  	v51 =	vsub.f32 v51, v4;
	v32 =	vmul.f32 $1.442695020e+00, v32;
	v31 =	vmul.f32 $1.442695020e+00, v53  }
0x123: {  	v46 =	vsub.f32 v46, v30;
	v48 =	vmul.f32 v58, v58;
	v43 =	vmul.f32 v43, v19  }
0x124: {  	v41 =	vsub.f32 v41, v30;
	v49 =	vmul.f32 v49, v10;
	v53 =	vmul.f32 v62, v62  }
0x125: {  	v51 =	vmul.f32 v51, v51;
	v47 =	vmul.f32 $1.442695020e+00, v47  }
0x126: {  	v40 =	vadd.f32 $8.254628050e-04, v63;
	v46 =	vmul.f32 $1.442695020e+00, v46;
	v41 =	vmul.f32 $1.442695020e+00, v41  }
0x127: {  	v44 =	vadd.f32 v44, v24;
	v39 =	vmul.f32 $6.931471820e-01, v39;
	v50 =	vmul.f32 v50, v9  }
0x128: {  	v63 =	vsub.f32 v45, v30;
	(erf) = vpow2.f32 v52;
	v48 =	vmul.f32 v48, v16  }
0x129: {  	v52 =	vmul.f32 v61, v61;
	v43 =	vadd.f32 v43, v22;
	v53 =	vmul.f32 v53, v2  }
0x12a: {  	v49 =	vadd.f32 v49, v13;
	v51 =	vmul.f32 v51, v1;
	(erf) = vpow2.f32 v32  }
0x12b: {  	v32 =	vmul.f32 $1.442695020e+00, v55;
	v50 =	vadd.f32 v50, v14;
	v52 =	vmul.f32 v52, v6  }
0x12c: {  	v48 =	vadd.f32 v48, v23;
	(erf) = vpow2.f32 v31;
	v51 =	vadd.f32 v51, v17  }
0x12d: {  	(erf) = vpow2.f32 v32;
	v32 =	vadd.f32 v53, v12;
	v52 =	vadd.f32 v52, v11  }
0x12e: {  	v60 =	vmul.f32 $1.442695020e+00, v63;
	v42 =	vadd.f32 $-5.687040690e-01, v42;
	v57 =	vmax.f32 v44, v43  }
0x12f: {  	v58 =	vmax.f32 v48, v49;
	v55 =	vmax.f32 v32, v51;
	v54 =	vmax.f32 v50, v52  }
0x130: {  	v38 =	vadd.f32 v38, v40;
	v45 =	vmax.f32 v57, v58;
	v59 =	vmax.f32 v54, v55  }
0x131: {  	v42 =	vmul.f32 v42, v37;
	(erf) = vpow2.f32 v47;
	v31 =	vmax.f32 v45, v59  }
0x132: {  	v38 =	vmul.f32 $6.931471820e-01, v38;
	(erf) = vpow2.f32 v60;
	v45 =	vld.idx.msk [tilespmem:v0+s22+$0x4100 ss:$0x1], $0xffff;
	v44 =	vsub.f32 v44, v31  }
0x133: {  	(erf) = vpow2.f32 v46;
	v43 =	vsub.f32 v43, v31;
	v56 =	vsub.f32 v48, v31  }
0x134: {  	(erf) = vpow2.f32 v41;
	v61 =	vpop (erf);
	v58 =	vsub.f32 v49, v31;
	v52 =	vsub.f32 v52, v31  }
0x135: {  	v51 =	vsub.f32 v51, v31;
	v62 =	vpop (erf);
	v44 =	vmul.f32 $1.442695020e+00, v44;
	v55 =	vmul.f32 $1.442695020e+00, v43  }
0x136: {  	v63 =	vadd.f32 v62, v61;
	v43 =	vmul.f32 $1.442695020e+00, v56;
	v41 =	vmul.f32 $1.442695020e+00, v58  }
0x137: {  	v52 =	vmul.f32 $1.442695020e+00, v52;
	v51 =	vmul.f32 $1.442695020e+00, v51;
	v57 =	vsub.f32 v45, v20  }
0x138: {  	v61 =	vpop (erf);
	(erf) = vpow2.f32 v44;
	v59 =	vsub.f32 v45, v18;
	v60 =	vsub.f32 v45, v15  }
0x139: {  	v62 =	vsub.f32 v45, v8;
	v46 =	vadd.f32 v63, v61;
	(erf) = vpow2.f32 v55  }
0x13a: {  	v58 =	vsub.f32 v45, v7;
	v44 =	vmul.f32 v57, v57;
	v47 =	vmul.f32 v59, v59  }
0x13b: {  	v63 =	vsub.f32 v50, v31;
	v48 =	vmul.f32 v60, v60;
	v57 =	vmul.f32 v62, v62  }
0x13c: {  	v59 =	vsub.f32 v45, v5;
	v53 =	vmul.f32 v58, v58;
	(erf) = vpow2.f32 v43  }
0x13d: {  	v60 =	vsub.f32 v45, v3;
	v49 =	vmul.f32 $1.442695020e+00, v63;
	v44 =	vmul.f32 v44, v21  }
0x13e: {  	v45 =	vsub.f32 v45, v4;
	v47 =	vmul.f32 v47, v19;
	v48 =	vmul.f32 v48, v16  }
0x13f: {  	v33 =	vadd.f32 v39, v33;
	v50 =	vmul.f32 v57, v10;
	v54 =	vmul.f32 v59, v59  }
0x140: {  	v34 =	vadd.f32 v38, v34;
	v55 =	vmul.f32 v60, v60;
	v45 =	vmul.f32 v45, v45  }
0x141: {  	v53 =	vmul.f32 v53, v9;
	v44 =	vadd.f32 v44, v24;
	v47 =	vadd.f32 v47, v22  }
0x142: {  	v48 =	vadd.f32 v48, v23;
	v54 =	vmul.f32 v54, v6;
	v55 =	vmul.f32 v55, v2  }
0x143: {  	v50 =	vadd.f32 v50, v13;
	v45 =	vmul.f32 v45, v1;
	v43 =	vadd.f32 v53, v14  }
0x144: {  	(erf) = vpow2.f32 v41;
	v53 =	vadd.f32 v54, v11;
	v41 =	vadd.f32 v55, v12  }
0x145: {  	v45 =	vadd.f32 v45, v17;
	v61 =	vmax.f32 v44, v47;
	v62 =	vmax.f32 v48, v50  }
0x146: {  	v58 =	vsub.f32 v32, v31;
	(erf) = vpow2.f32 v49;
	v60 =	vpop (erf);
	v63 =	vmax.f32 v61, v62  }
0x147: {  	v46 =	vadd.f32 v46, v60;
	v56 =	vmax.f32 v43, v53;
	v57 =	vmax.f32 v41, v45  }
0x148: {  	(erf) = vpow2.f32 v52;
	v61 =	vmul.f32 $1.442695020e+00, v58;
	v59 =	vmax.f32 v56, v57;
	v62 =	vpop (erf)  }
0x149: {  	v32 =	vmax.f32 v63, v59;
	v63 =	vpop (erf);
	v46 =	vadd.f32 v46, v62;
	v59 =	vadd.f32 $1.415653230e+00, v42  }
0x14a: {  	(erf) = vpow2.f32 v61;
	v44 =	vsub.f32 v44, v32;
	v47 =	vsub.f32 v47, v32;
	v54 =	vpop (erf)  }
0x14b: {  	(erf) = vpow2.f32 v51;
	v48 =	vsub.f32 v48, v32;
	v58 =	vsub.f32 v50, v32;
	v55 =	vpop (erf)  }
0x14c: {  	v43 =	vsub.f32 v43, v32;
	v37 =	vmul.f32 v59, v37;
	v44 =	vmul.f32 $1.442695020e+00, v44;
	v56 =	vpop (erf)  }
0x14d: {  	v46 =	vadd.f32 v46, v63;
	v47 =	vmul.f32 $1.442695020e+00, v47;
	v57 =	vmul.f32 $1.442695020e+00, v48;
	v60 =	vpop (erf)  }
0x14e: {  	v62 =	vmul.f32 $1.442695020e+00, v58;
	(erf) = vpow2.f32 v44;
	v42 =	vadd.f32 v60, v56  }
0x14f: {  	v49 =	vadd.f32 v46, v54;
	v37 =	vadd.f32 $8.254628050e-04, v37;
	v61 =	vpop (erf);
	(erf) = vpow2.f32 v47  }
0x150: {  	v43 =	vmul.f32 $1.442695020e+00, v43;
	v63 =	vpop (erf);
	(erf) = vpow2.f32 v57;
	v42 =	vadd.f32 v42, v61  }
0x151: {  	v40 =	vadd.f32 v49, v55;
	v37 =	vadd.f32 v35, v37;
	v52 =	vpop (erf);
	(erf) = vpow2.f32 v62  }
0x152: {  	v45 =	vsub.f32 v45, v32;
	v56 =	vadd.f32 v42, v63;
	(erf) = vpow2.f32 v43;
	v43 =	vld.idx.msk [tilespmem:v0+s22+$0x4180 ss:$0x1], $0xffff  }
0x153: {  	v49 =	vsub.f32 v41, v32;
	v57 =	vand.u32 $0x7FFFFF, v40;
	v37 =	vmul.f32 $6.931471820e-01, v37  }
0x154: {  	v35 =	vor.u32 $0x3F800000, v57;
	v63 =	vsub.f32 v53, v32;
	v39 =	vadd.f32 v56, v52  }
0x155: {  	v54 =	vpop (erf);
	v40 =	vshra.s32 v40, $0x17;
	v46 =	vadd.f32 $-1.000000000e+00, v35;
	v36 =	vadd.f32 v37, v36  }
0x156: {  	v44 =	vmul.f32 $1.442695020e+00, v63;
	v52 =	vmul.f32 $1.442695020e+00, v45;
	v61 =	vadd.f32 v39, v54  }
0x157: {  	v55 =	vpop (erf);
	v39 =	vmul.f32 $1.442695020e+00, v49;
	v51 =	vsub.f32 v43, v20;
	v53 =	vsub.f32 v43, v18  }
0x158: {  	v42 =	vpop (erf);
	(erf) = vpow2.f32 v44;
	v57 =	vsub.f32 v43, v8;
	v63 =	vsub.f32 v43, v3  }
0x159: {  	v58 =	vpop (erf);
	v38 =	vadd.f32 v61, v55;
	(erf) = vpow2.f32 v39;
	v55 =	vsub.f32 v43, v15  }
0x15a: {  	v59 =	vpop (erf);
	v61 =	vsub.f32 v43, v7;
	v54 =	vmul.f32 v51, v51;
	(erf) = vpow2.f32 v52  }
0x15b: {  	v60 =	vadd.f32 v59, v58;
	v56 =	vmul.f32 v53, v53;
	v41 =	vmul.f32 v55, v55  }
0x15c: {  	v62 =	vpop (erf);
	v38 =	vadd.f32 v38, v42;
	v52 =	vmul.f32 v61, v61;
	v39 =	vmul.f32 v54, v21  }
0x15d: {  	v35 =	vadd.f32 v60, v62;
	v59 =	vmul.f32 v56, v19;
	v60 =	vmul.f32 v57, v57  }
0x15e: {  	v62 =	vsub.f32 v43, v5;
	v43 =	vsub.f32 v43, v4;
	v54 =	vmul.f32 v63, v63  }
0x15f: {  	v50 =	vpop (erf);
	v41 =	vmul.f32 v41, v16;
	v56 =	vand.u32 $0x7FFFFF, v38;
	v38 =	vshra.s32 v38, $0x17  }
0x160: {  	v35 =	vadd.f32 v35, v50;
	v44 =	vmul.f32 v60, v10;
	v49 =	vadd.f32 v39, v24  }
0x161: {  	v53 =	vmul.f32 v62, v62;
	v42 =	vadd.f32 v59, v22;
	v43 =	vmul.f32 v43, v43  }
0x162: {  	v58 =	vpop (erf);
	v39 =	vmul.f32 v52, v9;
	v55 =	vmul.f32 v54, v2;
	v41 =	vadd.f32 v41, v23  }
0x163: {  	v35 =	vadd.f32 v35, v58;
	v45 =	vmul.f32 v53, v6;
	v48 =	vadd.f32 v44, v13  }
0x164: {  	v43 =	vmul.f32 v43, v1;
	v47 =	vadd.f32 v39, v14;
	v51 =	vadd.f32 v55, v12  }
0x165: {  	v57 =	vpop (erf);
	v39 =	vor.u32 $0x3F800000, v56;
	v58 =	vmax.f32 v49, v42;
	v45 =	vadd.f32 v45, v11  }
0x166: {  	v55 =	vadd.s32 $0xFFFFFF81, v40;
	v43 =	vadd.f32 v43, v17;
	v35 =	vadd.f32 v35, v57  }
0x167: {  	v53 =	vadd.f32 $-1.000000000e+00, v39;
	v59 =	vpop (erf);
	v60 =	vmax.f32 v41, v48;
	v57 =	vmul.f32 $1.527002900e-01, v46  }
0x168: {  	v61 =	vmax.f32 v47, v45;
	v62 =	vmax.f32 v51, v43;
	v50 =	vadd.f32 v35, v59  }
0x169: {  	v63 =	vmax.f32 v58, v60;
	v58 =	vpop (erf);
	v60 =	vmul.f32 $1.527002900e-01, v53;
	v56 =	vmax.f32 v61, v62  }
0x16a: {  	v59 =	vadd.f32 $-5.687040690e-01, v57;
	v35 =	vmax.f32 v63, v56;
	v39 =	vadd.f32 v50, v58  }
0x16b: {  	v40 =	vcvt.s32.f32 v55;
	v50 =	vadd.f32 $-5.687040690e-01, v60;
	v44 =	vsub.f32 v49, v35  }
0x16c: {  	v56 =	vadd.s32 $0xFFFFFF81, v38;
	v42 =	vsub.f32 v42, v35;
	v49 =	vmul.f32 v59, v46  }
0x16d: {  	v57 =	vsub.f32 v41, v35;
	v61 =	vand.u32 $0x7FFFFF, v39;
	v44 =	vmul.f32 $1.442695020e+00, v44  }
0x16e: {  	v63 =	vmul.f32 v50, v53;
	v50 =	vld.idx.msk [tilespmem:v0+s22+$0x4200 ss:$0x1], $0xffff;
	v52 =	vor.u32 $0x3F800000, v61;
	v42 =	vmul.f32 $1.442695020e+00, v42  }
0x16f: {  	v48 =	vsub.f32 v48, v35;
	v52 =	vadd.f32 $-1.000000000e+00, v52;
	(erf) = vpow2.f32 v44  }
0x170: {  	v47 =	vsub.f32 v47, v35;
	v51 =	vsub.f32 v51, v35;
	(erf) = vpow2.f32 v42  }
0x171: {  	v62 =	vadd.f32 $1.415653230e+00, v49;
	v59 =	vmul.f32 $1.442695020e+00, v57;
	v54 =	vmul.f32 $1.527002900e-01, v52  }
0x172: {  	v48 =	vmul.f32 $1.442695020e+00, v48;
	v47 =	vmul.f32 $1.442695020e+00, v47;
	v42 =	vadd.f32 $1.415653230e+00, v63  }
0x173: {  	v46 =	vmul.f32 v62, v46;
	v60 =	vsub.f32 v50, v20;
	v49 =	vadd.f32 $-5.687040690e-01, v54  }
0x174: {  	v61 =	vsub.f32 v50, v18;
	(erf) = vpow2.f32 v59;
	v44 =	vmul.f32 v42, v53  }
0x175: {  	v57 =	vsub.f32 v50, v15;
	v42 =	vcvt.s32.f32 v56;
	v58 =	vmul.f32 v49, v52  }
0x176: {  	v43 =	vsub.f32 v43, v35;
	(erf) = vpow2.f32 v48;
	v63 =	vmul.f32 v60, v60  }
0x177: {  	v59 =	vmul.f32 v61, v61;
	v60 =	vsub.f32 v50, v8;
	v38 =	vmul.f32 v57, v57  }
0x178: {  	v61 =	vsub.f32 v50, v7;
	(erf) = vpow2.f32 v47;
	v37 =	vmul.f32 v63, v21;
	v62 =	vpop (erf)  }
0x179: {  	v48 =	vmul.f32 v59, v19;
	v49 =	vmul.f32 v60, v60;
	v41 =	vadd.f32 $1.415653230e+00, v58;
	v58 =	vpop (erf)  }
0x17a: {  	v38 =	vmul.f32 v38, v16;
	v63 =	vsub.f32 v50, v3;
	v53 =	vadd.f32 v58, v62  }
0x17b: {  	v49 =	vmul.f32 v49, v10;
	v62 =	vsub.f32 v50, v5;
	v50 =	vsub.f32 v50, v4  }
0x17c: {  	v57 =	vadd.f32 v37, v24;
	v60 =	vmul.f32 v63, v63;
	v58 =	vmul.f32 v61, v61  }
0x17d: {  	v48 =	vadd.f32 v48, v22;
	v59 =	vmul.f32 v62, v62;
	v50 =	vmul.f32 v50, v50  }
0x17e: {  	v38 =	vadd.f32 v38, v23;
	v55 =	vmul.f32 v60, v2;
	v37 =	vmul.f32 v58, v9  }
0x17f: {  	v49 =	vadd.f32 v49, v13;
	v54 =	vmul.f32 v59, v6;
	v50 =	vmul.f32 v50, v1  }
0x180: {  	v41 =	vmul.f32 v41, v52;
	v52 =	vadd.f32 v55, v12;
	v56 =	vadd.f32 v37, v14  }
0x181: {  	v62 =	vmax.f32 v38, v49;
	v54 =	vadd.f32 v54, v11;
	v50 =	vadd.f32 v50, v17  }
0x182: {  	v51 =	vmul.f32 $1.442695020e+00, v51;
	v43 =	vmul.f32 $1.442695020e+00, v43;
	v37 =	vsub.f32 v45, v35  }
0x183: {  	v61 =	vmax.f32 v57, v48;
	v63 =	vmax.f32 v56, v54;
	v60 =	vmax.f32 v52, v50  }
0x184: {  	v45 =	vmax.f32 v61, v62;
	v62 =	vpop (erf);
	v61 =	vmax.f32 v63, v60;
	v63 =	vmul.f32 $1.442695020e+00, v37  }
0x185: {  	v46 =	vadd.f32 $8.254628050e-04, v46;
	v60 =	vadd.f32 v53, v62;
	v37 =	vmax.f32 v45, v61;
	v45 =	vld.idx.msk [tilespmem:v0+s22+$0x4280 ss:$0x1], $0xffff  }
0x186: {  	v62 =	vpop (erf);
	v61 =	vsub.f32 v57, v37;
	(erf) = vpow2.f32 v63;
	v48 =	vsub.f32 v48, v37  }
0x187: {  	v47 =	vadd.f32 v60, v62;
	v38 =	vsub.f32 v38, v37;
	(erf) = vpow2.f32 v51  }
0x188: {  	v57 =	vsub.f32 v49, v37;
	v63 =	vmul.f32 $1.442695020e+00, v61;
	(erf) = vpow2.f32 v43  }
0x189: {  	v62 =	vsub.f32 v56, v37;
	v53 =	vmul.f32 $1.442695020e+00, v48;
	v38 =	vmul.f32 $1.442695020e+00, v38;
	v60 =	vpop (erf)  }
0x18a: {  	v43 =	vmul.f32 $1.442695020e+00, v57;
	v47 =	vadd.f32 v47, v60;
	v55 =	vsub.f32 v45, v20  }
0x18b: {  	(erf) = vpow2.f32 v63;
	v58 =	vsub.f32 v45, v18;
	v59 =	vsub.f32 v45, v15  }
0x18c: {  	v61 =	vsub.f32 v45, v8;
	v63 =	vsub.f32 v45, v7;
	(erf) = vpow2.f32 v53  }
0x18d: {  	v60 =	vsub.f32 v45, v5;
	v48 =	vmul.f32 v55, v55;
	v49 =	vmul.f32 v58, v58  }
0x18e: {  	v52 =	vsub.f32 v52, v37;
	v51 =	vmul.f32 v59, v59;
	v55 =	vmul.f32 v61, v61  }
0x18f: {  	v50 =	vsub.f32 v50, v37;
	v56 =	vmul.f32 v63, v63;
	v57 =	vmul.f32 v60, v60  }
0x190: {  	v61 =	vsub.f32 v45, v3;
	(erf) = vpow2.f32 v38;
	v48 =	vmul.f32 v48, v21  }
0x191: {  	v45 =	vsub.f32 v45, v4;
	v49 =	vmul.f32 v49, v19;
	v51 =	vmul.f32 v51, v16  }
0x192: {  	v38 =	vsub.f32 v54, v37;
	v55 =	vmul.f32 v55, v10;
	v58 =	vmul.f32 v61, v61  }
0x193: {  	v45 =	vmul.f32 v45, v45;
	v56 =	vmul.f32 v56, v9;
	v48 =	vadd.f32 v48, v24  }
0x194: {  	v57 =	vmul.f32 v57, v6;
	v49 =	vadd.f32 v49, v22;
	v51 =	vadd.f32 v51, v23  }
0x195: {  	v55 =	vadd.f32 v55, v13;
	v58 =	vmul.f32 v58, v2;
	v45 =	vmul.f32 v45, v1  }
0x196: {  	v52 =	vmul.f32 $1.442695020e+00, v52;
	v56 =	vadd.f32 v56, v14;
	v57 =	vadd.f32 v57, v11  }
0x197: {  	(erf) = vpow2.f32 v43;
	v58 =	vadd.f32 v58, v12;
	v45 =	vadd.f32 v45, v17  }
0x198: {  	v43 =	vmul.f32 $1.442695020e+00, v62;
	v63 =	vmul.f32 $1.442695020e+00, v38;
	v53 =	vmax.f32 v48, v49  }
0x199: {  	v54 =	vmax.f32 v51, v55;
	v59 =	vmax.f32 v56, v57;
	v60 =	vmax.f32 v58, v45  }
0x19a: {  	(erf) = vpow2.f32 v43;
	v53 =	vmax.f32 v53, v54;
	v62 =	vmax.f32 v59, v60  }
0x19b: {  	v50 =	vmul.f32 $1.442695020e+00, v50;
	(erf) = vpow2.f32 v63;
	v38 =	vmax.f32 v53, v62;
	v53 =	vld.idx.msk [tilespmem:v0+s22+$0x4300 ss:$0x1], $0xffff  }
0x19c: {  	v43 =	vadd.f32 v40, v46;
	(erf) = vpow2.f32 v52;
	v48 =	vsub.f32 v48, v38  }
0x19d: {  	v49 =	vsub.f32 v49, v38;
	v60 =	vpop (erf);
	(erf) = vpow2.f32 v50;
	v63 =	vsub.f32 v51, v38  }
0x19e: {  	v54 =	vsub.f32 v55, v38;
	v40 =	vadd.f32 v47, v60;
	v61 =	vmul.f32 $1.442695020e+00, v48  }
0x19f: {  	v50 =	vsub.f32 v56, v38;
	v60 =	vpop (erf);
	v62 =	vmul.f32 $1.442695020e+00, v49;
	v46 =	vmul.f32 $1.442695020e+00, v63  }
0x1a0: {  	v47 =	vmul.f32 $1.442695020e+00, v54;
	v51 =	vadd.f32 v40, v60;
	v52 =	vsub.f32 v53, v20  }
0x1a1: {  	(erf) = vpow2.f32 v61;
	v55 =	vsub.f32 v53, v18;
	v59 =	vsub.f32 v53, v15  }
0x1a2: {  	v61 =	vsub.f32 v53, v8;
	(erf) = vpow2.f32 v62;
	v48 =	vmul.f32 v52, v52  }
0x1a3: {  	v63 =	vsub.f32 v53, v7;
	v49 =	vmul.f32 v55, v55;
	v62 =	vmul.f32 v59, v59  }
0x1a4: {  	v60 =	vsub.f32 v53, v5;
	v52 =	vmul.f32 v61, v61;
	v40 =	vmul.f32 v48, v21  }
0x1a5: {  	v61 =	vsub.f32 v53, v3;
	v49 =	vmul.f32 v49, v19;
	v48 =	vmul.f32 v62, v16  }
0x1a6: {  	v53 =	vsub.f32 v53, v4;
	v52 =	vmul.f32 v52, v10;
	v62 =	vmul.f32 v63, v63  }
0x1a7: {  	v58 =	vsub.f32 v58, v38;
	v63 =	vmul.f32 v60, v60;
	v60 =	vmul.f32 v61, v61  }
0x1a8: {  	v53 =	vmul.f32 v53, v53;
	v59 =	vadd.f32 v40, v24;
	v49 =	vadd.f32 v49, v22  }
0x1a9: {  	v48 =	vadd.f32 v48, v23;
	v40 =	vmul.f32 v62, v9;
	v54 =	vmul.f32 v63, v6  }
0x1aa: {  	v52 =	vadd.f32 v52, v13;
	v55 =	vmul.f32 v60, v2;
	v53 =	vmul.f32 v53, v1  }
0x1ab: {  	(erf) = vpow2.f32 v46;
	v46 =	vadd.f32 v40, v14;
	v54 =	vadd.f32 v54, v11  }
0x1ac: {  	v56 =	vpop (erf);
	(erf) = vpow2.f32 v47;
	v47 =	vadd.f32 v55, v12;
	v53 =	vadd.f32 v53, v17  }
0x1ad: {  	v45 =	vsub.f32 v45, v38;
	v55 =	vsub.f32 v57, v38;
	v61 =	vmax.f32 v59, v49  }
0x1ae: {  	v62 =	vmax.f32 v48, v52;
	v57 =	vmax.f32 v46, v54;
	v60 =	vmax.f32 v47, v53  }
0x1af: {  	v50 =	vmul.f32 $1.442695020e+00, v50;
	v40 =	vmax.f32 v61, v62;
	v57 =	vmax.f32 v57, v60  }
0x1b0: {  	v58 =	vmul.f32 $1.442695020e+00, v58;
	v60 =	vld.idx.msk [tilespmem:v0+s22+$0x4380 ss:$0x1], $0xffff;
	v40 =	vmax.f32 v40, v57  }
0x1b1: {  	v45 =	vmul.f32 $1.442695020e+00, v45;
	v55 =	vmul.f32 $1.442695020e+00, v55;
	v59 =	vsub.f32 v59, v40  }
0x1b2: {  	v49 =	vsub.f32 v49, v40;
	v48 =	vsub.f32 v48, v40;
	v57 =	vpop (erf);
	(erf) = vpow2.f32 v50  }
0x1b3: {  	v50 =	vpop (erf);
	(erf) = vpow2.f32 v55;
	v59 =	vmul.f32 $1.442695020e+00, v59  }
0x1b4: {  	v49 =	vmul.f32 $1.442695020e+00, v49;
	v61 =	vmul.f32 $1.442695020e+00, v48  }
0x1b5: {  	v55 =	vpop (erf);
	(erf) = vpow2.f32 v58;
	v20 =	vsub.f32 v60, v20;
	v18 =	vsub.f32 v60, v18  }
0x1b6: {  	v63 =	vsub.f32 v60, v15;
	v8 =	vsub.f32 v60, v8;
	v58 =	vpop (erf);
	(erf) = vpow2.f32 v45  }
0x1b7: {  	v7 =	vsub.f32 v60, v7;
	v5 =	vsub.f32 v60, v5;
	v45 =	vpop (erf);
	(erf) = vpow2.f32 v59  }
0x1b8: {  	v3 =	vsub.f32 v60, v3;
	v20 =	vmul.f32 v20, v20;
	v62 =	vmul.f32 v18, v18  }
0x1b9: {  	v4 =	vsub.f32 v60, v4;
	v63 =	vmul.f32 v63, v63;
	v8 =	vmul.f32 v8, v8  }
0x1ba: {  	v7 =	vmul.f32 v7, v7;
	v5 =	vmul.f32 v5, v5  }
0x1bb: {  	v44 =	vadd.f32 $8.254628050e-04, v44;
	v3 =	vmul.f32 v3, v3;
	v4 =	vmul.f32 v4, v4  }
0x1bc: {  	v59 =	vpop (erf);
	(erf) = vpow2.f32 v49;
	v20 =	vmul.f32 v20, v21  }
0x1bd: {  	v15 =	vadd.f32 v42, v44;
	v21 =	vpop (erf);
	(erf) = vpow2.f32 v61;
	v19 =	vmul.f32 v62, v19  }
0x1be: {  	v42 =	vsub.f32 v52, v40;
	v16 =	vmul.f32 v63, v16;
	v8 =	vmul.f32 v8, v10  }
0x1bf: {  	v7 =	vmul.f32 v7, v9;
	v5 =	vmul.f32 v5, v6  }
0x1c0: {  	v44 =	vsub.f32 v46, v40;
	v2 =	vmul.f32 v3, v2;
	v3 =	vmul.f32 $1.442695020e+00, v42  }
0x1c1: {  	v1 =	vmul.f32 v4, v1;
	v20 =	vadd.f32 v20, v24;
	v19 =	vadd.f32 v19, v22  }
0x1c2: {  	v6 =	vmul.f32 $1.442695020e+00, v44;
	v16 =	vadd.f32 v16, v23;
	v8 =	vadd.f32 v8, v13  }
0x1c3: {  	v7 =	vadd.f32 v7, v14;
	v4 =	vpop (erf);
	(erf) = vpow2.f32 v3;
	v5 =	vadd.f32 v5, v11  }
0x1c4: {  	v2 =	vadd.f32 v2, v12;
	v3 =	vpop (erf);
	(erf) = vpow2.f32 v6;
	v6 =	vadd.f32 v1, v17  }
0x1c5: {  	v18 =	vadd.f32 v51, v56;
	v1 =	vsub.f32 v47, v40;
	v48 =	vmax.f32 v20, v19  }
0x1c6: {  	v49 =	vmax.f32 v16, v8;
	v51 =	vmax.f32 v7, v5;
	v12 =	vmax.f32 v2, v6  }
0x1c7: {  	v46 =	vsub.f32 v54, v40;
	v10 =	vmax.f32 v48, v49;
	v11 =	vmax.f32 v51, v12  }
0x1c8: {  	v53 =	vsub.f32 v53, v40;
	v52 =	vpop (erf);
	v60 =	vmul.f32 $1.442695020e+00, v1;
	v1 =	vmax.f32 v10, v11  }
0x1c9: {  	v9 =	vmul.f32 $1.442695020e+00, v46;
	v54 =	vpop (erf);
	v11 =	vsub.f32 v20, v1  }
0x1ca: {  	v56 =	vshra.s32 v39, $0x17;
	v39 =	vadd.f32 v50, v57;
	v62 =	vmul.f32 $1.442695020e+00, v53;
	v61 =	vpop (erf)  }
0x1cb: {  	v44 =	vadd.f32 $8.254628050e-04, v41;
	(erf) = vpow2.f32 v9;
	v63 =	vpop (erf);
	v19 =	vsub.f32 v19, v1  }
0x1cc: {  	v49 =	vand.u32 $0x7FFFFF, v18;
	(erf) = vpow2.f32 v60;
	v22 =	vpop (erf);
	v42 =	vmul.f32 $1.442695020e+00, v11  }
0x1cd: {  	(erf) = vpow2.f32 v62;
	v16 =	vsub.f32 v16, v1;
	v19 =	vmul.f32 $1.442695020e+00, v19;
	v11 =	vpop (erf)  }
0x1ce: {  	v23 =	vor.u32 $0x3F800000, v49;
	v3 =	vadd.f32 v52, v3;
	v46 =	vpop (erf);
	(erf) = vpow2.f32 v42  }
0x1cf: {  	v8 =	vsub.f32 v8, v1;
	v16 =	vmul.f32 $1.442695020e+00, v16;
	v47 =	vpop (erf);
	(erf) = vpow2.f32 v19  }
0x1d0: {  	v23 =	vadd.f32 $-1.000000000e+00, v23;
	v3 =	vadd.f32 v3, v54;
	v48 =	vpop (erf)  }
0x1d1: {  	v7 =	vsub.f32 v7, v1;
	v8 =	vmul.f32 $1.442695020e+00, v8;
	(erf) = vpow2.f32 v16;
	v50 =	vpop (erf)  }
0x1d2: {  	v20 =	vadd.f32 v39, v55;
	v5 =	vsub.f32 v5, v1;
	v51 =	vpop (erf)  }
0x1d3: {  	v3 =	vadd.f32 v3, v61;
	v7 =	vmul.f32 $1.442695020e+00, v7;
	v52 =	vpop (erf);
	(erf) = vpow2.f32 v8  }
0x1d4: {  	v17 =	vadd.s32 $0xFFFFFF81, v56;
	v2 =	vsub.f32 v2, v1;
	v20 =	vadd.f32 v20, v58;
	v53 =	vpop (erf)  }
0x1d5: {  	v5 =	vmul.f32 $1.442695020e+00, v5;
	v3 =	vadd.f32 v3, v63;
	(erf) = vpow2.f32 v7;
	v54 =	vpop (erf)  }
0x1d6: {  	v56 =	vmul.f32 $1.527002900e-01, v23;
	v2 =	vmul.f32 $1.442695020e+00, v2;
	v58 =	vsub.f32 v6, v1;
	v55 =	vpop (erf)  }
0x1d7: {  	v20 =	vadd.f32 v20, v45;
	v3 =	vadd.f32 v3, v22;
	v57 =	vpop (erf);
	(erf) = vpow2.f32 v5  }
0x1d8: {  	v9 =	vadd.f32 v48, v47;
	v60 =	vpop (erf);
	(erf) = vpow2.f32 v2;
	v2 =	vmul.f32 $1.442695020e+00, v58  }
0x1d9: {  	v17 =	vcvt.s32.f32 v17;
	v20 =	vadd.f32 v20, v59;
	v10 =	vadd.f32 v60, v57  }
0x1da: {  	v59 =	vadd.f32 $-5.687040690e-01, v56;
	v9 =	vadd.f32 v9, v50;
	v62 =	vpop (erf)  }
0x1db: {  	v17 =	vadd.f32 v17, v44;
	(erf) = vpow2.f32 v2;
	v10 =	vadd.f32 v10, v62  }
0x1dc: {  	v3 =	vadd.f32 v3, v11;
	v6 =	vmul.f32 v59, v23;
	v9 =	vadd.f32 v9, v51;
	v2 =	vpop (erf)  }
0x1dd: {  	v63 =	vmul.f32 $6.931471820e-01, v43;
	v61 =	vadd.f32 v20, v21;
	v2 =	vadd.f32 v10, v2  }
0x1de: {  	v22 =	vshra.s32 v18, $0x17;
	v6 =	vadd.f32 $1.415653230e+00, v6;
	v21 =	vadd.f32 v9, v52;
	v20 =	vpop (erf)  }
0x1df: {  	v3 =	vadd.f32 v3, v46;
	v46 =	vmul.f32 $6.931471820e-01, v15;
	v2 =	vadd.f32 v2, v20  }
0x1e0: {  	v4 =	vadd.f32 v61, v4;
	v6 =	vmul.f32 v6, v23;
	v5 =	vadd.f32 v21, v53;
	v23 =	vpop (erf)  }
0x1e1: {  	v14 =	vadd.f32 v63, v30;
	v43 =	vand.u32 $0x7FFFFF, v3;
	v2 =	vadd.f32 v2, v23  }
0x1e2: {  	v12 =	vadd.f32 v46, v31;
	v39 =	vand.u32 $0x7FFFFF, v4;
	v5 =	vadd.f32 v5, v54;
	v42 =	vpop (erf)  }
0x1e3: {  	v11 =	vor.u32 $0x3F800000, v43;
	v41 =	vor.u32 $0x3F800000, v39;
	v2 =	vadd.f32 v2, v42  }
0x1e4: {  	v9 =	vadd.s32 $0xFFFFFF81, v22;
	v8 =	vadd.f32 $-1.000000000e+00, v41;
	v5 =	vadd.f32 v5, v55;
	v45 =	vpop (erf)  }
0x1e5: {  	v6 =	vadd.f32 $8.254628050e-04, v6;
	v9 =	vcvt.s32.f32 v9;
	v2 =	vadd.f32 v2, v45  }
0x1e6: {  	v11 =	vadd.f32 $-1.000000000e+00, v11;
	v44 =	vmul.f32 $1.527002900e-01, v8;
	v48 =	vand.u32 $0x7FFFFF, v5  }
0x1e7: {  	v6 =	vadd.f32 v9, v6;
	v9 =	vor.u32 $0x3F800000, v48;
	v50 =	vand.u32 $0x7FFFFF, v2  }
0x1e8: {  	v47 =	vadd.f32 $-5.687040690e-01, v44;
	v9 =	vadd.f32 $-1.000000000e+00, v9;
	v13 =	vor.u32 $0x3F800000, v50  }
0x1e9: {  	v51 =	vmul.f32 $6.931471820e-01, v17;
	v49 =	vmul.f32 $1.527002900e-01, v11;
	v13 =	vadd.f32 $-1.000000000e+00, v13  }
0x1ea: {  	v3 =	vshra.s32 v3, $0x17;
	v7 =	vmul.f32 v47, v8;
	v52 =	vmul.f32 $1.527002900e-01, v9  }
0x1eb: {  	v4 =	vshra.s32 v4, $0x17;
	v10 =	vadd.f32 $-5.687040690e-01, v49;
	v53 =	vmul.f32 $1.527002900e-01, v13  }
0x1ec: {  	v3 =	vadd.s32 $0xFFFFFF81, v3;
	v7 =	vadd.f32 $1.415653230e+00, v7;
	v54 =	vadd.f32 $-5.687040690e-01, v52  }
0x1ed: {  	v3 =	vcvt.s32.f32 v3;
	v10 =	vmul.f32 v10, v11;
	v55 =	vadd.f32 $-5.687040690e-01, v53  }
0x1ee: {  	[tilespmem:v0+s22+$0x80 ss:$0x1] =	vst.idx.msk $0xffff, v26;
	v4 =	vadd.s32 $0xFFFFFF81, v4;
	v7 =	vmul.f32 v7, v8;
	v8 =	vmul.f32 v54, v9  }
0x1ef: {  	[tilespmem:v0+s22+$0x100 ss:$0x1] =	vst.idx.msk $0xffff, v28;
	v4 =	vcvt.s32.f32 v4;
	v10 =	vadd.f32 $1.415653230e+00, v10;
	v56 =	vmul.f32 v55, v13  }
0x1f0: {  	[tilespmem:v0+s22+$0x0 ss:$0x1] =	vst.idx.msk $0xffff, v25;
	v6 =	vmul.f32 $6.931471820e-01, v6;
	v7 =	vadd.f32 $8.254628050e-04, v7;
	v57 =	vadd.f32 $1.415653230e+00, v8  }
0x1f1: {  	[tilespmem:v0+s22+$0x180 ss:$0x1] =	vst.idx.msk $0xffff, v27;
	v5 =	vshra.s32 v5, $0x17;
	v10 =	vmul.f32 v10, v11;
	v59 =	vadd.f32 $1.415653230e+00, v56  }
0x1f2: {  	[tilespmem:v0+s22+$0x200 ss:$0x1] =	vst.idx.msk $0xffff, v29;
	v5 =	vadd.s32 $0xFFFFFF81, v5;
	v4 =	vadd.f32 v4, v7;
	v7 =	vmul.f32 v57, v9  }
0x1f3: {  	[tilespmem:v0+s22+$0x280 ss:$0x1] =	vst.idx.msk $0xffff, v33;
	v58 =	vadd.f32 $8.254628050e-04, v10;
	v2 =	vshra.s32 v2, $0x17;
	v60 =	vmul.f32 v59, v13  }
0x1f4: {  	[tilespmem:v0+s22+$0x300 ss:$0x1] =	vst.idx.msk $0xffff, v34;
	v5 =	vcvt.s32.f32 v5;
	v2 =	vadd.s32 $0xFFFFFF81, v2;
	v7 =	vadd.f32 $8.254628050e-04, v7  }
0x1f5: {  	[tilespmem:v0+s22+$0x380 ss:$0x1] =	vst.idx.msk $0xffff, v36;
	v3 =	vadd.f32 v3, v58;
	v2 =	vcvt.s32.f32 v2;
	v61 =	vadd.f32 $8.254628050e-04, v60  }
0x1f6: {  	[tilespmem:v0+s22+$0x4000 ss:$0x1] =	vst.idx.msk $0xffff, v14;
	v62 =	vadd.f32 v51, v32;
	v4 =	vmul.f32 $6.931471820e-01, v4;
	v5 =	vadd.f32 v5, v7  }
0x1f7: {  	s19 =	sadd.s32 $0x10, s19;
	[tilespmem:v0+s22+$0x4080 ss:$0x1] =	vst.idx.msk $0xffff, v12;
	v6 =	vadd.f32 v6, v35;
	v3 =	vmul.f32 $6.931471820e-01, v3;
	v2 =	vadd.f32 v2, v61  }
0x1f8: {  	p2 =	sne.s32 s19, $0x0;
	[tilespmem:v0+s22+$0x4100 ss:$0x1] =	vst.idx.msk $0xffff, v62;
	v4 =	vadd.f32 v4, v37;
	v5 =	vmul.f32 $6.931471820e-01, v5  }
.Ltmp0:
0x1f9: {  	[tilespmem:v0+s22+$0x4180 ss:$0x1] =	vst.idx.msk $0xffff, v6;
	v3 =	vadd.f32 v3, v38;
	v2 =	vmul.f32 $6.931471820e-01, v2;
	(pc) =	sbr.rel @p2 .LBB2_3-.Ltmp0, $4  }
0x1fa: {  	[tilespmem:v0+s22+$0x4200 ss:$0x1] =	vst.idx.msk $0xffff, v4;
	v63 =	vadd.f32 v5, v40  }
0x1fb: {  	[tilespmem:v0+s22+$0x4280 ss:$0x1] =	vst.idx.msk $0xffff, v3;
	v1 =	vadd.f32 v2, v1  }
0x1fc: {  	[tilespmem:v0+s22+$0x4300 ss:$0x1] =	vst.idx.msk $0xffff, v63  }
0x1fd: {  	s20 =	sadd.s32 $0x1, s20;
	s21 =	sadd.s32 $0x80, s21;
	[tilespmem:v0+s22+$0x4380 ss:$0x1] =	vst.idx.msk $0xffff, v1  }
0x1fe: {  	p0 =	sne.s32 s12, $0x8  }
.Ltmp1:
0x1ff: {  	_ = 	snop;
	(pc) =	sbr.rel @p0 .LBB2_2-.Ltmp1, $4  }
0x200: {  	s11 =	sshll.u32 s11, $0xC  }
0x201: {  	s13 =	sadd.s32 $0x3, s13;
	s11 =	sadd.s32 s11, s5  }
0x202: {  	[hbm4b:s11+s3] =	stream.linear.scatter [tilespmem:s15], [sflag:s13], $0x8000, $0x38;
	[tilespmem:$0x1C000] =	vst v63  }
0x203: {  	s11 =	smov.u32 s12  }
0x204: {  	s10 =	sadd.s32 $0x1, s10  }
0x205: {  	p0 =	sne.s32 s10, s6  }
.Ltmp2:
0x206: {  	_ = 	snop;
	(pc) =	sbr.rel @p0 .LBB2_1-.Ltmp2, $4  }
0x207: {  	_ = 	snop  }
0x208: {  	_ =	swait.ge [sflag:s9], $0x8000  }
0x209: {  	[sflag:s9] =	ssyncset.done $0x0  }
0x20a: {  	[sflag:s9] =	ssyncadd.s32 $0xFFFF8000  }
0x20b: {  	_ =	sfence.sel $0x180000  }
0x20c: {  	[bflag:$0x0] =	sbarrier.arrive $0xFFFF  }
0x20d: {  	p0 =	sne.s32 s2, $0x0;
	_ =	strace $0x90000047  }
0x20e: {  	s0 =	sadd.s32 @!p0 $0x100000, s0;
	[bflag:$0x2] =	sbarrier.arrive $0xFFFF  }
0x20f: {  	[sflag:s0] =	ssyncadd.tile.s32 @!p0 $0x1;
	_ =	shalt  }
.Lfunc_end2:
_tile_overlayer_lowered:
.L_overlay_start_2:
0x210: {  	(tag) =	ssettag $0x2  }
0x211: {  	s0 =	rddreg [dreg:$0x0];
	s2 =	stileid.u32  }
0x212: {  	s1 =	rddreg [dreg:$0x1];
	p0 =	sne.s32 s2, $0x0  }
0x213: {  	s3 =	rddreg [dreg:$0x2];
	[bflag:$0x3] =	sbarrier.arrive $0xFFFF;
	s2 =	simm.s32 @!p0 $0x1C05  }
0x214: {  	[timem:s3], [sflag:s2] =	dma.local @!p0 [hbm:s0], s1  }
0x215: {  	s0 =	simm.s32 @!p0 $0x5  }
0x216: {  	_ =	swait.ge @!p0 [sflag:s0], s1  }
0x217: {  	s1 =	ssub.s32 @!p0 $0x0, s1;
	[sflag:s0] =	ssyncset.done @!p0 $0x0  }
0x218: {  	[sflag:s0] =	ssyncadd.s32 @!p0 s1  }
0x219: {  	[bflag:$0x3] =	sbarrier.arrive $0xFFFF  }
0x21a: {  	_ =	shalt  }

</sc_bundles>
